<compile_context>
chip_gen: v7x
topology: tpu7x:2x2x1
jax: 0.10.2.dev20260603
libtpu: 0.0.44.dev20260713+nightly
codegen_flags: <defaults>
</compile_context>

<pallas_src>
import functools

import jax
import jax.numpy as jnp
from jax import lax
from jax.experimental import pallas as pl
from jax.experimental.pallas import tpu as pltpu
from jax.experimental.pallas import tpu_sc as plsc

N = 10000
D = 128
E = 320000
NPAD = 10240
RPT = NPAD // 16
CHS = (128, 128, 128, 128, 128)
NC, NS = 2, 16
NW = NC * NS
K = 128
NB = 79
EP = NW * NB * K
RB = 2560
MLP_HID = 200
MLP_PAD = 256
BN_EPS = 1e-5

_mesh = plsc.VectorSubcoreMesh(
    core_axis_name="c", subcore_axis_name="s", num_cores=NC, num_subcores=NS)


def _sc_body_segsum(p_hbm, srcb, dstb, z128,
                    part,
                    acc, src0, src1, dst0, dst1, rows0, isem0, isem1, sem0):
    c = lax.axis_index("c")
    s = lax.axis_index("s")
    wid = s * NC + c
    r0 = s * RPT
    pltpu.sync_copy(z128, rows0)
    off = 0
    for ch in CHS:
        pltpu.sync_copy(rows0.at[pl.ds(0, ch)], acc.at[pl.ds(r0 + off, ch)])
        off += ch
    plsc.subcore_barrier()

    bufs = ((src0, dst0, isem0), (src1, dst1, isem1))

    def fire_idx(j, b):
        src_b, dst_b, isem_b = bufs[b]
        pltpu.async_copy(srcb.at[wid, j], src_b, isem_b)
        pltpu.async_copy(dstb.at[wid, j], dst_b, isem_b)

    fire_idx(0, 0)
    fire_idx(1, 1)

    @pl.loop(0, NB)
    def _batch(j):
        for b in range(2):

            @pl.when(lax.rem(j, 2) == b)
            def _():
                src_b, dst_b, isem_b = bufs[b]
                pltpu.make_async_copy(srcb.at[wid, j], src_b, isem_b).wait()
                pltpu.make_async_copy(dstb.at[wid, j], dst_b, isem_b).wait()
                pltpu.async_copy(p_hbm.at[src_b], rows0, sem0).wait()
                pltpu.sync_copy(rows0, acc.at[dst_b], add=True)

                @pl.when(j + 2 < NB)
                def _():
                    fire_idx(j + 2, b)

    plsc.subcore_barrier()
    off = 0
    for ch in CHS:
        pltpu.sync_copy(acc.at[pl.ds(r0 + off, ch)], rows0.at[pl.ds(0, ch)])
        pltpu.sync_copy(rows0.at[pl.ds(0, ch)],
                        part.at[c, pl.ds(r0 + off, ch)])
        off += ch


def _sc_body_deg(dstb, z128, onesb,
                 degp,
                 dacc, dst0, dst1, w_v, isem0, isem1):
    c = lax.axis_index("c")
    s = lax.axis_index("s")
    wid = s * NC + c
    r0 = s * RPT
    pltpu.sync_copy(z128, w_v)
    off = 0
    for ch in CHS:
        pltpu.sync_copy(w_v.at[pl.ds(0, ch)], dacc.at[pl.ds(r0 + off, ch)])
        off += ch
    pltpu.sync_copy(onesb, w_v)
    plsc.subcore_barrier()

    dbufs = ((dst0, isem0), (dst1, isem1))
    pltpu.async_copy(dstb.at[wid, 0], dst0, isem0)
    pltpu.async_copy(dstb.at[wid, 1], dst1, isem1)

    @pl.loop(0, NB)
    def _batch(j):
        for b in range(2):

            @pl.when(lax.rem(j, 2) == b)
            def _():
                dst_b, isem_b = dbufs[b]
                pltpu.make_async_copy(dstb.at[wid, j], dst_b, isem_b).wait()
                pltpu.sync_copy(w_v, dacc.at[dst_b], add=True)

                @pl.when(j + 2 < NB)
                def _():
                    pltpu.async_copy(dstb.at[wid, j + 2], dst_b, isem_b)

    plsc.subcore_barrier()
    off = 0
    for ch in CHS:
        pltpu.sync_copy(dacc.at[pl.ds(r0 + off, ch)], w_v.at[pl.ds(0, ch)])
        pltpu.sync_copy(w_v.at[pl.ds(0, ch)],
                        degp.at[c, pl.ds(r0 + off, ch)])
        off += ch


_segsum = functools.partial(
    pl.kernel,
    out_type=jax.ShapeDtypeStruct((NC, NPAD, D), jnp.float32),
    mesh=_mesh,
    scratch_types=[
        pltpu.VMEM_SHARED((NPAD, D), jnp.float32),
        pltpu.VMEM((K,), jnp.int32),
        pltpu.VMEM((K,), jnp.int32),
        pltpu.VMEM((K,), jnp.int32),
        pltpu.VMEM((K,), jnp.int32),
        pltpu.VMEM((K, D), jnp.float32),
        pltpu.SemaphoreType.DMA,
        pltpu.SemaphoreType.DMA,
        pltpu.SemaphoreType.DMA,
    ],
)(_sc_body_segsum)

_degree = functools.partial(
    pl.kernel,
    out_type=jax.ShapeDtypeStruct((NC, NPAD, D), jnp.float32),
    mesh=_mesh,
    scratch_types=[
        pltpu.VMEM_SHARED((NPAD, D), jnp.float32),
        pltpu.VMEM((K,), jnp.int32),
        pltpu.VMEM((K,), jnp.int32),
        pltpu.VMEM((K, D), jnp.float32),
        pltpu.SemaphoreType.DMA,
        pltpu.SemaphoreType.DMA,
    ],
)(_sc_body_deg)


def _mm_body(x_ref, w_ref, o_ref):
    o_ref[...] = jnp.dot(x_ref[...], w_ref[...],
                         preferred_element_type=jnp.float32)


def _matmul(x, w):
    return pl.pallas_call(
        _mm_body,
        grid=(NPAD // RB,),
        in_specs=[pl.BlockSpec((RB, D), lambda i: (i, 0)),
                  pl.BlockSpec((D, D), lambda i: (0, 0))],
        out_specs=pl.BlockSpec((RB, D), lambda i: (i, 0)),
        out_shape=jax.ShapeDtypeStruct((NPAD, D), jnp.float32),
    )(x, w)


def _combine_body(pa_ref, pb_ref, p_ref, da_ref, db_ref, b_ref, w_ref, o_ref):
    deg = da_ref[:, 0:1] + db_ref[:, 0:1] + 2.0
    s = pa_ref[...] + pb_ref[...] + 2.0 * p_ref[...]
    h = jnp.maximum(s / deg + b_ref[...], 0.0)
    o_ref[...] = jnp.dot(h, w_ref[...], preferred_element_type=jnp.float32)


def _combine_mm(pa, pb, p, da, db, b, w):
    return pl.pallas_call(
        _combine_body,
        grid=(NPAD // RB,),
        in_specs=[pl.BlockSpec((RB, D), lambda i: (i, 0)),
                  pl.BlockSpec((RB, D), lambda i: (i, 0)),
                  pl.BlockSpec((RB, D), lambda i: (i, 0)),
                  pl.BlockSpec((RB, D), lambda i: (i, 0)),
                  pl.BlockSpec((RB, D), lambda i: (i, 0)),
                  pl.BlockSpec((1, D), lambda i: (0, 0)),
                  pl.BlockSpec((D, D), lambda i: (0, 0))],
        out_specs=pl.BlockSpec((RB, D), lambda i: (i, 0)),
        out_shape=jax.ShapeDtypeStruct((NPAD, D), jnp.float32),
    )(pa, pb, p, da, db, b, w)


def _head_body(pa_ref, pb_ref, p_ref, da_ref, db_ref, b_ref,
               wm1_ref, bm1_ref, g_ref, beta_ref, wm2_ref, bm2_ref, o_ref):
    deg = da_ref[:, 0:1] + db_ref[:, 0:1] + 2.0
    s = pa_ref[...] + pb_ref[...] + 2.0 * p_ref[...]
    h2 = jnp.maximum(s / deg + b_ref[...], 0.0)
    y = jnp.maximum(jnp.dot(h2, wm1_ref[...],
                            preferred_element_type=jnp.float32)
                    + bm1_ref[...], 0.0)
    y = y * (g_ref[...] * (1.0 / jnp.sqrt(1.0 + BN_EPS))) + beta_ref[...]
    o_ref[...] = jnp.dot(y, wm2_ref[...],
                         preferred_element_type=jnp.float32) + bm2_ref[...]


def _head(pa, pb, p, da, db, b, wm1, bm1, g, beta, wm2, bm2):
    return pl.pallas_call(
        _head_body,
        grid=(NPAD // RB,),
        in_specs=[pl.BlockSpec((RB, D), lambda i: (i, 0)),
                  pl.BlockSpec((RB, D), lambda i: (i, 0)),
                  pl.BlockSpec((RB, D), lambda i: (i, 0)),
                  pl.BlockSpec((RB, D), lambda i: (i, 0)),
                  pl.BlockSpec((RB, D), lambda i: (i, 0)),
                  pl.BlockSpec((1, D), lambda i: (0, 0)),
                  pl.BlockSpec((D, MLP_PAD), lambda i: (0, 0)),
                  pl.BlockSpec((1, MLP_PAD), lambda i: (0, 0)),
                  pl.BlockSpec((1, MLP_PAD), lambda i: (0, 0)),
                  pl.BlockSpec((1, MLP_PAD), lambda i: (0, 0)),
                  pl.BlockSpec((MLP_PAD, 2), lambda i: (0, 0)),
                  pl.BlockSpec((1, 2), lambda i: (0, 0))],
        out_specs=pl.BlockSpec((RB, 2), lambda i: (i, 0)),
        out_shape=jax.ShapeDtypeStruct((NPAD, 2), jnp.float32),
    )(pa, pb, p, da, db, b, wm1, bm1, g, beta, wm2, bm2)


def kernel(features, W1, b1, W2, b2, Wm1, bm1, gamma, beta, Wm2, bm2,
           edge_index):
    feats = jnp.zeros((NPAD, D), jnp.float32).at[:N].set(features)
    src = edge_index[0]
    dst = edge_index[1]
    pad = EP - E
    srcb = jnp.concatenate(
        [src, jnp.zeros((pad,), jnp.int32)]).reshape(NW, NB, K)
    dstb = jnp.concatenate(
        [dst, jnp.full((pad,), N, jnp.int32)]).reshape(NW, NB, K)
    z128 = jnp.zeros((128, D), jnp.float32)
    onesb = jnp.ones((K, D), jnp.float32)

    b1r = b1.reshape(1, D)
    b2r = b2.reshape(1, D)
    wm1p = jnp.zeros((D, MLP_PAD), jnp.float32).at[:, :MLP_HID].set(Wm1)
    bm1p = jnp.zeros((1, MLP_PAD), jnp.float32).at[:, :MLP_HID].set(bm1)
    gp = jnp.zeros((1, MLP_PAD), jnp.float32).at[:, :MLP_HID].set(gamma)
    betap = jnp.zeros((1, MLP_PAD), jnp.float32).at[:, :MLP_HID].set(beta)
    wm2p = jnp.zeros((MLP_PAD, 2), jnp.float32).at[:MLP_HID].set(Wm2)
    bm2r = bm2.reshape(1, 2)

    p1 = _matmul(feats, W1)
    degp = _degree(dstb, z128, onesb)
    part1 = _segsum(p1, srcb, dstb, z128)
    p2 = _combine_mm(part1[0], part1[1], p1, degp[0], degp[1], b1r, W2)
    part2 = _segsum(p2, srcb, dstb, z128)
    pred = _head(part2[0], part2[1], p2, degp[0], degp[1], b2r,
                 wm1p, bm1p, gp, betap, wm2p, bm2r)
    return pred[:N]

# --- scband reference (transcript-rebuilt; emitter-appended) ---
"""Pipeline reference for scband-graphsage-70153995813502 (READ-ONLY COPY).

The authoritative reference and input builder live on the scoring server;
editing this copy changes nothing except your own understanding.
"""

import jax, jax.numpy as jnp
import numpy as np

N = 10000
E = 320000
D_IN = 128
D_HID = 128
MLP_HID = 200
N_CLASSES = 2
BN_EPS = 1e-5


def _linear_init(key, fan_in, fan_out):
    lim = 1.0 / np.sqrt(fan_in)
    kw, kb = jax.random.split(key)
    W = jax.random.uniform(kw, (fan_in, fan_out), minval=-lim, maxval=lim, dtype=jnp.float32)
    b = jax.random.uniform(kb, (fan_out,), minval=-lim, maxval=lim, dtype=jnp.float32)
    return W, b


def setup_inputs(seed: int = 0) -> dict:
    key = jax.random.key(seed)
    ks = jax.random.split(key, 8)
    features = jax.random.normal(ks[0], (N, D_IN), dtype=jnp.float32)
    edge_index = jax.random.randint(ks[1], (2, E), 0, N, dtype=jnp.int32)
    W1, b1 = _linear_init(ks[2], D_IN, D_HID)
    W2, b2 = _linear_init(ks[3], D_HID, D_HID)
    Wm1, bm1 = _linear_init(ks[4], D_HID, MLP_HID)
    Wm2, bm2 = _linear_init(ks[5], MLP_HID, N_CLASSES)
    gamma = jnp.ones((MLP_HID,), dtype=jnp.float32)
    beta = jnp.zeros((MLP_HID,), dtype=jnp.float32)
    return {
        "features": features,
        "W1": W1, "b1": b1,
        "W2": W2, "b2": b2,
        "Wm1": Wm1, "bm1": bm1,
        "gamma": gamma, "beta": beta,
        "Wm2": Wm2, "bm2": bm2,
        "edge_index": edge_index,
    }


def _sage_gcn_layer(h, src, dst, W, b, n):
    # DGL SAGEConv, aggregator_type='gcn':
    #   neigh = sum_{u in N(v)} h_u  (graph already has self-loops added)
    #   h_neigh = (neigh + h_v) / (in_deg(v) + 1)
    #   out = relu(h_neigh @ W + b)   (gcn aggregator has no fc_self)
    neigh = jax.ops.segment_sum(h[src], dst, num_segments=n)
    deg = jax.ops.segment_sum(jnp.ones((src.shape[0],), dtype=h.dtype), dst, num_segments=n)
    h_neigh = (neigh + h) / (deg[:, None] + 1.0)
    return jax.nn.relu(h_neigh @ W + b)


def reference(features, W1, b1, W2, b2, Wm1, bm1, gamma, beta, Wm2, bm2, edge_index):
    n = features.shape[0]
    # g = dgl.add_self_loop(g)
    self_idx = jnp.arange(n, dtype=edge_index.dtype)
    src = jnp.concatenate([edge_index[0], self_idx])
    dst = jnp.concatenate([edge_index[1], self_idx])
    h = features
    # layer 1 (+ dropout = identity in eval)
    h = _sage_gcn_layer(h, src, dst, W1, b1, n)
    # layer 2
    h = _sage_gcn_layer(h, src, dst, W2, b2, n)
    # MLPPredictor (eval mode): Dropout -> Linear -> ReLU -> BatchNorm1d(running stats) -> Linear
    y = jax.nn.relu(h @ Wm1 + bm1)
    # BN in eval with running_mean=0, running_var=1
    y = (y - 0.0) / jnp.sqrt(1.0 + BN_EPS) * gamma + beta
    pred = y @ Wm2 + bm2
    return pred

if __name__ == "__main__":
    import jax
    _d = setup_inputs()
    print(jax.jit(kernel)(*tuple(_d.values())))

</pallas_src>

<mosaic_0001>
#map = affine_map<(d0, d1) -> (0, 0)>
#map1 = affine_map<(d0, d1) -> (0, 0, 0)>
module attributes {stable_mosaic.version = 14 : i64} {
  func.func @_sc_body_segsum(%arg0: i32, %arg1: i32, %arg2: memref<10240x128xf32, #tpu.memory_space<hbm>>, %arg3: memref<32x79x128xi32, #tpu.memory_space<hbm>>, %arg4: memref<32x79x128xi32, #tpu.memory_space<hbm>>, %arg5: memref<128x128xf32, #tpu.memory_space<hbm>>, %arg6: memref<2x10240x128xf32, #tpu.memory_space<hbm>>, %arg7: memref<10240x128xf32, #tpu.memory_space<vmem_shared>>, %arg8: memref<128xi32, #tpu.memory_space<vmem>>, %arg9: memref<128xi32, #tpu.memory_space<vmem>>, %arg10: memref<128xi32, #tpu.memory_space<vmem>>, %arg11: memref<128xi32, #tpu.memory_space<vmem>>, %arg12: memref<128x128xf32, #tpu.memory_space<vmem>>, %arg13: memref<!tpu.dma_semaphore, #tpu.memory_space<semaphore_mem>>, %arg14: memref<!tpu.dma_semaphore, #tpu.memory_space<semaphore_mem>>, %arg15: memref<!tpu.dma_semaphore, #tpu.memory_space<semaphore_mem>>) attributes {dimension_semantics = [#tpu.dimension_semantics<core_parallel>, #tpu.dimension_semantics<subcore_parallel>], iteration_bounds = array<i64: 2, 16>, scalar_prefetch = 0 : i64, scratch_operands = 9 : i64, tpu.core_type = #tpu.core_type<sc_vector_subcore>, window_params = [{transform_indices = #map}, {transform_indices = #map1}, {transform_indices = #map1}, {transform_indices = #map}, {transform_indices = #map1}]} {
    %mul3A = arith.constant 2 : i32
    %mul3A_0 = arith.muli %arg1, %mul3A : i32
    %add3A = arith.addi %mul3A_0, %arg0 : i32
    %mul3A_1 = arith.constant 640 : i32
    %mul3A_2 = arith.muli %arg1, %mul3A_1 : i32
    "tpu.region"() ({
      %run_scoped3A = tpu.sem_alloc : memref<!tpu.dma_semaphore, #tpu.memory_space<semaphore_mem>>
      tpu.enqueue_dma source(%arg5 : memref<128x128xf32, #tpu.memory_space<hbm>>) target(%arg12 : memref<128x128xf32, #tpu.memory_space<vmem>>) target_semaphore(%run_scoped3A : memref<!tpu.dma_semaphore, #tpu.memory_space<semaphore_mem>>)
      tpu.wait_dma2 semaphore(%run_scoped3A : memref<!tpu.dma_semaphore, #tpu.memory_space<semaphore_mem>>) src(%arg5 : memref<128x128xf32, #tpu.memory_space<hbm>>) dst(%arg12 : memref<128x128xf32, #tpu.memory_space<vmem>>)
      tpu.yield
    }) : () -> ()
    %add3A_3 = arith.constant 0 : i32
    %add3A_4 = arith.addi %mul3A_2, %add3A_3 : i32
    "tpu.region"() ({
      %run_scoped3A = tpu.sem_alloc : memref<!tpu.dma_semaphore, #tpu.memory_space<semaphore_mem>>
      %dma_start3A_65 = arith.constant 0 : i32
      %dma_start3A_66 = arith.constant 0 : i32
      %dma_start3A_67 = tpu.memref_slice %arg12[%dma_start3A_65, %dma_start3A_66] : memref<128x128xf32, #tpu.memory_space<vmem>> -> memref<128x128xf32, #tpu.memory_space<vmem>>
      %dma_start3A_68 = arith.constant 0 : i32
      %dma_start3A_69 = tpu.memref_slice %arg7[%add3A_4, %dma_start3A_68] : memref<10240x128xf32, #tpu.memory_space<vmem_shared>> -> memref<128x128xf32, #tpu.memory_space<vmem_shared>>
      %dma_start3A_70 = arith.constant 0 : i32
      %dma_start3A_71 = tpu.memref_slice %arg7[%add3A_4, %dma_start3A_70] : memref<10240x128xf32, #tpu.memory_space<vmem_shared>> -> memref<128x128xf32, #tpu.memory_space<vmem_shared>>
      %dma_start3A_72 = arith.constant 0 : i32
      %dma_start3A_73 = arith.constant 0 : i32
      %dma_start3A_74 = tpu.memref_slice %arg12[%dma_start3A_72, %dma_start3A_73] : memref<128x128xf32, #tpu.memory_space<vmem>> -> memref<128x128xf32, #tpu.memory_space<vmem>>
      tpu.enqueue_dma source(%dma_start3A_74 : memref<128x128xf32, #tpu.memory_space<vmem>>) target(%dma_start3A_71 : memref<128x128xf32, #tpu.memory_space<vmem_shared>>) target_semaphore(%run_scoped3A : memref<!tpu.dma_semaphore, #tpu.memory_space<semaphore_mem>>)
      %dma_wait3A = arith.constant 0 : i32
      %dma_wait3A_75 = arith.constant 0 : i32
      %dma_wait3A_76 = tpu.memref_slice %arg12[%dma_wait3A, %dma_wait3A_75] : memref<128x128xf32, #tpu.memory_space<vmem>> -> memref<128x128xf32, #tpu.memory_space<vmem>>
      %dma_wait3A_77 = arith.constant 0 : i32
      %dma_wait3A_78 = tpu.memref_slice %arg7[%add3A_4, %dma_wait3A_77] : memref<10240x128xf32, #tpu.memory_space<vmem_shared>> -> memref<128x128xf32, #tpu.memory_space<vmem_shared>>
      %dma_wait3A_79 = arith.constant 0 : i32
      %dma_wait3A_80 = tpu.memref_slice %arg7[%add3A_4, %dma_wait3A_79] : memref<10240x128xf32, #tpu.memory_space<vmem_shared>> -> memref<128x128xf32, #tpu.memory_space<vmem_shared>>
      %dma_wait3A_81 = arith.constant 0 : i32
      %dma_wait3A_82 = arith.constant 0 : i32
      %dma_wait3A_83 = tpu.memref_slice %arg12[%dma_wait3A_81, %dma_wait3A_82] : memref<128x128xf32, #tpu.memory_space<vmem>> -> memref<128x128xf32, #tpu.memory_space<vmem>>
      tpu.wait_dma2 semaphore(%run_scoped3A : memref<!tpu.dma_semaphore, #tpu.memory_space<semaphore_mem>>) src(%dma_wait3A_83 : memref<128x128xf32, #tpu.memory_space<vmem>>) dst(%dma_wait3A_80 : memref<128x128xf32, #tpu.memory_space<vmem_shared>>)
      tpu.yield
    }) : () -> ()
    %add3A_5 = arith.constant 128 : i32
    %add3A_6 = arith.addi %mul3A_2, %add3A_5 : i32
    "tpu.region"() ({
      %run_scoped3A = tpu.sem_alloc : memref<!tpu.dma_semaphore, #tpu.memory_space<semaphore_mem>>
      %dma_start3A_65 = arith.constant 0 : i32
      %dma_start3A_66 = arith.constant 0 : i32
      %dma_start3A_67 = tpu.memref_slice %arg12[%dma_start3A_65, %dma_start3A_66] : memref<128x128xf32, #tpu.memory_space<vmem>> -> memref<128x128xf32, #tpu.memory_space<vmem>>
      %dma_start3A_68 = arith.constant 0 : i32
      %dma_start3A_69 = tpu.memref_slice %arg7[%add3A_6, %dma_start3A_68] : memref<10240x128xf32, #tpu.memory_space<vmem_shared>> -> memref<128x128xf32, #tpu.memory_space<vmem_shared>>
      %dma_start3A_70 = arith.constant 0 : i32
      %dma_start3A_71 = tpu.memref_slice %arg7[%add3A_6, %dma_start3A_70] : memref<10240x128xf32, #tpu.memory_space<vmem_shared>> -> memref<128x128xf32, #tpu.memory_space<vmem_shared>>
      %dma_start3A_72 = arith.constant 0 : i32
      %dma_start3A_73 = arith.constant 0 : i32
      %dma_start3A_74 = tpu.memref_slice %arg12[%dma_start3A_72, %dma_start3A_73] : memref<128x128xf32, #tpu.memory_space<vmem>> -> memref<128x128xf32, #tpu.memory_space<vmem>>
      tpu.enqueue_dma source(%dma_start3A_74 : memref<128x128xf32, #tpu.memory_space<vmem>>) target(%dma_start3A_71 : memref<128x128xf32, #tpu.memory_space<vmem_shared>>) target_semaphore(%run_scoped3A : memref<!tpu.dma_semaphore, #tpu.memory_space<semaphore_mem>>)
      %dma_wait3A = arith.constant 0 : i32
      %dma_wait3A_75 = arith.constant 0 : i32
      %dma_wait3A_76 = tpu.memref_slice %arg12[%dma_wait3A, %dma_wait3A_75] : memref<128x128xf32, #tpu.memory_space<vmem>> -> memref<128x128xf32, #tpu.memory_space<vmem>>
      %dma_wait3A_77 = arith.constant 0 : i32
      %dma_wait3A_78 = tpu.memref_slice %arg7[%add3A_6, %dma_wait3A_77] : memref<10240x128xf32, #tpu.memory_space<vmem_shared>> -> memref<128x128xf32, #tpu.memory_space<vmem_shared>>
      %dma_wait3A_79 = arith.constant 0 : i32
      %dma_wait3A_80 = tpu.memref_slice %arg7[%add3A_6, %dma_wait3A_79] : memref<10240x128xf32, #tpu.memory_space<vmem_shared>> -> memref<128x128xf32, #tpu.memory_space<vmem_shared>>
      %dma_wait3A_81 = arith.constant 0 : i32
      %dma_wait3A_82 = arith.constant 0 : i32
      %dma_wait3A_83 = tpu.memref_slice %arg12[%dma_wait3A_81, %dma_wait3A_82] : memref<128x128xf32, #tpu.memory_space<vmem>> -> memref<128x128xf32, #tpu.memory_space<vmem>>
      tpu.wait_dma2 semaphore(%run_scoped3A : memref<!tpu.dma_semaphore, #tpu.memory_space<semaphore_mem>>) src(%dma_wait3A_83 : memref<128x128xf32, #tpu.memory_space<vmem>>) dst(%dma_wait3A_80 : memref<128x128xf32, #tpu.memory_space<vmem_shared>>)
      tpu.yield
    }) : () -> ()
    %add3A_7 = arith.constant 256 : i32
    %add3A_8 = arith.addi %mul3A_2, %add3A_7 : i32
    "tpu.region"() ({
      %run_scoped3A = tpu.sem_alloc : memref<!tpu.dma_semaphore, #tpu.memory_space<semaphore_mem>>
      %dma_start3A_65 = arith.constant 0 : i32
      %dma_start3A_66 = arith.constant 0 : i32
      %dma_start3A_67 = tpu.memref_slice %arg12[%dma_start3A_65, %dma_start3A_66] : memref<128x128xf32, #tpu.memory_space<vmem>> -> memref<128x128xf32, #tpu.memory_space<vmem>>
      %dma_start3A_68 = arith.constant 0 : i32
      %dma_start3A_69 = tpu.memref_slice %arg7[%add3A_8, %dma_start3A_68] : memref<10240x128xf32, #tpu.memory_space<vmem_shared>> -> memref<128x128xf32, #tpu.memory_space<vmem_shared>>
      %dma_start3A_70 = arith.constant 0 : i32
      %dma_start3A_71 = tpu.memref_slice %arg7[%add3A_8, %dma_start3A_70] : memref<10240x128xf32, #tpu.memory_space<vmem_shared>> -> memref<128x128xf32, #tpu.memory_space<vmem_shared>>
      %dma_start3A_72 = arith.constant 0 : i32
      %dma_start3A_73 = arith.constant 0 : i32
      %dma_start3A_74 = tpu.memref_slice %arg12[%dma_start3A_72, %dma_start3A_73] : memref<128x128xf32, #tpu.memory_space<vmem>> -> memref<128x128xf32, #tpu.memory_space<vmem>>
      tpu.enqueue_dma source(%dma_start3A_74 : memref<128x128xf32, #tpu.memory_space<vmem>>) target(%dma_start3A_71 : memref<128x128xf32, #tpu.memory_space<vmem_shared>>) target_semaphore(%run_scoped3A : memref<!tpu.dma_semaphore, #tpu.memory_space<semaphore_mem>>)
      %dma_wait3A = arith.constant 0 : i32
      %dma_wait3A_75 = arith.constant 0 : i32
      %dma_wait3A_76 = tpu.memref_slice %arg12[%dma_wait3A, %dma_wait3A_75] : memref<128x128xf32, #tpu.memory_space<vmem>> -> memref<128x128xf32, #tpu.memory_space<vmem>>
      %dma_wait3A_77 = arith.constant 0 : i32
      %dma_wait3A_78 = tpu.memref_slice %arg7[%add3A_8, %dma_wait3A_77] : memref<10240x128xf32, #tpu.memory_space<vmem_shared>> -> memref<128x128xf32, #tpu.memory_space<vmem_shared>>
      %dma_wait3A_79 = arith.constant 0 : i32
      %dma_wait3A_80 = tpu.memref_slice %arg7[%add3A_8, %dma_wait3A_79] : memref<10240x128xf32, #tpu.memory_space<vmem_shared>> -> memref<128x128xf32, #tpu.memory_space<vmem_shared>>
      %dma_wait3A_81 = arith.constant 0 : i32
      %dma_wait3A_82 = arith.constant 0 : i32
      %dma_wait3A_83 = tpu.memref_slice %arg12[%dma_wait3A_81, %dma_wait3A_82] : memref<128x128xf32, #tpu.memory_space<vmem>> -> memref<128x128xf32, #tpu.memory_space<vmem>>
      tpu.wait_dma2 semaphore(%run_scoped3A : memref<!tpu.dma_semaphore, #tpu.memory_space<semaphore_mem>>) src(%dma_wait3A_83 : memref<128x128xf32, #tpu.memory_space<vmem>>) dst(%dma_wait3A_80 : memref<128x128xf32, #tpu.memory_space<vmem_shared>>)
      tpu.yield
    }) : () -> ()
    %add3A_9 = arith.constant 384 : i32
    %add3A_10 = arith.addi %mul3A_2, %add3A_9 : i32
    "tpu.region"() ({
      %run_scoped3A = tpu.sem_alloc : memref<!tpu.dma_semaphore, #tpu.memory_space<semaphore_mem>>
      %dma_start3A_65 = arith.constant 0 : i32
      %dma_start3A_66 = arith.constant 0 : i32
      %dma_start3A_67 = tpu.memref_slice %arg12[%dma_start3A_65, %dma_start3A_66] : memref<128x128xf32, #tpu.memory_space<vmem>> -> memref<128x128xf32, #tpu.memory_space<vmem>>
      %dma_start3A_68 = arith.constant 0 : i32
      %dma_start3A_69 = tpu.memref_slice %arg7[%add3A_10, %dma_start3A_68] : memref<10240x128xf32, #tpu.memory_space<vmem_shared>> -> memref<128x128xf32, #tpu.memory_space<vmem_shared>>
      %dma_start3A_70 = arith.constant 0 : i32
      %dma_start3A_71 = tpu.memref_slice %arg7[%add3A_10, %dma_start3A_70] : memref<10240x128xf32, #tpu.memory_space<vmem_shared>> -> memref<128x128xf32, #tpu.memory_space<vmem_shared>>
      %dma_start3A_72 = arith.constant 0 : i32
      %dma_start3A_73 = arith.constant 0 : i32
      %dma_start3A_74 = tpu.memref_slice %arg12[%dma_start3A_72, %dma_start3A_73] : memref<128x128xf32, #tpu.memory_space<vmem>> -> memref<128x128xf32, #tpu.memory_space<vmem>>
      tpu.enqueue_dma source(%dma_start3A_74 : memref<128x128xf32, #tpu.memory_space<vmem>>) target(%dma_start3A_71 : memref<128x128xf32, #tpu.memory_space<vmem_shared>>) target_semaphore(%run_scoped3A : memref<!tpu.dma_semaphore, #tpu.memory_space<semaphore_mem>>)
      %dma_wait3A = arith.constant 0 : i32
      %dma_wait3A_75 = arith.constant 0 : i32
      %dma_wait3A_76 = tpu.memref_slice %arg12[%dma_wait3A, %dma_wait3A_75] : memref<128x128xf32, #tpu.memory_space<vmem>> -> memref<128x128xf32, #tpu.memory_space<vmem>>
      %dma_wait3A_77 = arith.constant 0 : i32
      %dma_wait3A_78 = tpu.memref_slice %arg7[%add3A_10, %dma_wait3A_77] : memref<10240x128xf32, #tpu.memory_space<vmem_shared>> -> memref<128x128xf32, #tpu.memory_space<vmem_shared>>
      %dma_wait3A_79 = arith.constant 0 : i32
      %dma_wait3A_80 = tpu.memref_slice %arg7[%add3A_10, %dma_wait3A_79] : memref<10240x128xf32, #tpu.memory_space<vmem_shared>> -> memref<128x128xf32, #tpu.memory_space<vmem_shared>>
      %dma_wait3A_81 = arith.constant 0 : i32
      %dma_wait3A_82 = arith.constant 0 : i32
      %dma_wait3A_83 = tpu.memref_slice %arg12[%dma_wait3A_81, %dma_wait3A_82] : memref<128x128xf32, #tpu.memory_space<vmem>> -> memref<128x128xf32, #tpu.memory_space<vmem>>
      tpu.wait_dma2 semaphore(%run_scoped3A : memref<!tpu.dma_semaphore, #tpu.memory_space<semaphore_mem>>) src(%dma_wait3A_83 : memref<128x128xf32, #tpu.memory_space<vmem>>) dst(%dma_wait3A_80 : memref<128x128xf32, #tpu.memory_space<vmem_shared>>)
      tpu.yield
    }) : () -> ()
    %add3A_11 = arith.constant 512 : i32
    %add3A_12 = arith.addi %mul3A_2, %add3A_11 : i32
    "tpu.region"() ({
      %run_scoped3A = tpu.sem_alloc : memref<!tpu.dma_semaphore, #tpu.memory_space<semaphore_mem>>
      %dma_start3A_65 = arith.constant 0 : i32
      %dma_start3A_66 = arith.constant 0 : i32
      %dma_start3A_67 = tpu.memref_slice %arg12[%dma_start3A_65, %dma_start3A_66] : memref<128x128xf32, #tpu.memory_space<vmem>> -> memref<128x128xf32, #tpu.memory_space<vmem>>
      %dma_start3A_68 = arith.constant 0 : i32
      %dma_start3A_69 = tpu.memref_slice %arg7[%add3A_12, %dma_start3A_68] : memref<10240x128xf32, #tpu.memory_space<vmem_shared>> -> memref<128x128xf32, #tpu.memory_space<vmem_shared>>
      %dma_start3A_70 = arith.constant 0 : i32
      %dma_start3A_71 = tpu.memref_slice %arg7[%add3A_12, %dma_start3A_70] : memref<10240x128xf32, #tpu.memory_space<vmem_shared>> -> memref<128x128xf32, #tpu.memory_space<vmem_shared>>
      %dma_start3A_72 = arith.constant 0 : i32
      %dma_start3A_73 = arith.constant 0 : i32
      %dma_start3A_74 = tpu.memref_slice %arg12[%dma_start3A_72, %dma_start3A_73] : memref<128x128xf32, #tpu.memory_space<vmem>> -> memref<128x128xf32, #tpu.memory_space<vmem>>
      tpu.enqueue_dma source(%dma_start3A_74 : memref<128x128xf32, #tpu.memory_space<vmem>>) target(%dma_start3A_71 : memref<128x128xf32, #tpu.memory_space<vmem_shared>>) target_semaphore(%run_scoped3A : memref<!tpu.dma_semaphore, #tpu.memory_space<semaphore_mem>>)
      %dma_wait3A = arith.constant 0 : i32
      %dma_wait3A_75 = arith.constant 0 : i32
      %dma_wait3A_76 = tpu.memref_slice %arg12[%dma_wait3A, %dma_wait3A_75] : memref<128x128xf32, #tpu.memory_space<vmem>> -> memref<128x128xf32, #tpu.memory_space<vmem>>
      %dma_wait3A_77 = arith.constant 0 : i32
      %dma_wait3A_78 = tpu.memref_slice %arg7[%add3A_12, %dma_wait3A_77] : memref<10240x128xf32, #tpu.memory_space<vmem_shared>> -> memref<128x128xf32, #tpu.memory_space<vmem_shared>>
      %dma_wait3A_79 = arith.constant 0 : i32
      %dma_wait3A_80 = tpu.memref_slice %arg7[%add3A_12, %dma_wait3A_79] : memref<10240x128xf32, #tpu.memory_space<vmem_shared>> -> memref<128x128xf32, #tpu.memory_space<vmem_shared>>
      %dma_wait3A_81 = arith.constant 0 : i32
      %dma_wait3A_82 = arith.constant 0 : i32
      %dma_wait3A_83 = tpu.memref_slice %arg12[%dma_wait3A_81, %dma_wait3A_82] : memref<128x128xf32, #tpu.memory_space<vmem>> -> memref<128x128xf32, #tpu.memory_space<vmem>>
      tpu.wait_dma2 semaphore(%run_scoped3A : memref<!tpu.dma_semaphore, #tpu.memory_space<semaphore_mem>>) src(%dma_wait3A_83 : memref<128x128xf32, #tpu.memory_space<vmem>>) dst(%dma_wait3A_80 : memref<128x128xf32, #tpu.memory_space<vmem_shared>>)
      tpu.yield
    }) : () -> ()
    %barrier3A = arith.constant 0 : index
    tpu.barrier barrier_id(%barrier3A)
    %dma_start3A = arith.constant 0 : i32
    %dma_start3A_13 = arith.constant 0 : i32
    %dma_start3A_14 = tpu.memref_slice %arg3[%add3A, %dma_start3A, %dma_start3A_13] : memref<32x79x128xi32, #tpu.memory_space<hbm>> -> memref<1x1x128xi32, #tpu.memory_space<hbm>>
    %dma_start3A_15 = tpu.memref_squeeze %dma_start3A_14 : memref<1x1x128xi32, #tpu.memory_space<hbm>> -> memref<128xi32, #tpu.memory_space<hbm>>
    %dma_start3A_16 = arith.constant 0 : i32
    %dma_start3A_17 = tpu.memref_slice %arg3[%add3A, %dma_start3A, %dma_start3A_16] : memref<32x79x128xi32, #tpu.memory_space<hbm>> -> memref<1x1x128xi32, #tpu.memory_space<hbm>>
    %dma_start3A_18 = tpu.memref_squeeze %dma_start3A_17 : memref<1x1x128xi32, #tpu.memory_space<hbm>> -> memref<128xi32, #tpu.memory_space<hbm>>
    tpu.enqueue_dma source(%dma_start3A_18 : memref<128xi32, #tpu.memory_space<hbm>>) target(%arg8 : memref<128xi32, #tpu.memory_space<vmem>>) target_semaphore(%arg13 : memref<!tpu.dma_semaphore, #tpu.memory_space<semaphore_mem>>)
    %dma_start3A_19 = arith.constant 0 : i32
    %dma_start3A_20 = arith.constant 0 : i32
    %dma_start3A_21 = tpu.memref_slice %arg4[%add3A, %dma_start3A_19, %dma_start3A_20] : memref<32x79x128xi32, #tpu.memory_space<hbm>> -> memref<1x1x128xi32, #tpu.memory_space<hbm>>
    %dma_start3A_22 = tpu.memref_squeeze %dma_start3A_21 : memref<1x1x128xi32, #tpu.memory_space<hbm>> -> memref<128xi32, #tpu.memory_space<hbm>>
    %dma_start3A_23 = arith.constant 0 : i32
    %dma_start3A_24 = tpu.memref_slice %arg4[%add3A, %dma_start3A_19, %dma_start3A_23] : memref<32x79x128xi32, #tpu.memory_space<hbm>> -> memref<1x1x128xi32, #tpu.memory_space<hbm>>
    %dma_start3A_25 = tpu.memref_squeeze %dma_start3A_24 : memref<1x1x128xi32, #tpu.memory_space<hbm>> -> memref<128xi32, #tpu.memory_space<hbm>>
    tpu.enqueue_dma source(%dma_start3A_25 : memref<128xi32, #tpu.memory_space<hbm>>) target(%arg10 : memref<128xi32, #tpu.memory_space<vmem>>) target_semaphore(%arg13 : memref<!tpu.dma_semaphore, #tpu.memory_space<semaphore_mem>>)
    %dma_start3A_26 = arith.constant 1 : i32
    %dma_start3A_27 = arith.constant 0 : i32
    %dma_start3A_28 = tpu.memref_slice %arg3[%add3A, %dma_start3A_26, %dma_start3A_27] : memref<32x79x128xi32, #tpu.memory_space<hbm>> -> memref<1x1x128xi32, #tpu.memory_space<hbm>>
    %dma_start3A_29 = tpu.memref_squeeze %dma_start3A_28 : memref<1x1x128xi32, #tpu.memory_space<hbm>> -> memref<128xi32, #tpu.memory_space<hbm>>
    %dma_start3A_30 = arith.constant 0 : i32
    %dma_start3A_31 = tpu.memref_slice %arg3[%add3A, %dma_start3A_26, %dma_start3A_30] : memref<32x79x128xi32, #tpu.memory_space<hbm>> -> memref<1x1x128xi32, #tpu.memory_space<hbm>>
    %dma_start3A_32 = tpu.memref_squeeze %dma_start3A_31 : memref<1x1x128xi32, #tpu.memory_space<hbm>> -> memref<128xi32, #tpu.memory_space<hbm>>
    tpu.enqueue_dma source(%dma_start3A_32 : memref<128xi32, #tpu.memory_space<hbm>>) target(%arg9 : memref<128xi32, #tpu.memory_space<vmem>>) target_semaphore(%arg14 : memref<!tpu.dma_semaphore, #tpu.memory_space<semaphore_mem>>)
    %dma_start3A_33 = arith.constant 1 : i32
    %dma_start3A_34 = arith.constant 0 : i32
    %dma_start3A_35 = tpu.memref_slice %arg4[%add3A, %dma_start3A_33, %dma_start3A_34] : memref<32x79x128xi32, #tpu.memory_space<hbm>> -> memref<1x1x128xi32, #tpu.memory_space<hbm>>
    %dma_start3A_36 = tpu.memref_squeeze %dma_start3A_35 : memref<1x1x128xi32, #tpu.memory_space<hbm>> -> memref<128xi32, #tpu.memory_space<hbm>>
    %dma_start3A_37 = arith.constant 0 : i32
    %dma_start3A_38 = tpu.memref_slice %arg4[%add3A, %dma_start3A_33, %dma_start3A_37] : memref<32x79x128xi32, #tpu.memory_space<hbm>> -> memref<1x1x128xi32, #tpu.memory_space<hbm>>
    %dma_start3A_39 = tpu.memref_squeeze %dma_start3A_38 : memref<1x1x128xi32, #tpu.memory_space<hbm>> -> memref<128xi32, #tpu.memory_space<hbm>>
    tpu.enqueue_dma source(%dma_start3A_39 : memref<128xi32, #tpu.memory_space<hbm>>) target(%arg11 : memref<128xi32, #tpu.memory_space<vmem>>) target_semaphore(%arg14 : memref<!tpu.dma_semaphore, #tpu.memory_space<semaphore_mem>>)
    %scan3A = arith.constant 0 : i32
    %scan3A_40 = arith.constant 79 : i32
    %scan3A_41 = arith.addi %scan3A, %scan3A_40 : i32
    %scan3A_42 = arith.constant 1 : i32
    scf.for %scan3A_65 = %scan3A to %scan3A_41 step %scan3A_42  : i32 {
      %mul3A_66 = arith.constant 1 : i32
      %mul3A_67 = arith.muli %scan3A_65, %mul3A_66 : i32
      %add3A_68 = arith.constant 0 : i32
      %add3A_69 = arith.addi %add3A_68, %mul3A_67 : i32
      %rem3A = arith.constant 2 : i32
      %rem3A_70 = arith.remsi %add3A_69, %rem3A : i32
      %eq3A = arith.constant 0 : i32
      %eq3A_71 = arith.cmpi eq, %rem3A_70, %eq3A : i32
      %convert_element_type3A = arith.extui %eq3A_71 : i1 to i32
      %cond3A = arith.constant 0 : i32
      %cond3A_72 = arith.cmpi ne, %convert_element_type3A, %cond3A : i32
      scf.if %cond3A_72 {
        %dma_wait3A = arith.constant 0 : i32
        %dma_wait3A_80 = tpu.memref_slice %arg3[%add3A, %add3A_69, %dma_wait3A] : memref<32x79x128xi32, #tpu.memory_space<hbm>> -> memref<1x1x128xi32, #tpu.memory_space<hbm>>
        %dma_wait3A_81 = tpu.memref_squeeze %dma_wait3A_80 : memref<1x1x128xi32, #tpu.memory_space<hbm>> -> memref<128xi32, #tpu.memory_space<hbm>>
        %dma_wait3A_82 = arith.constant 0 : i32
        %dma_wait3A_83 = tpu.memref_slice %arg3[%add3A, %add3A_69, %dma_wait3A_82] : memref<32x79x128xi32, #tpu.memory_space<hbm>> -> memref<1x1x128xi32, #tpu.memory_space<hbm>>
        %dma_wait3A_84 = tpu.memref_squeeze %dma_wait3A_83 : memref<1x1x128xi32, #tpu.memory_space<hbm>> -> memref<128xi32, #tpu.memory_space<hbm>>
        tpu.wait_dma2 semaphore(%arg13 : memref<!tpu.dma_semaphore, #tpu.memory_space<semaphore_mem>>) src(%dma_wait3A_84 : memref<128xi32, #tpu.memory_space<hbm>>) dst(%arg8 : memref<128xi32, #tpu.memory_space<vmem>>)
        %dma_wait3A_85 = arith.constant 0 : i32
        %dma_wait3A_86 = tpu.memref_slice %arg4[%add3A, %add3A_69, %dma_wait3A_85] : memref<32x79x128xi32, #tpu.memory_space<hbm>> -> memref<1x1x128xi32, #tpu.memory_space<hbm>>
        %dma_wait3A_87 = tpu.memref_squeeze %dma_wait3A_86 : memref<1x1x128xi32, #tpu.memory_space<hbm>> -> memref<128xi32, #tpu.memory_space<hbm>>
        %dma_wait3A_88 = arith.constant 0 : i32
        %dma_wait3A_89 = tpu.memref_slice %arg4[%add3A, %add3A_69, %dma_wait3A_88] : memref<32x79x128xi32, #tpu.memory_space<hbm>> -> memref<1x1x128xi32, #tpu.memory_space<hbm>>
        %dma_wait3A_90 = tpu.memref_squeeze %dma_wait3A_89 : memref<1x1x128xi32, #tpu.memory_space<hbm>> -> memref<128xi32, #tpu.memory_space<hbm>>
        tpu.wait_dma2 semaphore(%arg13 : memref<!tpu.dma_semaphore, #tpu.memory_space<semaphore_mem>>) src(%dma_wait3A_90 : memref<128xi32, #tpu.memory_space<hbm>>) dst(%arg10 : memref<128xi32, #tpu.memory_space<vmem>>)
        %dma_start3A_91 = arith.constant 0 : i32
        %dma_start3A_92 = arith.constant 0 : i32
        %dma_start3A_93 = tpu.memref_slice %arg2[%dma_start3A_91, %dma_start3A_92] : memref<10240x128xf32, #tpu.memory_space<hbm>> -> memref<10240x128xf32, #tpu.memory_space<hbm>>
        tpu.enqueue_indirect_dma source(%dma_start3A_93 : memref<10240x128xf32, #tpu.memory_space<hbm>>) target(%arg12 : memref<128x128xf32, #tpu.memory_space<vmem>>) offsets(%arg8 : memref<128xi32, #tpu.memory_space<vmem>>) semaphore(%arg15 : memref<!tpu.dma_semaphore, #tpu.memory_space<semaphore_mem>>)
        %dma_wait3A_94 = arith.constant 0 : i32
        %dma_wait3A_95 = arith.constant 0 : i32
        %dma_wait3A_96 = tpu.memref_slice %arg2[%dma_wait3A_94, %dma_wait3A_95] : memref<10240x128xf32, #tpu.memory_space<hbm>> -> memref<10240x128xf32, #tpu.memory_space<hbm>>
        tpu.wait_indirect_dma semaphore(%arg15 : memref<!tpu.dma_semaphore, #tpu.memory_space<semaphore_mem>>) src(%dma_wait3A_96 : memref<10240x128xf32, #tpu.memory_space<hbm>>) dst(%arg12 : memref<128x128xf32, #tpu.memory_space<vmem>>)
        "tpu.region"() ({
          %run_scoped3A = tpu.sem_alloc : memref<!tpu.dma_semaphore, #tpu.memory_space<semaphore_mem>>
          %dma_start3A_103 = arith.constant 0 : i32
          %dma_start3A_104 = arith.constant 0 : i32
          %dma_start3A_105 = tpu.memref_slice %arg7[%dma_start3A_103, %dma_start3A_104] : memref<10240x128xf32, #tpu.memory_space<vmem_shared>> -> memref<10240x128xf32, #tpu.memory_space<vmem_shared>>
          tpu.enqueue_indirect_dma source(%arg12 : memref<128x128xf32, #tpu.memory_space<vmem>>) target(%dma_start3A_105 : memref<10240x128xf32, #tpu.memory_space<vmem_shared>>) offsets(%arg10 : memref<128xi32, #tpu.memory_space<vmem>>) semaphore(%run_scoped3A : memref<!tpu.dma_semaphore, #tpu.memory_space<semaphore_mem>>) {add = true}
          %dma_wait3A_106 = arith.constant 0 : i32
          %dma_wait3A_107 = arith.constant 0 : i32
          %dma_wait3A_108 = tpu.memref_slice %arg7[%dma_wait3A_106, %dma_wait3A_107] : memref<10240x128xf32, #tpu.memory_space<vmem_shared>> -> memref<10240x128xf32, #tpu.memory_space<vmem_shared>>
          tpu.wait_indirect_dma semaphore(%run_scoped3A : memref<!tpu.dma_semaphore, #tpu.memory_space<semaphore_mem>>) src(%arg12 : memref<128x128xf32, #tpu.memory_space<vmem>>) dst(%dma_wait3A_108 : memref<10240x128xf32, #tpu.memory_space<vmem_shared>>)
          tpu.yield
        }) : () -> ()
        %add3A_97 = arith.constant 2 : i32
        %add3A_98 = arith.addi %add3A_69, %add3A_97 : i32
        %lt3A = arith.constant 79 : i32
        %lt3A_99 = arith.cmpi slt, %add3A_98, %lt3A : i32
        %convert_element_type3A_100 = arith.extui %lt3A_99 : i1 to i32
        %cond3A_101 = arith.constant 0 : i32
        %cond3A_102 = arith.cmpi ne, %convert_element_type3A_100, %cond3A_101 : i32
        scf.if %cond3A_102 {
          %add3A_103 = arith.constant 2 : i32
          %add3A_104 = arith.addi %add3A_69, %add3A_103 : i32
          %dma_start3A_105 = arith.constant 0 : i32
          %dma_start3A_106 = tpu.memref_slice %arg3[%add3A, %add3A_104, %dma_start3A_105] : memref<32x79x128xi32, #tpu.memory_space<hbm>> -> memref<1x1x128xi32, #tpu.memory_space<hbm>>
          %dma_start3A_107 = tpu.memref_squeeze %dma_start3A_106 : memref<1x1x128xi32, #tpu.memory_space<hbm>> -> memref<128xi32, #tpu.memory_space<hbm>>
          %dma_start3A_108 = arith.constant 0 : i32
          %dma_start3A_109 = tpu.memref_slice %arg3[%add3A, %add3A_104, %dma_start3A_108] : memref<32x79x128xi32, #tpu.memory_space<hbm>> -> memref<1x1x128xi32, #tpu.memory_space<hbm>>
          %dma_start3A_110 = tpu.memref_squeeze %dma_start3A_109 : memref<1x1x128xi32, #tpu.memory_space<hbm>> -> memref<128xi32, #tpu.memory_space<hbm>>
          tpu.enqueue_dma source(%dma_start3A_110 : memref<128xi32, #tpu.memory_space<hbm>>) target(%arg8 : memref<128xi32, #tpu.memory_space<vmem>>) target_semaphore(%arg13 : memref<!tpu.dma_semaphore, #tpu.memory_space<semaphore_mem>>)
          %dma_start3A_111 = arith.constant 0 : i32
          %dma_start3A_112 = tpu.memref_slice %arg4[%add3A, %add3A_104, %dma_start3A_111] : memref<32x79x128xi32, #tpu.memory_space<hbm>> -> memref<1x1x128xi32, #tpu.memory_space<hbm>>
          %dma_start3A_113 = tpu.memref_squeeze %dma_start3A_112 : memref<1x1x128xi32, #tpu.memory_space<hbm>> -> memref<128xi32, #tpu.memory_space<hbm>>
          %dma_start3A_114 = arith.constant 0 : i32
          %dma_start3A_115 = tpu.memref_slice %arg4[%add3A, %add3A_104, %dma_start3A_114] : memref<32x79x128xi32, #tpu.memory_space<hbm>> -> memref<1x1x128xi32, #tpu.memory_space<hbm>>
          %dma_start3A_116 = tpu.memref_squeeze %dma_start3A_115 : memref<1x1x128xi32, #tpu.memory_space<hbm>> -> memref<128xi32, #tpu.memory_space<hbm>>
          tpu.enqueue_dma source(%dma_start3A_116 : memref<128xi32, #tpu.memory_space<hbm>>) target(%arg10 : memref<128xi32, #tpu.memory_space<vmem>>) target_semaphore(%arg13 : memref<!tpu.dma_semaphore, #tpu.memory_space<semaphore_mem>>)
        } else {
        }
      } else {
      }
      %rem3A_73 = arith.constant 2 : i32
      %rem3A_74 = arith.remsi %add3A_69, %rem3A_73 : i32
      %eq3A_75 = arith.constant 1 : i32
      %eq3A_76 = arith.cmpi eq, %rem3A_74, %eq3A_75 : i32
      %convert_element_type3A_77 = arith.extui %eq3A_76 : i1 to i32
      %cond3A_78 = arith.constant 0 : i32
      %cond3A_79 = arith.cmpi ne, %convert_element_type3A_77, %cond3A_78 : i32
      scf.if %cond3A_79 {
        %dma_wait3A = arith.constant 0 : i32
        %dma_wait3A_80 = tpu.memref_slice %arg3[%add3A, %add3A_69, %dma_wait3A] : memref<32x79x128xi32, #tpu.memory_space<hbm>> -> memref<1x1x128xi32, #tpu.memory_space<hbm>>
        %dma_wait3A_81 = tpu.memref_squeeze %dma_wait3A_80 : memref<1x1x128xi32, #tpu.memory_space<hbm>> -> memref<128xi32, #tpu.memory_space<hbm>>
        %dma_wait3A_82 = arith.constant 0 : i32
        %dma_wait3A_83 = tpu.memref_slice %arg3[%add3A, %add3A_69, %dma_wait3A_82] : memref<32x79x128xi32, #tpu.memory_space<hbm>> -> memref<1x1x128xi32, #tpu.memory_space<hbm>>
        %dma_wait3A_84 = tpu.memref_squeeze %dma_wait3A_83 : memref<1x1x128xi32, #tpu.memory_space<hbm>> -> memref<128xi32, #tpu.memory_space<hbm>>
        tpu.wait_dma2 semaphore(%arg14 : memref<!tpu.dma_semaphore, #tpu.memory_space<semaphore_mem>>) src(%dma_wait3A_84 : memref<128xi32, #tpu.memory_space<hbm>>) dst(%arg9 : memref<128xi32, #tpu.memory_space<vmem>>)
        %dma_wait3A_85 = arith.constant 0 : i32
        %dma_wait3A_86 = tpu.memref_slice %arg4[%add3A, %add3A_69, %dma_wait3A_85] : memref<32x79x128xi32, #tpu.memory_space<hbm>> -> memref<1x1x128xi32, #tpu.memory_space<hbm>>
        %dma_wait3A_87 = tpu.memref_squeeze %dma_wait3A_86 : memref<1x1x128xi32, #tpu.memory_space<hbm>> -> memref<128xi32, #tpu.memory_space<hbm>>
        %dma_wait3A_88 = arith.constant 0 : i32
        %dma_wait3A_89 = tpu.memref_slice %arg4[%add3A, %add3A_69, %dma_wait3A_88] : memref<32x79x128xi32, #tpu.memory_space<hbm>> -> memref<1x1x128xi32, #tpu.memory_space<hbm>>
        %dma_wait3A_90 = tpu.memref_squeeze %dma_wait3A_89 : memref<1x1x128xi32, #tpu.memory_space<hbm>> -> memref<128xi32, #tpu.memory_space<hbm>>
        tpu.wait_dma2 semaphore(%arg14 : memref<!tpu.dma_semaphore, #tpu.memory_space<semaphore_mem>>) src(%dma_wait3A_90 : memref<128xi32, #tpu.memory_space<hbm>>) dst(%arg11 : memref<128xi32, #tpu.memory_space<vmem>>)
        %dma_start3A_91 = arith.constant 0 : i32
        %dma_start3A_92 = arith.constant 0 : i32
        %dma_start3A_93 = tpu.memref_slice %arg2[%dma_start3A_91, %dma_start3A_92] : memref<10240x128xf32, #tpu.memory_space<hbm>> -> memref<10240x128xf32, #tpu.memory_space<hbm>>
        tpu.enqueue_indirect_dma source(%dma_start3A_93 : memref<10240x128xf32, #tpu.memory_space<hbm>>) target(%arg12 : memref<128x128xf32, #tpu.memory_space<vmem>>) offsets(%arg9 : memref<128xi32, #tpu.memory_space<vmem>>) semaphore(%arg15 : memref<!tpu.dma_semaphore, #tpu.memory_space<semaphore_mem>>)
        %dma_wait3A_94 = arith.constant 0 : i32
        %dma_wait3A_95 = arith.constant 0 : i32
        %dma_wait3A_96 = tpu.memref_slice %arg2[%dma_wait3A_94, %dma_wait3A_95] : memref<10240x128xf32, #tpu.memory_space<hbm>> -> memref<10240x128xf32, #tpu.memory_space<hbm>>
        tpu.wait_indirect_dma semaphore(%arg15 : memref<!tpu.dma_semaphore, #tpu.memory_space<semaphore_mem>>) src(%dma_wait3A_96 : memref<10240x128xf32, #tpu.memory_space<hbm>>) dst(%arg12 : memref<128x128xf32, #tpu.memory_space<vmem>>)
        "tpu.region"() ({
          %run_scoped3A = tpu.sem_alloc : memref<!tpu.dma_semaphore, #tpu.memory_space<semaphore_mem>>
          %dma_start3A_103 = arith.constant 0 : i32
          %dma_start3A_104 = arith.constant 0 : i32
          %dma_start3A_105 = tpu.memref_slice %arg7[%dma_start3A_103, %dma_start3A_104] : memref<10240x128xf32, #tpu.memory_space<vmem_shared>> -> memref<10240x128xf32, #tpu.memory_space<vmem_shared>>
          tpu.enqueue_indirect_dma source(%arg12 : memref<128x128xf32, #tpu.memory_space<vmem>>) target(%dma_start3A_105 : memref<10240x128xf32, #tpu.memory_space<vmem_shared>>) offsets(%arg11 : memref<128xi32, #tpu.memory_space<vmem>>) semaphore(%run_scoped3A : memref<!tpu.dma_semaphore, #tpu.memory_space<semaphore_mem>>) {add = true}
          %dma_wait3A_106 = arith.constant 0 : i32
          %dma_wait3A_107 = arith.constant 0 : i32
          %dma_wait3A_108 = tpu.memref_slice %arg7[%dma_wait3A_106, %dma_wait3A_107] : memref<10240x128xf32, #tpu.memory_space<vmem_shared>> -> memref<10240x128xf32, #tpu.memory_space<vmem_shared>>
          tpu.wait_indirect_dma semaphore(%run_scoped3A : memref<!tpu.dma_semaphore, #tpu.memory_space<semaphore_mem>>) src(%arg12 : memref<128x128xf32, #tpu.memory_space<vmem>>) dst(%dma_wait3A_108 : memref<10240x128xf32, #tpu.memory_space<vmem_shared>>)
          tpu.yield
        }) : () -> ()
        %add3A_97 = arith.constant 2 : i32
        %add3A_98 = arith.addi %add3A_69, %add3A_97 : i32
        %lt3A = arith.constant 79 : i32
        %lt3A_99 = arith.cmpi slt, %add3A_98, %lt3A : i32
        %convert_element_type3A_100 = arith.extui %lt3A_99 : i1 to i32
        %cond3A_101 = arith.constant 0 : i32
        %cond3A_102 = arith.cmpi ne, %convert_element_type3A_100, %cond3A_101 : i32
        scf.if %cond3A_102 {
          %add3A_103 = arith.constant 2 : i32
          %add3A_104 = arith.addi %add3A_69, %add3A_103 : i32
          %dma_start3A_105 = arith.constant 0 : i32
          %dma_start3A_106 = tpu.memref_slice %arg3[%add3A, %add3A_104, %dma_start3A_105] : memref<32x79x128xi32, #tpu.memory_space<hbm>> -> memref<1x1x128xi32, #tpu.memory_space<hbm>>
          %dma_start3A_107 = tpu.memref_squeeze %dma_start3A_106 : memref<1x1x128xi32, #tpu.memory_space<hbm>> -> memref<128xi32, #tpu.memory_space<hbm>>
          %dma_start3A_108 = arith.constant 0 : i32
          %dma_start3A_109 = tpu.memref_slice %arg3[%add3A, %add3A_104, %dma_start3A_108] : memref<32x79x128xi32, #tpu.memory_space<hbm>> -> memref<1x1x128xi32, #tpu.memory_space<hbm>>
          %dma_start3A_110 = tpu.memref_squeeze %dma_start3A_109 : memref<1x1x128xi32, #tpu.memory_space<hbm>> -> memref<128xi32, #tpu.memory_space<hbm>>
          tpu.enqueue_dma source(%dma_start3A_110 : memref<128xi32, #tpu.memory_space<hbm>>) target(%arg9 : memref<128xi32, #tpu.memory_space<vmem>>) target_semaphore(%arg14 : memref<!tpu.dma_semaphore, #tpu.memory_space<semaphore_mem>>)
          %dma_start3A_111 = arith.constant 0 : i32
          %dma_start3A_112 = tpu.memref_slice %arg4[%add3A, %add3A_104, %dma_start3A_111] : memref<32x79x128xi32, #tpu.memory_space<hbm>> -> memref<1x1x128xi32, #tpu.memory_space<hbm>>
          %dma_start3A_113 = tpu.memref_squeeze %dma_start3A_112 : memref<1x1x128xi32, #tpu.memory_space<hbm>> -> memref<128xi32, #tpu.memory_space<hbm>>
          %dma_start3A_114 = arith.constant 0 : i32
          %dma_start3A_115 = tpu.memref_slice %arg4[%add3A, %add3A_104, %dma_start3A_114] : memref<32x79x128xi32, #tpu.memory_space<hbm>> -> memref<1x1x128xi32, #tpu.memory_space<hbm>>
          %dma_start3A_116 = tpu.memref_squeeze %dma_start3A_115 : memref<1x1x128xi32, #tpu.memory_space<hbm>> -> memref<128xi32, #tpu.memory_space<hbm>>
          tpu.enqueue_dma source(%dma_start3A_116 : memref<128xi32, #tpu.memory_space<hbm>>) target(%arg11 : memref<128xi32, #tpu.memory_space<vmem>>) target_semaphore(%arg14 : memref<!tpu.dma_semaphore, #tpu.memory_space<semaphore_mem>>)
        } else {
        }
      } else {
      }
    }
    %scan3A_43 = arith.constant 79 : i32
    %barrier3A_44 = arith.constant 0 : index
    tpu.barrier barrier_id(%barrier3A_44)
    %add3A_45 = arith.constant 0 : i32
    %add3A_46 = arith.addi %mul3A_2, %add3A_45 : i32
    "tpu.region"() ({
      %run_scoped3A = tpu.sem_alloc : memref<!tpu.dma_semaphore, #tpu.memory_space<semaphore_mem>>
      %dma_start3A_65 = arith.constant 0 : i32
      %dma_start3A_66 = arith.constant 0 : i32
      %dma_start3A_67 = tpu.memref_slice %arg12[%dma_start3A_65, %dma_start3A_66] : memref<128x128xf32, #tpu.memory_space<vmem>> -> memref<128x128xf32, #tpu.memory_space<vmem>>
      %dma_start3A_68 = arith.constant 0 : i32
      %dma_start3A_69 = tpu.memref_slice %arg7[%add3A_46, %dma_start3A_68] : memref<10240x128xf32, #tpu.memory_space<vmem_shared>> -> memref<128x128xf32, #tpu.memory_space<vmem_shared>>
      %dma_start3A_70 = arith.constant 0 : i32
      %dma_start3A_71 = arith.constant 0 : i32
      %dma_start3A_72 = tpu.memref_slice %arg12[%dma_start3A_70, %dma_start3A_71] : memref<128x128xf32, #tpu.memory_space<vmem>> -> memref<128x128xf32, #tpu.memory_space<vmem>>
      %dma_start3A_73 = arith.constant 0 : i32
      %dma_start3A_74 = tpu.memref_slice %arg7[%add3A_46, %dma_start3A_73] : memref<10240x128xf32, #tpu.memory_space<vmem_shared>> -> memref<128x128xf32, #tpu.memory_space<vmem_shared>>
      tpu.enqueue_dma source(%dma_start3A_74 : memref<128x128xf32, #tpu.memory_space<vmem_shared>>) target(%dma_start3A_72 : memref<128x128xf32, #tpu.memory_space<vmem>>) target_semaphore(%run_scoped3A : memref<!tpu.dma_semaphore, #tpu.memory_space<semaphore_mem>>)
      %dma_wait3A = arith.constant 0 : i32
      %dma_wait3A_75 = arith.constant 0 : i32
      %dma_wait3A_76 = tpu.memref_slice %arg12[%dma_wait3A, %dma_wait3A_75] : memref<128x128xf32, #tpu.memory_space<vmem>> -> memref<128x128xf32, #tpu.memory_space<vmem>>
      %dma_wait3A_77 = arith.constant 0 : i32
      %dma_wait3A_78 = tpu.memref_slice %arg7[%add3A_46, %dma_wait3A_77] : memref<10240x128xf32, #tpu.memory_space<vmem_shared>> -> memref<128x128xf32, #tpu.memory_space<vmem_shared>>
      %dma_wait3A_79 = arith.constant 0 : i32
      %dma_wait3A_80 = arith.constant 0 : i32
      %dma_wait3A_81 = tpu.memref_slice %arg12[%dma_wait3A_79, %dma_wait3A_80] : memref<128x128xf32, #tpu.memory_space<vmem>> -> memref<128x128xf32, #tpu.memory_space<vmem>>
      %dma_wait3A_82 = arith.constant 0 : i32
      %dma_wait3A_83 = tpu.memref_slice %arg7[%add3A_46, %dma_wait3A_82] : memref<10240x128xf32, #tpu.memory_space<vmem_shared>> -> memref<128x128xf32, #tpu.memory_space<vmem_shared>>
      tpu.wait_dma2 semaphore(%run_scoped3A : memref<!tpu.dma_semaphore, #tpu.memory_space<semaphore_mem>>) src(%dma_wait3A_83 : memref<128x128xf32, #tpu.memory_space<vmem_shared>>) dst(%dma_wait3A_81 : memref<128x128xf32, #tpu.memory_space<vmem>>)
      tpu.yield
    }) : () -> ()
    %add3A_47 = arith.constant 0 : i32
    %add3A_48 = arith.addi %mul3A_2, %add3A_47 : i32
    "tpu.region"() ({
      %run_scoped3A = tpu.sem_alloc : memref<!tpu.dma_semaphore, #tpu.memory_space<semaphore_mem>>
      %dma_start3A_65 = arith.constant 0 : i32
      %dma_start3A_66 = arith.constant 0 : i32
      %dma_start3A_67 = tpu.memref_slice %arg12[%dma_start3A_65, %dma_start3A_66] : memref<128x128xf32, #tpu.memory_space<vmem>> -> memref<128x128xf32, #tpu.memory_space<vmem>>
      %dma_start3A_68 = arith.constant 0 : i32
      %dma_start3A_69 = tpu.memref_slice %arg6[%arg0, %add3A_48, %dma_start3A_68] : memref<2x10240x128xf32, #tpu.memory_space<hbm>> -> memref<1x128x128xf32, #tpu.memory_space<hbm>>
      %dma_start3A_70 = tpu.memref_squeeze %dma_start3A_69 : memref<1x128x128xf32, #tpu.memory_space<hbm>> -> memref<128x128xf32, #tpu.memory_space<hbm>>
      %dma_start3A_71 = arith.constant 0 : i32
      %dma_start3A_72 = tpu.memref_slice %arg6[%arg0, %add3A_48, %dma_start3A_71] : memref<2x10240x128xf32, #tpu.memory_space<hbm>> -> memref<1x128x128xf32, #tpu.memory_space<hbm>>
      %dma_start3A_73 = tpu.memref_squeeze %dma_start3A_72 : memref<1x128x128xf32, #tpu.memory_space<hbm>> -> memref<128x128xf32, #tpu.memory_space<hbm>>
      %dma_start3A_74 = arith.constant 0 : i32
      %dma_start3A_75 = arith.constant 0 : i32
      %dma_start3A_76 = tpu.memref_slice %arg12[%dma_start3A_74, %dma_start3A_75] : memref<128x128xf32, #tpu.memory_space<vmem>> -> memref<128x128xf32, #tpu.memory_space<vmem>>
      tpu.enqueue_dma source(%dma_start3A_76 : memref<128x128xf32, #tpu.memory_space<vmem>>) target(%dma_start3A_73 : memref<128x128xf32, #tpu.memory_space<hbm>>) target_semaphore(%run_scoped3A : memref<!tpu.dma_semaphore, #tpu.memory_space<semaphore_mem>>)
      %dma_wait3A = arith.constant 0 : i32
      %dma_wait3A_77 = arith.constant 0 : i32
      %dma_wait3A_78 = tpu.memref_slice %arg12[%dma_wait3A, %dma_wait3A_77] : memref<128x128xf32, #tpu.memory_space<vmem>> -> memref<128x128xf32, #tpu.memory_space<vmem>>
      %dma_wait3A_79 = arith.constant 0 : i32
      %dma_wait3A_80 = tpu.memref_slice %arg6[%arg0, %add3A_48, %dma_wait3A_79] : memref<2x10240x128xf32, #tpu.memory_space<hbm>> -> memref<1x128x128xf32, #tpu.memory_space<hbm>>
      %dma_wait3A_81 = tpu.memref_squeeze %dma_wait3A_80 : memref<1x128x128xf32, #tpu.memory_space<hbm>> -> memref<128x128xf32, #tpu.memory_space<hbm>>
      %dma_wait3A_82 = arith.constant 0 : i32
      %dma_wait3A_83 = tpu.memref_slice %arg6[%arg0, %add3A_48, %dma_wait3A_82] : memref<2x10240x128xf32, #tpu.memory_space<hbm>> -> memref<1x128x128xf32, #tpu.memory_space<hbm>>
      %dma_wait3A_84 = tpu.memref_squeeze %dma_wait3A_83 : memref<1x128x128xf32, #tpu.memory_space<hbm>> -> memref<128x128xf32, #tpu.memory_space<hbm>>
      %dma_wait3A_85 = arith.constant 0 : i32
      %dma_wait3A_86 = arith.constant 0 : i32
      %dma_wait3A_87 = tpu.memref_slice %arg12[%dma_wait3A_85, %dma_wait3A_86] : memref<128x128xf32, #tpu.memory_space<vmem>> -> memref<128x128xf32, #tpu.memory_space<vmem>>
      tpu.wait_dma2 semaphore(%run_scoped3A : memref<!tpu.dma_semaphore, #tpu.memory_space<semaphore_mem>>) src(%dma_wait3A_87 : memref<128x128xf32, #tpu.memory_space<vmem>>) dst(%dma_wait3A_84 : memref<128x128xf32, #tpu.memory_space<hbm>>)
      tpu.yield
    }) : () -> ()
    %add3A_49 = arith.constant 128 : i32
    %add3A_50 = arith.addi %mul3A_2, %add3A_49 : i32
    "tpu.region"() ({
      %run_scoped3A = tpu.sem_alloc : memref<!tpu.dma_semaphore, #tpu.memory_space<semaphore_mem>>
      %dma_start3A_65 = arith.constant 0 : i32
      %dma_start3A_66 = arith.constant 0 : i32
      %dma_start3A_67 = tpu.memref_slice %arg12[%dma_start3A_65, %dma_start3A_66] : memref<128x128xf32, #tpu.memory_space<vmem>> -> memref<128x128xf32, #tpu.memory_space<vmem>>
      %dma_start3A_68 = arith.constant 0 : i32
      %dma_start3A_69 = tpu.memref_slice %arg7[%add3A_50, %dma_start3A_68] : memref<10240x128xf32, #tpu.memory_space<vmem_shared>> -> memref<128x128xf32, #tpu.memory_space<vmem_shared>>
      %dma_start3A_70 = arith.constant 0 : i32
      %dma_start3A_71 = arith.constant 0 : i32
      %dma_start3A_72 = tpu.memref_slice %arg12[%dma_start3A_70, %dma_start3A_71] : memref<128x128xf32, #tpu.memory_space<vmem>> -> memref<128x128xf32, #tpu.memory_space<vmem>>
      %dma_start3A_73 = arith.constant 0 : i32
      %dma_start3A_74 = tpu.memref_slice %arg7[%add3A_50, %dma_start3A_73] : memref<10240x128xf32, #tpu.memory_space<vmem_shared>> -> memref<128x128xf32, #tpu.memory_space<vmem_shared>>
      tpu.enqueue_dma source(%dma_start3A_74 : memref<128x128xf32, #tpu.memory_space<vmem_shared>>) target(%dma_start3A_72 : memref<128x128xf32, #tpu.memory_space<vmem>>) target_semaphore(%run_scoped3A : memref<!tpu.dma_semaphore, #tpu.memory_space<semaphore_mem>>)
      %dma_wait3A = arith.constant 0 : i32
      %dma_wait3A_75 = arith.constant 0 : i32
      %dma_wait3A_76 = tpu.memref_slice %arg12[%dma_wait3A, %dma_wait3A_75] : memref<128x128xf32, #tpu.memory_space<vmem>> -> memref<128x128xf32, #tpu.memory_space<vmem>>
      %dma_wait3A_77 = arith.constant 0 : i32
      %dma_wait3A_78 = tpu.memref_slice %arg7[%add3A_50, %dma_wait3A_77] : memref<10240x128xf32, #tpu.memory_space<vmem_shared>> -> memref<128x128xf32, #tpu.memory_space<vmem_shared>>
      %dma_wait3A_79 = arith.constant 0 : i32
      %dma_wait3A_80 = arith.constant 0 : i32
      %dma_wait3A_81 = tpu.memref_slice %arg12[%dma_wait3A_79, %dma_wait3A_80] : memref<128x128xf32, #tpu.memory_space<vmem>> -> memref<128x128xf32, #tpu.memory_space<vmem>>
      %dma_wait3A_82 = arith.constant 0 : i32
      %dma_wait3A_83 = tpu.memref_slice %arg7[%add3A_50, %dma_wait3A_82] : memref<10240x128xf32, #tpu.memory_space<vmem_shared>> -> memref<128x128xf32, #tpu.memory_space<vmem_shared>>
      tpu.wait_dma2 semaphore(%run_scoped3A : memref<!tpu.dma_semaphore, #tpu.memory_space<semaphore_mem>>) src(%dma_wait3A_83 : memref<128x128xf32, #tpu.memory_space<vmem_shared>>) dst(%dma_wait3A_81 : memref<128x128xf32, #tpu.memory_space<vmem>>)
      tpu.yield
    }) : () -> ()
    %add3A_51 = arith.constant 128 : i32
    %add3A_52 = arith.addi %mul3A_2, %add3A_51 : i32
    "tpu.region"() ({
      %run_scoped3A = tpu.sem_alloc : memref<!tpu.dma_semaphore, #tpu.memory_space<semaphore_mem>>
      %dma_start3A_65 = arith.constant 0 : i32
      %dma_start3A_66 = arith.constant 0 : i32
      %dma_start3A_67 = tpu.memref_slice %arg12[%dma_start3A_65, %dma_start3A_66] : memref<128x128xf32, #tpu.memory_space<vmem>> -> memref<128x128xf32, #tpu.memory_space<vmem>>
      %dma_start3A_68 = arith.constant 0 : i32
      %dma_start3A_69 = tpu.memref_slice %arg6[%arg0, %add3A_52, %dma_start3A_68] : memref<2x10240x128xf32, #tpu.memory_space<hbm>> -> memref<1x128x128xf32, #tpu.memory_space<hbm>>
      %dma_start3A_70 = tpu.memref_squeeze %dma_start3A_69 : memref<1x128x128xf32, #tpu.memory_space<hbm>> -> memref<128x128xf32, #tpu.memory_space<hbm>>
      %dma_start3A_71 = arith.constant 0 : i32
      %dma_start3A_72 = tpu.memref_slice %arg6[%arg0, %add3A_52, %dma_start3A_71] : memref<2x10240x128xf32, #tpu.memory_space<hbm>> -> memref<1x128x128xf32, #tpu.memory_space<hbm>>
      %dma_start3A_73 = tpu.memref_squeeze %dma_start3A_72 : memref<1x128x128xf32, #tpu.memory_space<hbm>> -> memref<128x128xf32, #tpu.memory_space<hbm>>
      %dma_start3A_74 = arith.constant 0 : i32
      %dma_start3A_75 = arith.constant 0 : i32
      %dma_start3A_76 = tpu.memref_slice %arg12[%dma_start3A_74, %dma_start3A_75] : memref<128x128xf32, #tpu.memory_space<vmem>> -> memref<128x128xf32, #tpu.memory_space<vmem>>
      tpu.enqueue_dma source(%dma_start3A_76 : memref<128x128xf32, #tpu.memory_space<vmem>>) target(%dma_start3A_73 : memref<128x128xf32, #tpu.memory_space<hbm>>) target_semaphore(%run_scoped3A : memref<!tpu.dma_semaphore, #tpu.memory_space<semaphore_mem>>)
      %dma_wait3A = arith.constant 0 : i32
      %dma_wait3A_77 = arith.constant 0 : i32
      %dma_wait3A_78 = tpu.memref_slice %arg12[%dma_wait3A, %dma_wait3A_77] : memref<128x128xf32, #tpu.memory_space<vmem>> -> memref<128x128xf32, #tpu.memory_space<vmem>>
      %dma_wait3A_79 = arith.constant 0 : i32
      %dma_wait3A_80 = tpu.memref_slice %arg6[%arg0, %add3A_52, %dma_wait3A_79] : memref<2x10240x128xf32, #tpu.memory_space<hbm>> -> memref<1x128x128xf32, #tpu.memory_space<hbm>>
      %dma_wait3A_81 = tpu.memref_squeeze %dma_wait3A_80 : memref<1x128x128xf32, #tpu.memory_space<hbm>> -> memref<128x128xf32, #tpu.memory_space<hbm>>
      %dma_wait3A_82 = arith.constant 0 : i32
      %dma_wait3A_83 = tpu.memref_slice %arg6[%arg0, %add3A_52, %dma_wait3A_82] : memref<2x10240x128xf32, #tpu.memory_space<hbm>> -> memref<1x128x128xf32, #tpu.memory_space<hbm>>
      %dma_wait3A_84 = tpu.memref_squeeze %dma_wait3A_83 : memref<1x128x128xf32, #tpu.memory_space<hbm>> -> memref<128x128xf32, #tpu.memory_space<hbm>>
      %dma_wait3A_85 = arith.constant 0 : i32
      %dma_wait3A_86 = arith.constant 0 : i32
      %dma_wait3A_87 = tpu.memref_slice %arg12[%dma_wait3A_85, %dma_wait3A_86] : memref<128x128xf32, #tpu.memory_space<vmem>> -> memref<128x128xf32, #tpu.memory_space<vmem>>
      tpu.wait_dma2 semaphore(%run_scoped3A : memref<!tpu.dma_semaphore, #tpu.memory_space<semaphore_mem>>) src(%dma_wait3A_87 : memref<128x128xf32, #tpu.memory_space<vmem>>) dst(%dma_wait3A_84 : memref<128x128xf32, #tpu.memory_space<hbm>>)
      tpu.yield
    }) : () -> ()
    %add3A_53 = arith.constant 256 : i32
    %add3A_54 = arith.addi %mul3A_2, %add3A_53 : i32
    "tpu.region"() ({
      %run_scoped3A = tpu.sem_alloc : memref<!tpu.dma_semaphore, #tpu.memory_space<semaphore_mem>>
      %dma_start3A_65 = arith.constant 0 : i32
      %dma_start3A_66 = arith.constant 0 : i32
      %dma_start3A_67 = tpu.memref_slice %arg12[%dma_start3A_65, %dma_start3A_66] : memref<128x128xf32, #tpu.memory_space<vmem>> -> memref<128x128xf32, #tpu.memory_space<vmem>>
      %dma_start3A_68 = arith.constant 0 : i32
      %dma_start3A_69 = tpu.memref_slice %arg7[%add3A_54, %dma_start3A_68] : memref<10240x128xf32, #tpu.memory_space<vmem_shared>> -> memref<128x128xf32, #tpu.memory_space<vmem_shared>>
      %dma_start3A_70 = arith.constant 0 : i32
      %dma_start3A_71 = arith.constant 0 : i32
      %dma_start3A_72 = tpu.memref_slice %arg12[%dma_start3A_70, %dma_start3A_71] : memref<128x128xf32, #tpu.memory_space<vmem>> -> memref<128x128xf32, #tpu.memory_space<vmem>>
      %dma_start3A_73 = arith.constant 0 : i32
      %dma_start3A_74 = tpu.memref_slice %arg7[%add3A_54, %dma_start3A_73] : memref<10240x128xf32, #tpu.memory_space<vmem_shared>> -> memref<128x128xf32, #tpu.memory_space<vmem_shared>>
      tpu.enqueue_dma source(%dma_start3A_74 : memref<128x128xf32, #tpu.memory_space<vmem_shared>>) target(%dma_start3A_72 : memref<128x128xf32, #tpu.memory_space<vmem>>) target_semaphore(%run_scoped3A : memref<!tpu.dma_semaphore, #tpu.memory_space<semaphore_mem>>)
      %dma_wait3A = arith.constant 0 : i32
      %dma_wait3A_75 = arith.constant 0 : i32
      %dma_wait3A_76 = tpu.memref_slice %arg12[%dma_wait3A, %dma_wait3A_75] : memref<128x128xf32, #tpu.memory_space<vmem>> -> memref<128x128xf32, #tpu.memory_space<vmem>>
      %dma_wait3A_77 = arith.constant 0 : i32
      %dma_wait3A_78 = tpu.memref_slice %arg7[%add3A_54, %dma_wait3A_77] : memref<10240x128xf32, #tpu.memory_space<vmem_shared>> -> memref<128x128xf32, #tpu.memory_space<vmem_shared>>
      %dma_wait3A_79 = arith.constant 0 : i32
      %dma_wait3A_80 = arith.constant 0 : i32
      %dma_wait3A_81 = tpu.memref_slice %arg12[%dma_wait3A_79, %dma_wait3A_80] : memref<128x128xf32, #tpu.memory_space<vmem>> -> memref<128x128xf32, #tpu.memory_space<vmem>>
      %dma_wait3A_82 = arith.constant 0 : i32
      %dma_wait3A_83 = tpu.memref_slice %arg7[%add3A_54, %dma_wait3A_82] : memref<10240x128xf32, #tpu.memory_space<vmem_shared>> -> memref<128x128xf32, #tpu.memory_space<vmem_shared>>
      tpu.wait_dma2 semaphore(%run_scoped3A : memref<!tpu.dma_semaphore, #tpu.memory_space<semaphore_mem>>) src(%dma_wait3A_83 : memref<128x128xf32, #tpu.memory_space<vmem_shared>>) dst(%dma_wait3A_81 : memref<128x128xf32, #tpu.memory_space<vmem>>)
      tpu.yield
    }) : () -> ()
    %add3A_55 = arith.constant 256 : i32
    %add3A_56 = arith.addi %mul3A_2, %add3A_55 : i32
    "tpu.region"() ({
      %run_scoped3A = tpu.sem_alloc : memref<!tpu.dma_semaphore, #tpu.memory_space<semaphore_mem>>
      %dma_start3A_65 = arith.constant 0 : i32
      %dma_start3A_66 = arith.constant 0 : i32
      %dma_start3A_67 = tpu.memref_slice %arg12[%dma_start3A_65, %dma_start3A_66] : memref<128x128xf32, #tpu.memory_space<vmem>> -> memref<128x128xf32, #tpu.memory_space<vmem>>
      %dma_start3A_68 = arith.constant 0 : i32
      %dma_start3A_69 = tpu.memref_slice %arg6[%arg0, %add3A_56, %dma_start3A_68] : memref<2x10240x128xf32, #tpu.memory_space<hbm>> -> memref<1x128x128xf32, #tpu.memory_space<hbm>>
      %dma_start3A_70 = tpu.memref_squeeze %dma_start3A_69 : memref<1x128x128xf32, #tpu.memory_space<hbm>> -> memref<128x128xf32, #tpu.memory_space<hbm>>
      %dma_start3A_71 = arith.constant 0 : i32
      %dma_start3A_72 = tpu.memref_slice %arg6[%arg0, %add3A_56, %dma_start3A_71] : memref<2x10240x128xf32, #tpu.memory_space<hbm>> -> memref<1x128x128xf32, #tpu.memory_space<hbm>>
      %dma_start3A_73 = tpu.memref_squeeze %dma_start3A_72 : memref<1x128x128xf32, #tpu.memory_space<hbm>> -> memref<128x128xf32, #tpu.memory_space<hbm>>
      %dma_start3A_74 = arith.constant 0 : i32
      %dma_start3A_75 = arith.constant 0 : i32
      %dma_start3A_76 = tpu.memref_slice %arg12[%dma_start3A_74, %dma_start3A_75] : memref<128x128xf32, #tpu.memory_space<vmem>> -> memref<128x128xf32, #tpu.memory_space<vmem>>
      tpu.enqueue_dma source(%dma_start3A_76 : memref<128x128xf32, #tpu.memory_space<vmem>>) target(%dma_start3A_73 : memref<128x128xf32, #tpu.memory_space<hbm>>) target_semaphore(%run_scoped3A : memref<!tpu.dma_semaphore, #tpu.memory_space<semaphore_mem>>)
      %dma_wait3A = arith.constant 0 : i32
      %dma_wait3A_77 = arith.constant 0 : i32
      %dma_wait3A_78 = tpu.memref_slice %arg12[%dma_wait3A, %dma_wait3A_77] : memref<128x128xf32, #tpu.memory_space<vmem>> -> memref<128x128xf32, #tpu.memory_space<vmem>>
      %dma_wait3A_79 = arith.constant 0 : i32
      %dma_wait3A_80 = tpu.memref_slice %arg6[%arg0, %add3A_56, %dma_wait3A_79] : memref<2x10240x128xf32, #tpu.memory_space<hbm>> -> memref<1x128x128xf32, #tpu.memory_space<hbm>>
      %dma_wait3A_81 = tpu.memref_squeeze %dma_wait3A_80 : memref<1x128x128xf32, #tpu.memory_space<hbm>> -> memref<128x128xf32, #tpu.memory_space<hbm>>
      %dma_wait3A_82 = arith.constant 0 : i32
      %dma_wait3A_83 = tpu.memref_slice %arg6[%arg0, %add3A_56, %dma_wait3A_82] : memref<2x10240x128xf32, #tpu.memory_space<hbm>> -> memref<1x128x128xf32, #tpu.memory_space<hbm>>
      %dma_wait3A_84 = tpu.memref_squeeze %dma_wait3A_83 : memref<1x128x128xf32, #tpu.memory_space<hbm>> -> memref<128x128xf32, #tpu.memory_space<hbm>>
      %dma_wait3A_85 = arith.constant 0 : i32
      %dma_wait3A_86 = arith.constant 0 : i32
      %dma_wait3A_87 = tpu.memref_slice %arg12[%dma_wait3A_85, %dma_wait3A_86] : memref<128x128xf32, #tpu.memory_space<vmem>> -> memref<128x128xf32, #tpu.memory_space<vmem>>
      tpu.wait_dma2 semaphore(%run_scoped3A : memref<!tpu.dma_semaphore, #tpu.memory_space<semaphore_mem>>) src(%dma_wait3A_87 : memref<128x128xf32, #tpu.memory_space<vmem>>) dst(%dma_wait3A_84 : memref<128x128xf32, #tpu.memory_space<hbm>>)
      tpu.yield
    }) : () -> ()
    %add3A_57 = arith.constant 384 : i32
    %add3A_58 = arith.addi %mul3A_2, %add3A_57 : i32
    "tpu.region"() ({
      %run_scoped3A = tpu.sem_alloc : memref<!tpu.dma_semaphore, #tpu.memory_space<semaphore_mem>>
      %dma_start3A_65 = arith.constant 0 : i32
      %dma_start3A_66 = arith.constant 0 : i32
      %dma_start3A_67 = tpu.memref_slice %arg12[%dma_start3A_65, %dma_start3A_66] : memref<128x128xf32, #tpu.memory_space<vmem>> -> memref<128x128xf32, #tpu.memory_space<vmem>>
      %dma_start3A_68 = arith.constant 0 : i32
      %dma_start3A_69 = tpu.memref_slice %arg7[%add3A_58, %dma_start3A_68] : memref<10240x128xf32, #tpu.memory_space<vmem_shared>> -> memref<128x128xf32, #tpu.memory_space<vmem_shared>>
      %dma_start3A_70 = arith.constant 0 : i32
      %dma_start3A_71 = arith.constant 0 : i32
      %dma_start3A_72 = tpu.memref_slice %arg12[%dma_start3A_70, %dma_start3A_71] : memref<128x128xf32, #tpu.memory_space<vmem>> -> memref<128x128xf32, #tpu.memory_space<vmem>>
      %dma_start3A_73 = arith.constant 0 : i32
      %dma_start3A_74 = tpu.memref_slice %arg7[%add3A_58, %dma_start3A_73] : memref<10240x128xf32, #tpu.memory_space<vmem_shared>> -> memref<128x128xf32, #tpu.memory_space<vmem_shared>>
      tpu.enqueue_dma source(%dma_start3A_74 : memref<128x128xf32, #tpu.memory_space<vmem_shared>>) target(%dma_start3A_72 : memref<128x128xf32, #tpu.memory_space<vmem>>) target_semaphore(%run_scoped3A : memref<!tpu.dma_semaphore, #tpu.memory_space<semaphore_mem>>)
      %dma_wait3A = arith.constant 0 : i32
      %dma_wait3A_75 = arith.constant 0 : i32
      %dma_wait3A_76 = tpu.memref_slice %arg12[%dma_wait3A, %dma_wait3A_75] : memref<128x128xf32, #tpu.memory_space<vmem>> -> memref<128x128xf32, #tpu.memory_space<vmem>>
      %dma_wait3A_77 = arith.constant 0 : i32
      %dma_wait3A_78 = tpu.memref_slice %arg7[%add3A_58, %dma_wait3A_77] : memref<10240x128xf32, #tpu.memory_space<vmem_shared>> -> memref<128x128xf32, #tpu.memory_space<vmem_shared>>
      %dma_wait3A_79 = arith.constant 0 : i32
      %dma_wait3A_80 = arith.constant 0 : i32
      %dma_wait3A_81 = tpu.memref_slice %arg12[%dma_wait3A_79, %dma_wait3A_80] : memref<128x128xf32, #tpu.memory_space<vmem>> -> memref<128x128xf32, #tpu.memory_space<vmem>>
      %dma_wait3A_82 = arith.constant 0 : i32
      %dma_wait3A_83 = tpu.memref_slice %arg7[%add3A_58, %dma_wait3A_82] : memref<10240x128xf32, #tpu.memory_space<vmem_shared>> -> memref<128x128xf32, #tpu.memory_space<vmem_shared>>
      tpu.wait_dma2 semaphore(%run_scoped3A : memref<!tpu.dma_semaphore, #tpu.memory_space<semaphore_mem>>) src(%dma_wait3A_83 : memref<128x128xf32, #tpu.memory_space<vmem_shared>>) dst(%dma_wait3A_81 : memref<128x128xf32, #tpu.memory_space<vmem>>)
      tpu.yield
    }) : () -> ()
    %add3A_59 = arith.constant 384 : i32
    %add3A_60 = arith.addi %mul3A_2, %add3A_59 : i32
    "tpu.region"() ({
      %run_scoped3A = tpu.sem_alloc : memref<!tpu.dma_semaphore, #tpu.memory_space<semaphore_mem>>
      %dma_start3A_65 = arith.constant 0 : i32
      %dma_start3A_66 = arith.constant 0 : i32
      %dma_start3A_67 = tpu.memref_slice %arg12[%dma_start3A_65, %dma_start3A_66] : memref<128x128xf32, #tpu.memory_space<vmem>> -> memref<128x128xf32, #tpu.memory_space<vmem>>
      %dma_start3A_68 = arith.constant 0 : i32
      %dma_start3A_69 = tpu.memref_slice %arg6[%arg0, %add3A_60, %dma_start3A_68] : memref<2x10240x128xf32, #tpu.memory_space<hbm>> -> memref<1x128x128xf32, #tpu.memory_space<hbm>>
      %dma_start3A_70 = tpu.memref_squeeze %dma_start3A_69 : memref<1x128x128xf32, #tpu.memory_space<hbm>> -> memref<128x128xf32, #tpu.memory_space<hbm>>
      %dma_start3A_71 = arith.constant 0 : i32
      %dma_start3A_72 = tpu.memref_slice %arg6[%arg0, %add3A_60, %dma_start3A_71] : memref<2x10240x128xf32, #tpu.memory_space<hbm>> -> memref<1x128x128xf32, #tpu.memory_space<hbm>>
      %dma_start3A_73 = tpu.memref_squeeze %dma_start3A_72 : memref<1x128x128xf32, #tpu.memory_space<hbm>> -> memref<128x128xf32, #tpu.memory_space<hbm>>
      %dma_start3A_74 = arith.constant 0 : i32
      %dma_start3A_75 = arith.constant 0 : i32
      %dma_start3A_76 = tpu.memref_slice %arg12[%dma_start3A_74, %dma_start3A_75] : memref<128x128xf32, #tpu.memory_space<vmem>> -> memref<128x128xf32, #tpu.memory_space<vmem>>
      tpu.enqueue_dma source(%dma_start3A_76 : memref<128x128xf32, #tpu.memory_space<vmem>>) target(%dma_start3A_73 : memref<128x128xf32, #tpu.memory_space<hbm>>) target_semaphore(%run_scoped3A : memref<!tpu.dma_semaphore, #tpu.memory_space<semaphore_mem>>)
      %dma_wait3A = arith.constant 0 : i32
      %dma_wait3A_77 = arith.constant 0 : i32
      %dma_wait3A_78 = tpu.memref_slice %arg12[%dma_wait3A, %dma_wait3A_77] : memref<128x128xf32, #tpu.memory_space<vmem>> -> memref<128x128xf32, #tpu.memory_space<vmem>>
      %dma_wait3A_79 = arith.constant 0 : i32
      %dma_wait3A_80 = tpu.memref_slice %arg6[%arg0, %add3A_60, %dma_wait3A_79] : memref<2x10240x128xf32, #tpu.memory_space<hbm>> -> memref<1x128x128xf32, #tpu.memory_space<hbm>>
      %dma_wait3A_81 = tpu.memref_squeeze %dma_wait3A_80 : memref<1x128x128xf32, #tpu.memory_space<hbm>> -> memref<128x128xf32, #tpu.memory_space<hbm>>
      %dma_wait3A_82 = arith.constant 0 : i32
      %dma_wait3A_83 = tpu.memref_slice %arg6[%arg0, %add3A_60, %dma_wait3A_82] : memref<2x10240x128xf32, #tpu.memory_space<hbm>> -> memref<1x128x128xf32, #tpu.memory_space<hbm>>
      %dma_wait3A_84 = tpu.memref_squeeze %dma_wait3A_83 : memref<1x128x128xf32, #tpu.memory_space<hbm>> -> memref<128x128xf32, #tpu.memory_space<hbm>>
      %dma_wait3A_85 = arith.constant 0 : i32
      %dma_wait3A_86 = arith.constant 0 : i32
      %dma_wait3A_87 = tpu.memref_slice %arg12[%dma_wait3A_85, %dma_wait3A_86] : memref<128x128xf32, #tpu.memory_space<vmem>> -> memref<128x128xf32, #tpu.memory_space<vmem>>
      tpu.wait_dma2 semaphore(%run_scoped3A : memref<!tpu.dma_semaphore, #tpu.memory_space<semaphore_mem>>) src(%dma_wait3A_87 : memref<128x128xf32, #tpu.memory_space<vmem>>) dst(%dma_wait3A_84 : memref<128x128xf32, #tpu.memory_space<hbm>>)
      tpu.yield
    }) : () -> ()
    %add3A_61 = arith.constant 512 : i32
    %add3A_62 = arith.addi %mul3A_2, %add3A_61 : i32
    "tpu.region"() ({
      %run_scoped3A = tpu.sem_alloc : memref<!tpu.dma_semaphore, #tpu.memory_space<semaphore_mem>>
      %dma_start3A_65 = arith.constant 0 : i32
      %dma_start3A_66 = arith.constant 0 : i32
      %dma_start3A_67 = tpu.memref_slice %arg12[%dma_start3A_65, %dma_start3A_66] : memref<128x128xf32, #tpu.memory_space<vmem>> -> memref<128x128xf32, #tpu.memory_space<vmem>>
      %dma_start3A_68 = arith.constant 0 : i32
      %dma_start3A_69 = tpu.memref_slice %arg7[%add3A_62, %dma_start3A_68] : memref<10240x128xf32, #tpu.memory_space<vmem_shared>> -> memref<128x128xf32, #tpu.memory_space<vmem_shared>>
      %dma_start3A_70 = arith.constant 0 : i32
      %dma_start3A_71 = arith.constant 0 : i32
      %dma_start3A_72 = tpu.memref_slice %arg12[%dma_start3A_70, %dma_start3A_71] : memref<128x128xf32, #tpu.memory_space<vmem>> -> memref<128x128xf32, #tpu.memory_space<vmem>>
      %dma_start3A_73 = arith.constant 0 : i32
      %dma_start3A_74 = tpu.memref_slice %arg7[%add3A_62, %dma_start3A_73] : memref<10240x128xf32, #tpu.memory_space<vmem_shared>> -> memref<128x128xf32, #tpu.memory_space<vmem_shared>>
      tpu.enqueue_dma source(%dma_start3A_74 : memref<128x128xf32, #tpu.memory_space<vmem_shared>>) target(%dma_start3A_72 : memref<128x128xf32, #tpu.memory_space<vmem>>) target_semaphore(%run_scoped3A : memref<!tpu.dma_semaphore, #tpu.memory_space<semaphore_mem>>)
      %dma_wait3A = arith.constant 0 : i32
      %dma_wait3A_75 = arith.constant 0 : i32
      %dma_wait3A_76 = tpu.memref_slice %arg12[%dma_wait3A, %dma_wait3A_75] : memref<128x128xf32, #tpu.memory_space<vmem>> -> memref<128x128xf32, #tpu.memory_space<vmem>>
      %dma_wait3A_77 = arith.constant 0 : i32
      %dma_wait3A_78 = tpu.memref_slice %arg7[%add3A_62, %dma_wait3A_77] : memref<10240x128xf32, #tpu.memory_space<vmem_shared>> -> memref<128x128xf32, #tpu.memory_space<vmem_shared>>
      %dma_wait3A_79 = arith.constant 0 : i32
      %dma_wait3A_80 = arith.constant 0 : i32
      %dma_wait3A_81 = tpu.memref_slice %arg12[%dma_wait3A_79, %dma_wait3A_80] : memref<128x128xf32, #tpu.memory_space<vmem>> -> memref<128x128xf32, #tpu.memory_space<vmem>>
      %dma_wait3A_82 = arith.constant 0 : i32
      %dma_wait3A_83 = tpu.memref_slice %arg7[%add3A_62, %dma_wait3A_82] : memref<10240x128xf32, #tpu.memory_space<vmem_shared>> -> memref<128x128xf32, #tpu.memory_space<vmem_shared>>
      tpu.wait_dma2 semaphore(%run_scoped3A : memref<!tpu.dma_semaphore, #tpu.memory_space<semaphore_mem>>) src(%dma_wait3A_83 : memref<128x128xf32, #tpu.memory_space<vmem_shared>>) dst(%dma_wait3A_81 : memref<128x128xf32, #tpu.memory_space<vmem>>)
      tpu.yield
    }) : () -> ()
    %add3A_63 = arith.constant 512 : i32
    %add3A_64 = arith.addi %mul3A_2, %add3A_63 : i32
    "tpu.region"() ({
      %run_scoped3A = tpu.sem_alloc : memref<!tpu.dma_semaphore, #tpu.memory_space<semaphore_mem>>
      %dma_start3A_65 = arith.constant 0 : i32
      %dma_start3A_66 = arith.constant 0 : i32
      %dma_start3A_67 = tpu.memref_slice %arg12[%dma_start3A_65, %dma_start3A_66] : memref<128x128xf32, #tpu.memory_space<vmem>> -> memref<128x128xf32, #tpu.memory_space<vmem>>
      %dma_start3A_68 = arith.constant 0 : i32
      %dma_start3A_69 = tpu.memref_slice %arg6[%arg0, %add3A_64, %dma_start3A_68] : memref<2x10240x128xf32, #tpu.memory_space<hbm>> -> memref<1x128x128xf32, #tpu.memory_space<hbm>>
      %dma_start3A_70 = tpu.memref_squeeze %dma_start3A_69 : memref<1x128x128xf32, #tpu.memory_space<hbm>> -> memref<128x128xf32, #tpu.memory_space<hbm>>
      %dma_start3A_71 = arith.constant 0 : i32
      %dma_start3A_72 = tpu.memref_slice %arg6[%arg0, %add3A_64, %dma_start3A_71] : memref<2x10240x128xf32, #tpu.memory_space<hbm>> -> memref<1x128x128xf32, #tpu.memory_space<hbm>>
      %dma_start3A_73 = tpu.memref_squeeze %dma_start3A_72 : memref<1x128x128xf32, #tpu.memory_space<hbm>> -> memref<128x128xf32, #tpu.memory_space<hbm>>
      %dma_start3A_74 = arith.constant 0 : i32
      %dma_start3A_75 = arith.constant 0 : i32
      %dma_start3A_76 = tpu.memref_slice %arg12[%dma_start3A_74, %dma_start3A_75] : memref<128x128xf32, #tpu.memory_space<vmem>> -> memref<128x128xf32, #tpu.memory_space<vmem>>
      tpu.enqueue_dma source(%dma_start3A_76 : memref<128x128xf32, #tpu.memory_space<vmem>>) target(%dma_start3A_73 : memref<128x128xf32, #tpu.memory_space<hbm>>) target_semaphore(%run_scoped3A : memref<!tpu.dma_semaphore, #tpu.memory_space<semaphore_mem>>)
      %dma_wait3A = arith.constant 0 : i32
      %dma_wait3A_77 = arith.constant 0 : i32
      %dma_wait3A_78 = tpu.memref_slice %arg12[%dma_wait3A, %dma_wait3A_77] : memref<128x128xf32, #tpu.memory_space<vmem>> -> memref<128x128xf32, #tpu.memory_space<vmem>>
      %dma_wait3A_79 = arith.constant 0 : i32
      %dma_wait3A_80 = tpu.memref_slice %arg6[%arg0, %add3A_64, %dma_wait3A_79] : memref<2x10240x128xf32, #tpu.memory_space<hbm>> -> memref<1x128x128xf32, #tpu.memory_space<hbm>>
      %dma_wait3A_81 = tpu.memref_squeeze %dma_wait3A_80 : memref<1x128x128xf32, #tpu.memory_space<hbm>> -> memref<128x128xf32, #tpu.memory_space<hbm>>
      %dma_wait3A_82 = arith.constant 0 : i32
      %dma_wait3A_83 = tpu.memref_slice %arg6[%arg0, %add3A_64, %dma_wait3A_82] : memref<2x10240x128xf32, #tpu.memory_space<hbm>> -> memref<1x128x128xf32, #tpu.memory_space<hbm>>
      %dma_wait3A_84 = tpu.memref_squeeze %dma_wait3A_83 : memref<1x128x128xf32, #tpu.memory_space<hbm>> -> memref<128x128xf32, #tpu.memory_space<hbm>>
      %dma_wait3A_85 = arith.constant 0 : i32
      %dma_wait3A_86 = arith.constant 0 : i32
      %dma_wait3A_87 = tpu.memref_slice %arg12[%dma_wait3A_85, %dma_wait3A_86] : memref<128x128xf32, #tpu.memory_space<vmem>> -> memref<128x128xf32, #tpu.memory_space<vmem>>
      tpu.wait_dma2 semaphore(%run_scoped3A : memref<!tpu.dma_semaphore, #tpu.memory_space<semaphore_mem>>) src(%dma_wait3A_87 : memref<128x128xf32, #tpu.memory_space<vmem>>) dst(%dma_wait3A_84 : memref<128x128xf32, #tpu.memory_space<hbm>>)
      tpu.yield
    }) : () -> ()
    return
  }
}

#map = affine_map<(d0, d1) -> (0, 0)>
#map1 = affine_map<(d0, d1) -> (0, 0, 0)>
module attributes {stable_mosaic.version = 14 : i64} {
  func.func @_sc_body_segsum(%arg0: i32, %arg1: i32, %arg2: memref<10240x128xf32, #tpu.memory_space<hbm>>, %arg3: memref<32x79x128xi32, #tpu.memory_space<hbm>>, %arg4: memref<32x79x128xi32, #tpu.memory_space<hbm>>, %arg5: memref<128x128xf32, #tpu.memory_space<hbm>>, %arg6: memref<2x10240x128xf32, #tpu.memory_space<hbm>>, %arg7: memref<10240x128xf32, #tpu.memory_space<vmem_shared>>, %arg8: memref<128xi32, #tpu.memory_space<vmem>>, %arg9: memref<128xi32, #tpu.memory_space<vmem>>, %arg10: memref<128xi32, #tpu.memory_space<vmem>>, %arg11: memref<128xi32, #tpu.memory_space<vmem>>, %arg12: memref<128x128xf32, #tpu.memory_space<vmem>>, %arg13: memref<!tpu.dma_semaphore, #tpu.memory_space<semaphore_mem>>, %arg14: memref<!tpu.dma_semaphore, #tpu.memory_space<semaphore_mem>>, %arg15: memref<!tpu.dma_semaphore, #tpu.memory_space<semaphore_mem>>) attributes {dimension_semantics = [#tpu.dimension_semantics<core_parallel>, #tpu.dimension_semantics<subcore_parallel>], iteration_bounds = array<i64: 2, 16>, scalar_prefetch = 0 : i64, scratch_operands = 9 : i64, tpu.core_type = #tpu.core_type<sc_vector_subcore>, window_params = [{transform_indices = #map}, {transform_indices = #map1}, {transform_indices = #map1}, {transform_indices = #map}, {transform_indices = #map1}]} {
    %mul3A = arith.constant 2 : i32
    %mul3A_0 = arith.muli %arg1, %mul3A : i32
    %add3A = arith.addi %mul3A_0, %arg0 : i32
    %mul3A_1 = arith.constant 640 : i32
    %mul3A_2 = arith.muli %arg1, %mul3A_1 : i32
    "tpu.region"() ({
      %run_scoped3A = tpu.sem_alloc : memref<!tpu.dma_semaphore, #tpu.memory_space<semaphore_mem>>
      tpu.enqueue_dma source(%arg5 : memref<128x128xf32, #tpu.memory_space<hbm>>) target(%arg12 : memref<128x128xf32, #tpu.memory_space<vmem>>) target_semaphore(%run_scoped3A : memref<!tpu.dma_semaphore, #tpu.memory_space<semaphore_mem>>)
      tpu.wait_dma2 semaphore(%run_scoped3A : memref<!tpu.dma_semaphore, #tpu.memory_space<semaphore_mem>>) src(%arg5 : memref<128x128xf32, #tpu.memory_space<hbm>>) dst(%arg12 : memref<128x128xf32, #tpu.memory_space<vmem>>)
      tpu.yield
    }) : () -> ()
    %add3A_3 = arith.constant 0 : i32
    %add3A_4 = arith.addi %mul3A_2, %add3A_3 : i32
    "tpu.region"() ({
      %run_scoped3A = tpu.sem_alloc : memref<!tpu.dma_semaphore, #tpu.memory_space<semaphore_mem>>
      %dma_start3A_65 = arith.constant 0 : i32
      %dma_start3A_66 = arith.constant 0 : i32
      %dma_start3A_67 = tpu.memref_slice %arg12[%dma_start3A_65, %dma_start3A_66] : memref<128x128xf32, #tpu.memory_space<vmem>> -> memref<128x128xf32, #tpu.memory_space<vmem>>
      %dma_start3A_68 = arith.constant 0 : i32
      %dma_start3A_69 = tpu.memref_slice %arg7[%add3A_4, %dma_start3A_68] : memref<10240x128xf32, #tpu.memory_space<vmem_shared>> -> memref<128x128xf32, #tpu.memory_space<vmem_shared>>
      %dma_start3A_70 = arith.constant 0 : i32
      %dma_start3A_71 = tpu.memref_slice %arg7[%add3A_4, %dma_start3A_70] : memref<10240x128xf32, #tpu.memory_space<vmem_shared>> -> memref<128x128xf32, #tpu.memory_space<vmem_shared>>
      %dma_start3A_72 = arith.constant 0 : i32
      %dma_start3A_73 = arith.constant 0 : i32
      %dma_start3A_74 = tpu.memref_slice %arg12[%dma_start3A_72, %dma_start3A_73] : memref<128x128xf32, #tpu.memory_space<vmem>> -> memref<128x128xf32, #tpu.memory_space<vmem>>
      tpu.enqueue_dma source(%dma_start3A_74 : memref<128x128xf32, #tpu.memory_space<vmem>>) target(%dma_start3A_71 : memref<128x128xf32, #tpu.memory_space<vmem_shared>>) target_semaphore(%run_scoped3A : memref<!tpu.dma_semaphore, #tpu.memory_space<semaphore_mem>>)
      %dma_wait3A = arith.constant 0 : i32
      %dma_wait3A_75 = arith.constant 0 : i32
      %dma_wait3A_76 = tpu.memref_slice %arg12[%dma_wait3A, %dma_wait3A_75] : memref<128x128xf32, #tpu.memory_space<vmem>> -> memref<128x128xf32, #tpu.memory_space<vmem>>
      %dma_wait3A_77 = arith.constant 0 : i32
      %dma_wait3A_78 = tpu.memref_slice %arg7[%add3A_4, %dma_wait3A_77] : memref<10240x128xf32, #tpu.memory_space<vmem_shared>> -> memref<128x128xf32, #tpu.memory_space<vmem_shared>>
      %dma_wait3A_79 = arith.constant 0 : i32
      %dma_wait3A_80 = tpu.memref_slice %arg7[%add3A_4, %dma_wait3A_79] : memref<10240x128xf32, #tpu.memory_space<vmem_shared>> -> memref<128x128xf32, #tpu.memory_space<vmem_shared>>
      %dma_wait3A_81 = arith.constant 0 : i32
      %dma_wait3A_82 = arith.constant 0 : i32
      %dma_wait3A_83 = tpu.memref_slice %arg12[%dma_wait3A_81, %dma_wait3A_82] : memref<128x128xf32, #tpu.memory_space<vmem>> -> memref<128x128xf32, #tpu.memory_space<vmem>>
      tpu.wait_dma2 semaphore(%run_scoped3A : memref<!tpu.dma_semaphore, #tpu.memory_space<semaphore_mem>>) src(%dma_wait3A_83 : memref<128x128xf32, #tpu.memory_space<vmem>>) dst(%dma_wait3A_80 : memref<128x128xf32, #tpu.memory_space<vmem_shared>>)
      tpu.yield
    }) : () -> ()
    %add3A_5 = arith.constant 128 : i32
    %add3A_6 = arith.addi %mul3A_2, %add3A_5 : i32
    "tpu.region"() ({
      %run_scoped3A = tpu.sem_alloc : memref<!tpu.dma_semaphore, #tpu.memory_space<semaphore_mem>>
      %dma_start3A_65 = arith.constant 0 : i32
      %dma_start3A_66 = arith.constant 0 : i32
      %dma_start3A_67 = tpu.memref_slice %arg12[%dma_start3A_65, %dma_start3A_66] : memref<128x128xf32, #tpu.memory_space<vmem>> -> memref<128x128xf32, #tpu.memory_space<vmem>>
      %dma_start3A_68 = arith.constant 0 : i32
      %dma_start3A_69 = tpu.memref_slice %arg7[%add3A_6, %dma_start3A_68] : memref<10240x128xf32, #tpu.memory_space<vmem_shared>> -> memref<128x128xf32, #tpu.memory_space<vmem_shared>>
      %dma_start3A_70 = arith.constant 0 : i32
      %dma_start3A_71 = tpu.memref_slice %arg7[%add3A_6, %dma_start3A_70] : memref<10240x128xf32, #tpu.memory_space<vmem_shared>> -> memref<128x128xf32, #tpu.memory_space<vmem_shared>>
      %dma_start3A_72 = arith.constant 0 : i32
      %dma_start3A_73 = arith.constant 0 : i32
      %dma_start3A_74 = tpu.memref_slice %arg12[%dma_start3A_72, %dma_start3A_73] : memref<128x128xf32, #tpu.memory_space<vmem>> -> memref<128x128xf32, #tpu.memory_space<vmem>>
      tpu.enqueue_dma source(%dma_start3A_74 : memref<128x128xf32, #tpu.memory_space<vmem>>) target(%dma_start3A_71 : memref<128x128xf32, #tpu.memory_space<vmem_shared>>) target_semaphore(%run_scoped3A : memref<!tpu.dma_semaphore, #tpu.memory_space<semaphore_mem>>)
      %dma_wait3A = arith.constant 0 : i32
      %dma_wait3A_75 = arith.constant 0 : i32
      %dma_wait3A_76 = tpu.memref_slice %arg12[%dma_wait3A, %dma_wait3A_75] : memref<128x128xf32, #tpu.memory_space<vmem>> -> memref<128x128xf32, #tpu.memory_space<vmem>>
      %dma_wait3A_77 = arith.constant 0 : i32
      %dma_wait3A_78 = tpu.memref_slice %arg7[%add3A_6, %dma_wait3A_77] : memref<10240x128xf32, #tpu.memory_space<vmem_shared>> -> memref<128x128xf32, #tpu.memory_space<vmem_shared>>
      %dma_wait3A_79 = arith.constant 0 : i32
      %dma_wait3A_80 = tpu.memref_slice %arg7[%add3A_6, %dma_wait3A_79] : memref<10240x128xf32, #tpu.memory_space<vmem_shared>> -> memref<128x128xf32, #tpu.memory_space<vmem_shared>>
      %dma_wait3A_81 = arith.constant 0 : i32
      %dma_wait3A_82 = arith.constant 0 : i32
      %dma_wait3A_83 = tpu.memref_slice %arg12[%dma_wait3A_81, %dma_wait3A_82] : memref<128x128xf32, #tpu.memory_space<vmem>> -> memref<128x128xf32, #tpu.memory_space<vmem>>
      tpu.wait_dma2 semaphore(%run_scoped3A : memref<!tpu.dma_semaphore, #tpu.memory_space<semaphore_mem>>) src(%dma_wait3A_83 : memref<128x128xf32, #tpu.memory_space<vmem>>) dst(%dma_wait3A_80 : memref<128x128xf32, #tpu.memory_space<vmem_shared>>)
      tpu.yield
    }) : () -> ()
    %add3A_7 = arith.constant 256 : i32
    %add3A_8 = arith.addi %mul3A_2, %add3A_7 : i32
    "tpu.region"() ({
      %run_scoped3A = tpu.sem_alloc : memref<!tpu.dma_semaphore, #tpu.memory_space<semaphore_mem>>
      %dma_start3A_65 = arith.constant 0 : i32
      %dma_start3A_66 = arith.constant 0 : i32
      %dma_start3A_67 = tpu.memref_slice %arg12[%dma_start3A_65, %dma_start3A_66] : memref<128x128xf32, #tpu.memory_space<vmem>> -> memref<128x128xf32, #tpu.memory_space<vmem>>
      %dma_start3A_68 = arith.constant 0 : i32
      %dma_start3A_69 = tpu.memref_slice %arg7[%add3A_8, %dma_start3A_68] : memref<10240x128xf32, #tpu.memory_space<vmem_shared>> -> memref<128x128xf32, #tpu.memory_space<vmem_shared>>
      %dma_start3A_70 = arith.constant 0 : i32
      %dma_start3A_71 = tpu.memref_slice %arg7[%add3A_8, %dma_start3A_70] : memref<10240x128xf32, #tpu.memory_space<vmem_shared>> -> memref<128x128xf32, #tpu.memory_space<vmem_shared>>
      %dma_start3A_72 = arith.constant 0 : i32
      %dma_start3A_73 = arith.constant 0 : i32
      %dma_start3A_74 = tpu.memref_slice %arg12[%dma_start3A_72, %dma_start3A_73] : memref<128x128xf32, #tpu.memory_space<vmem>> -> memref<128x128xf32, #tpu.memory_space<vmem>>
      tpu.enqueue_dma source(%dma_start3A_74 : memref<128x128xf32, #tpu.memory_space<vmem>>) target(%dma_start3A_71 : memref<128x128xf32, #tpu.memory_space<vmem_shared>>) target_semaphore(%run_scoped3A : memref<!tpu.dma_semaphore, #tpu.memory_space<semaphore_mem>>)
      %dma_wait3A = arith.constant 0 : i32
      %dma_wait3A_75 = arith.constant 0 : i32
      %dma_wait3A_76 = tpu.memref_slice %arg12[%dma_wait3A, %dma_wait3A_75] : memref<128x128xf32, #tpu.memory_space<vmem>> -> memref<128x128xf32, #tpu.memory_space<vmem>>
      %dma_wait3A_77 = arith.constant 0 : i32
      %dma_wait3A_78 = tpu.memref_slice %arg7[%add3A_8, %dma_wait3A_77] : memref<10240x128xf32, #tpu.memory_space<vmem_shared>> -> memref<128x128xf32, #tpu.memory_space<vmem_shared>>
      %dma_wait3A_79 = arith.constant 0 : i32
      %dma_wait3A_80 = tpu.memref_slice %arg7[%add3A_8, %dma_wait3A_79] : memref<10240x128xf32, #tpu.memory_space<vmem_shared>> -> memref<128x128xf32, #tpu.memory_space<vmem_shared>>
      %dma_wait3A_81 = arith.constant 0 : i32
      %dma_wait3A_82 = arith.constant 0 : i32
      %dma_wait3A_83 = tpu.memref_slice %arg12[%dma_wait3A_81, %dma_wait3A_82] : memref<128x128xf32, #tpu.memory_space<vmem>> -> memref<128x128xf32, #tpu.memory_space<vmem>>
      tpu.wait_dma2 semaphore(%run_scoped3A : memref<!tpu.dma_semaphore, #tpu.memory_space<semaphore_mem>>) src(%dma_wait3A_83 : memref<128x128xf32, #tpu.memory_space<vmem>>) dst(%dma_wait3A_80 : memref<128x128xf32, #tpu.memory_space<vmem_shared>>)
      tpu.yield
    }) : () -> ()
    %add3A_9 = arith.constant 384 : i32
    %add3A_10 = arith.addi %mul3A_2, %add3A_9 : i32
    "tpu.region"() ({
      %run_scoped3A = tpu.sem_alloc : memref<!tpu.dma_semaphore, #tpu.memory_space<semaphore_mem>>
      %dma_start3A_65 = arith.constant 0 : i32
      %dma_start3A_66 = arith.constant 0 : i32
      %dma_start3A_67 = tpu.memref_slice %arg12[%dma_start3A_65, %dma_start3A_66] : memref<128x128xf32, #tpu.memory_space<vmem>> -> memref<128x128xf32, #tpu.memory_space<vmem>>
      %dma_start3A_68 = arith.constant 0 : i32
      %dma_start3A_69 = tpu.memref_slice %arg7[%add3A_10, %dma_start3A_68] : memref<10240x128xf32, #tpu.memory_space<vmem_shared>> -> memref<128x128xf32, #tpu.memory_space<vmem_shared>>
      %dma_start3A_70 = arith.constant 0 : i32
      %dma_start3A_71 = tpu.memref_slice %arg7[%add3A_10, %dma_start3A_70] : memref<10240x128xf32, #tpu.memory_space<vmem_shared>> -> memref<128x128xf32, #tpu.memory_space<vmem_shared>>
      %dma_start3A_72 = arith.constant 0 : i32
      %dma_start3A_73 = arith.constant 0 : i32
      %dma_start3A_74 = tpu.memref_slice %arg12[%dma_start3A_72, %dma_start3A_73] : memref<128x128xf32, #tpu.memory_space<vmem>> -> memref<128x128xf32, #tpu.memory_space<vmem>>
      tpu.enqueue_dma source(%dma_start3A_74 : memref<128x128xf32, #tpu.memory_space<vmem>>) target(%dma_start3A_71 : memref<128x128xf32, #tpu.memory_space<vmem_shared>>) target_semaphore(%run_scoped3A : memref<!tpu.dma_semaphore, #tpu.memory_space<semaphore_mem>>)
      %dma_wait3A = arith.constant 0 : i32
      %dma_wait3A_75 = arith.constant 0 : i32
      %dma_wait3A_76 = tpu.memref_slice %arg12[%dma_wait3A, %dma_wait3A_75] : memref<128x128xf32, #tpu.memory_space<vmem>> -> memref<128x128xf32, #tpu.memory_space<vmem>>
      %dma_wait3A_77 = arith.constant 0 : i32
      %dma_wait3A_78 = tpu.memref_slice %arg7[%add3A_10, %dma_wait3A_77] : memref<10240x128xf32, #tpu.memory_space<vmem_shared>> -> memref<128x128xf32, #tpu.memory_space<vmem_shared>>
      %dma_wait3A_79 = arith.constant 0 : i32
      %dma_wait3A_80 = tpu.memref_slice %arg7[%add3A_10, %dma_wait3A_79] : memref<10240x128xf32, #tpu.memory_space<vmem_shared>> -> memref<128x128xf32, #tpu.memory_space<vmem_shared>>
      %dma_wait3A_81 = arith.constant 0 : i32
      %dma_wait3A_82 = arith.constant 0 : i32
      %dma_wait3A_83 = tpu.memref_slice %arg12[%dma_wait3A_81, %dma_wait3A_82] : memref<128x128xf32, #tpu.memory_space<vmem>> -> memref<128x128xf32, #tpu.memory_space<vmem>>
      tpu.wait_dma2 semaphore(%run_scoped3A : memref<!tpu.dma_semaphore, #tpu.memory_space<semaphore_mem>>) src(%dma_wait3A_83 : memref<128x128xf32, #tpu.memory_space<vmem>>) dst(%dma_wait3A_80 : memref<128x128xf32, #tpu.memory_space<vmem_shared>>)
      tpu.yield
    }) : () -> ()
    %add3A_11 = arith.constant 512 : i32
    %add3A_12 = arith.addi %mul3A_2, %add3A_11 : i32
    "tpu.region"() ({
      %run_scoped3A = tpu.sem_alloc : memref<!tpu.dma_semaphore, #tpu.memory_space<semaphore_mem>>
      %dma_start3A_65 = arith.constant 0 : i32
      %dma_start3A_66 = arith.constant 0 : i32
      %dma_start3A_67 = tpu.memref_slice %arg12[%dma_start3A_65, %dma_start3A_66] : memref<128x128xf32, #tpu.memory_space<vmem>> -> memref<128x128xf32, #tpu.memory_space<vmem>>
      %dma_start3A_68 = arith.constant 0 : i32
      %dma_start3A_69 = tpu.memref_slice %arg7[%add3A_12, %dma_start3A_68] : memref<10240x128xf32, #tpu.memory_space<vmem_shared>> -> memref<128x128xf32, #tpu.memory_space<vmem_shared>>
      %dma_start3A_70 = arith.constant 0 : i32
      %dma_start3A_71 = tpu.memref_slice %arg7[%add3A_12, %dma_start3A_70] : memref<10240x128xf32, #tpu.memory_space<vmem_shared>> -> memref<128x128xf32, #tpu.memory_space<vmem_shared>>
      %dma_start3A_72 = arith.constant 0 : i32
      %dma_start3A_73 = arith.constant 0 : i32
      %dma_start3A_74 = tpu.memref_slice %arg12[%dma_start3A_72, %dma_start3A_73] : memref<128x128xf32, #tpu.memory_space<vmem>> -> memref<128x128xf32, #tpu.memory_space<vmem>>
      tpu.enqueue_dma source(%dma_start3A_74 : memref<128x128xf32, #tpu.memory_space<vmem>>) target(%dma_start3A_71 : memref<128x128xf32, #tpu.memory_space<vmem_shared>>) target_semaphore(%run_scoped3A : memref<!tpu.dma_semaphore, #tpu.memory_space<semaphore_mem>>)
      %dma_wait3A = arith.constant 0 : i32
      %dma_wait3A_75 = arith.constant 0 : i32
      %dma_wait3A_76 = tpu.memref_slice %arg12[%dma_wait3A, %dma_wait3A_75] : memref<128x128xf32, #tpu.memory_space<vmem>> -> memref<128x128xf32, #tpu.memory_space<vmem>>
      %dma_wait3A_77 = arith.constant 0 : i32
      %dma_wait3A_78 = tpu.memref_slice %arg7[%add3A_12, %dma_wait3A_77] : memref<10240x128xf32, #tpu.memory_space<vmem_shared>> -> memref<128x128xf32, #tpu.memory_space<vmem_shared>>
      %dma_wait3A_79 = arith.constant 0 : i32
      %dma_wait3A_80 = tpu.memref_slice %arg7[%add3A_12, %dma_wait3A_79] : memref<10240x128xf32, #tpu.memory_space<vmem_shared>> -> memref<128x128xf32, #tpu.memory_space<vmem_shared>>
      %dma_wait3A_81 = arith.constant 0 : i32
      %dma_wait3A_82 = arith.constant 0 : i32
      %dma_wait3A_83 = tpu.memref_slice %arg12[%dma_wait3A_81, %dma_wait3A_82] : memref<128x128xf32, #tpu.memory_space<vmem>> -> memref<128x128xf32, #tpu.memory_space<vmem>>
      tpu.wait_dma2 semaphore(%run_scoped3A : memref<!tpu.dma_semaphore, #tpu.memory_space<semaphore_mem>>) src(%dma_wait3A_83 : memref<128x128xf32, #tpu.memory_space<vmem>>) dst(%dma_wait3A_80 : memref<128x128xf32, #tpu.memory_space<vmem_shared>>)
      tpu.yield
    }) : () -> ()
    %barrier3A = arith.constant 0 : index
    tpu.barrier barrier_id(%barrier3A)
    %dma_start3A = arith.constant 0 : i32
    %dma_start3A_13 = arith.constant 0 : i32
    %dma_start3A_14 = tpu.memref_slice %arg3[%add3A, %dma_start3A, %dma_start3A_13] : memref<32x79x128xi32, #tpu.memory_space<hbm>> -> memref<1x1x128xi32, #tpu.memory_space<hbm>>
    %dma_start3A_15 = tpu.memref_squeeze %dma_start3A_14 : memref<1x1x128xi32, #tpu.memory_space<hbm>> -> memref<128xi32, #tpu.memory_space<hbm>>
    %dma_start3A_16 = arith.constant 0 : i32
    %dma_start3A_17 = tpu.memref_slice %arg3[%add3A, %dma_start3A, %dma_start3A_16] : memref<32x79x128xi32, #tpu.memory_space<hbm>> -> memref<1x1x128xi32, #tpu.memory_space<hbm>>
    %dma_start3A_18 = tpu.memref_squeeze %dma_start3A_17 : memref<1x1x128xi32, #tpu.memory_space<hbm>> -> memref<128xi32, #tpu.memory_space<hbm>>
    tpu.enqueue_dma source(%dma_start3A_18 : memref<128xi32, #tpu.memory_space<hbm>>) target(%arg8 : memref<128xi32, #tpu.memory_space<vmem>>) target_semaphore(%arg13 : memref<!tpu.dma_semaphore, #tpu.memory_space<semaphore_mem>>)
    %dma_start3A_19 = arith.constant 0 : i32
    %dma_start3A_20 = arith.constant 0 : i32
    %dma_start3A_21 = tpu.memref_slice %arg4[%add3A, %dma_start3A_19, %dma_start3A_20] : memref<32x79x128xi32, #tpu.memory_space<hbm>> -> memref<1x1x128xi32, #tpu.memory_space<hbm>>
    %dma_start3A_22 = tpu.memref_squeeze %dma_start3A_21 : memref<1x1x128xi32, #tpu.memory_space<hbm>> -> memref<128xi32, #tpu.memory_space<hbm>>
    %dma_start3A_23 = arith.constant 0 : i32
    %dma_start3A_24 = tpu.memref_slice %arg4[%add3A, %dma_start3A_19, %dma_start3A_23] : memref<32x79x128xi32, #tpu.memory_space<hbm>> -> memref<1x1x128xi32, #tpu.memory_space<hbm>>
    %dma_start3A_25 = tpu.memref_squeeze %dma_start3A_24 : memref<1x1x128xi32, #tpu.memory_space<hbm>> -> memref<128xi32, #tpu.memory_space<hbm>>
    tpu.enqueue_dma source(%dma_start3A_25 : memref<128xi32, #tpu.memory_space<hbm>>) target(%arg10 : memref<128xi32, #tpu.memory_space<vmem>>) target_semaphore(%arg13 : memref<!tpu.dma_semaphore, #tpu.memory_space<semaphore_mem>>)
    %dma_start3A_26 = arith.constant 1 : i32
    %dma_start3A_27 = arith.constant 0 : i32
    %dma_start3A_28 = tpu.memref_slice %arg3[%add3A, %dma_start3A_26, %dma_start3A_27] : memref<32x79x128xi32, #tpu.memory_space<hbm>> -> memref<1x1x128xi32, #tpu.memory_space<hbm>>
    %dma_start3A_29 = tpu.memref_squeeze %dma_start3A_28 : memref<1x1x128xi32, #tpu.memory_space<hbm>> -> memref<128xi32, #tpu.memory_space<hbm>>
    %dma_start3A_30 = arith.constant 0 : i32
    %dma_start3A_31 = tpu.memref_slice %arg3[%add3A, %dma_start3A_26, %dma_start3A_30] : memref<32x79x128xi32, #tpu.memory_space<hbm>> -> memref<1x1x128xi32, #tpu.memory_space<hbm>>
    %dma_start3A_32 = tpu.memref_squeeze %dma_start3A_31 : memref<1x1x128xi32, #tpu.memory_space<hbm>> -> memref<128xi32, #tpu.memory_space<hbm>>
    tpu.enqueue_dma source(%dma_start3A_32 : memref<128xi32, #tpu.memory_space<hbm>>) target(%arg9 : memref<128xi32, #tpu.memory_space<vmem>>) target_semaphore(%arg14 : memref<!tpu.dma_semaphore, #tpu.memory_space<semaphore_mem>>)
    %dma_start3A_33 = arith.constant 1 : i32
    %dma_start3A_34 = arith.constant 0 : i32
    %dma_start3A_35 = tpu.memref_slice %arg4[%add3A, %dma_start3A_33, %dma_start3A_34] : memref<32x79x128xi32, #tpu.memory_space<hbm>> -> memref<1x1x128xi32, #tpu.memory_space<hbm>>
    %dma_start3A_36 = tpu.memref_squeeze %dma_start3A_35 : memref<1x1x128xi32, #tpu.memory_space<hbm>> -> memref<128xi32, #tpu.memory_space<hbm>>
    %dma_start3A_37 = arith.constant 0 : i32
    %dma_start3A_38 = tpu.memref_slice %arg4[%add3A, %dma_start3A_33, %dma_start3A_37] : memref<32x79x128xi32, #tpu.memory_space<hbm>> -> memref<1x1x128xi32, #tpu.memory_space<hbm>>
    %dma_start3A_39 = tpu.memref_squeeze %dma_start3A_38 : memref<1x1x128xi32, #tpu.memory_space<hbm>> -> memref<128xi32, #tpu.memory_space<hbm>>
    tpu.enqueue_dma source(%dma_start3A_39 : memref<128xi32, #tpu.memory_space<hbm>>) target(%arg11 : memref<128xi32, #tpu.memory_space<vmem>>) target_semaphore(%arg14 : memref<!tpu.dma_semaphore, #tpu.memory_space<semaphore_mem>>)
    %scan3A = arith.constant 0 : i32
    %scan3A_40 = arith.constant 79 : i32
    %scan3A_41 = arith.addi %scan3A, %scan3A_40 : i32
    %scan3A_42 = arith.constant 1 : i32
    scf.for %scan3A_65 = %scan3A to %scan3A_41 step %scan3A_42  : i32 {
      %mul3A_66 = arith.constant 1 : i32
      %mul3A_67 = arith.muli %scan3A_65, %mul3A_66 : i32
      %add3A_68 = arith.constant 0 : i32
      %add3A_69 = arith.addi %add3A_68, %mul3A_67 : i32
      %rem3A = arith.constant 2 : i32
      %rem3A_70 = arith.remsi %add3A_69, %rem3A : i32
      %eq3A = arith.constant 0 : i32
      %eq3A_71 = arith.cmpi eq, %rem3A_70, %eq3A : i32
      %convert_element_type3A = arith.extui %eq3A_71 : i1 to i32
      %cond3A = arith.constant 0 : i32
      %cond3A_72 = arith.cmpi ne, %convert_element_type3A, %cond3A : i32
      scf.if %cond3A_72 {
        %dma_wait3A = arith.constant 0 : i32
        %dma_wait3A_80 = tpu.memref_slice %arg3[%add3A, %add3A_69, %dma_wait3A] : memref<32x79x128xi32, #tpu.memory_space<hbm>> -> memref<1x1x128xi32, #tpu.memory_space<hbm>>
        %dma_wait3A_81 = tpu.memref_squeeze %dma_wait3A_80 : memref<1x1x128xi32, #tpu.memory_space<hbm>> -> memref<128xi32, #tpu.memory_space<hbm>>
        %dma_wait3A_82 = arith.constant 0 : i32
        %dma_wait3A_83 = tpu.memref_slice %arg3[%add3A, %add3A_69, %dma_wait3A_82] : memref<32x79x128xi32, #tpu.memory_space<hbm>> -> memref<1x1x128xi32, #tpu.memory_space<hbm>>
        %dma_wait3A_84 = tpu.memref_squeeze %dma_wait3A_83 : memref<1x1x128xi32, #tpu.memory_space<hbm>> -> memref<128xi32, #tpu.memory_space<hbm>>
        tpu.wait_dma2 semaphore(%arg13 : memref<!tpu.dma_semaphore, #tpu.memory_space<semaphore_mem>>) src(%dma_wait3A_84 : memref<128xi32, #tpu.memory_space<hbm>>) dst(%arg8 : memref<128xi32, #tpu.memory_space<vmem>>)
        %dma_wait3A_85 = arith.constant 0 : i32
        %dma_wait3A_86 = tpu.memref_slice %arg4[%add3A, %add3A_69, %dma_wait3A_85] : memref<32x79x128xi32, #tpu.memory_space<hbm>> -> memref<1x1x128xi32, #tpu.memory_space<hbm>>
        %dma_wait3A_87 = tpu.memref_squeeze %dma_wait3A_86 : memref<1x1x128xi32, #tpu.memory_space<hbm>> -> memref<128xi32, #tpu.memory_space<hbm>>
        %dma_wait3A_88 = arith.constant 0 : i32
        %dma_wait3A_89 = tpu.memref_slice %arg4[%add3A, %add3A_69, %dma_wait3A_88] : memref<32x79x128xi32, #tpu.memory_space<hbm>> -> memref<1x1x128xi32, #tpu.memory_space<hbm>>
        %dma_wait3A_90 = tpu.memref_squeeze %dma_wait3A_89 : memref<1x1x128xi32, #tpu.memory_space<hbm>> -> memref<128xi32, #tpu.memory_space<hbm>>
        tpu.wait_dma2 semaphore(%arg13 : memref<!tpu.dma_semaphore, #tpu.memory_space<semaphore_mem>>) src(%dma_wait3A_90 : memref<128xi32, #tpu.memory_space<hbm>>) dst(%arg10 : memref<128xi32, #tpu.memory_space<vmem>>)
        %dma_start3A_91 = arith.constant 0 : i32
        %dma_start3A_92 = arith.constant 0 : i32
        %dma_start3A_93 = tpu.memref_slice %arg2[%dma_start3A_91, %dma_start3A_92] : memref<10240x128xf32, #tpu.memory_space<hbm>> -> memref<10240x128xf32, #tpu.memory_space<hbm>>
        tpu.enqueue_indirect_dma source(%dma_start3A_93 : memref<10240x128xf32, #tpu.memory_space<hbm>>) target(%arg12 : memref<128x128xf32, #tpu.memory_space<vmem>>) offsets(%arg8 : memref<128xi32, #tpu.memory_space<vmem>>) semaphore(%arg15 : memref<!tpu.dma_semaphore, #tpu.memory_space<semaphore_mem>>)
        %dma_wait3A_94 = arith.constant 0 : i32
        %dma_wait3A_95 = arith.constant 0 : i32
        %dma_wait3A_96 = tpu.memref_slice %arg2[%dma_wait3A_94, %dma_wait3A_95] : memref<10240x128xf32, #tpu.memory_space<hbm>> -> memref<10240x128xf32, #tpu.memory_space<hbm>>
        tpu.wait_indirect_dma semaphore(%arg15 : memref<!tpu.dma_semaphore, #tpu.memory_space<semaphore_mem>>) src(%dma_wait3A_96 : memref<10240x128xf32, #tpu.memory_space<hbm>>) dst(%arg12 : memref<128x128xf32, #tpu.memory_space<vmem>>)
        "tpu.region"() ({
          %run_scoped3A = tpu.sem_alloc : memref<!tpu.dma_semaphore, #tpu.memory_space<semaphore_mem>>
          %dma_start3A_103 = arith.constant 0 : i32
          %dma_start3A_104 = arith.constant 0 : i32
          %dma_start3A_105 = tpu.memref_slice %arg7[%dma_start3A_103, %dma_start3A_104] : memref<10240x128xf32, #tpu.memory_space<vmem_shared>> -> memref<10240x128xf32, #tpu.memory_space<vmem_shared>>
          tpu.enqueue_indirect_dma source(%arg12 : memref<128x128xf32, #tpu.memory_space<vmem>>) target(%dma_start3A_105 : memref<10240x128xf32, #tpu.memory_space<vmem_shared>>) offsets(%arg10 : memref<128xi32, #tpu.memory_space<vmem>>) semaphore(%run_scoped3A : memref<!tpu.dma_semaphore, #tpu.memory_space<semaphore_mem>>) {add = true}
          %dma_wait3A_106 = arith.constant 0 : i32
          %dma_wait3A_107 = arith.constant 0 : i32
          %dma_wait3A_108 = tpu.memref_slice %arg7[%dma_wait3A_106, %dma_wait3A_107] : memref<10240x128xf32, #tpu.memory_space<vmem_shared>> -> memref<10240x128xf32, #tpu.memory_space<vmem_shared>>
          tpu.wait_indirect_dma semaphore(%run_scoped3A : memref<!tpu.dma_semaphore, #tpu.memory_space<semaphore_mem>>) src(%arg12 : memref<128x128xf32, #tpu.memory_space<vmem>>) dst(%dma_wait3A_108 : memref<10240x128xf32, #tpu.memory_space<vmem_shared>>)
          tpu.yield
        }) : () -> ()
        %add3A_97 = arith.constant 2 : i32
        %add3A_98 = arith.addi %add3A_69, %add3A_97 : i32
        %lt3A = arith.constant 79 : i32
        %lt3A_99 = arith.cmpi slt, %add3A_98, %lt3A : i32
        %convert_element_type3A_100 = arith.extui %lt3A_99 : i1 to i32
        %cond3A_101 = arith.constant 0 : i32
        %cond3A_102 = arith.cmpi ne, %convert_element_type3A_100, %cond3A_101 : i32
        scf.if %cond3A_102 {
          %add3A_103 = arith.constant 2 : i32
          %add3A_104 = arith.addi %add3A_69, %add3A_103 : i32
          %dma_start3A_105 = arith.constant 0 : i32
          %dma_start3A_106 = tpu.memref_slice %arg3[%add3A, %add3A_104, %dma_start3A_105] : memref<32x79x128xi32, #tpu.memory_space<hbm>> -> memref<1x1x128xi32, #tpu.memory_space<hbm>>
          %dma_start3A_107 = tpu.memref_squeeze %dma_start3A_106 : memref<1x1x128xi32, #tpu.memory_space<hbm>> -> memref<128xi32, #tpu.memory_space<hbm>>
          %dma_start3A_108 = arith.constant 0 : i32
          %dma_start3A_109 = tpu.memref_slice %arg3[%add3A, %add3A_104, %dma_start3A_108] : memref<32x79x128xi32, #tpu.memory_space<hbm>> -> memref<1x1x128xi32, #tpu.memory_space<hbm>>
          %dma_start3A_110 = tpu.memref_squeeze %dma_start3A_109 : memref<1x1x128xi32, #tpu.memory_space<hbm>> -> memref<128xi32, #tpu.memory_space<hbm>>
          tpu.enqueue_dma source(%dma_start3A_110 : memref<128xi32, #tpu.memory_space<hbm>>) target(%arg8 : memref<128xi32, #tpu.memory_space<vmem>>) target_semaphore(%arg13 : memref<!tpu.dma_semaphore, #tpu.memory_space<semaphore_mem>>)
          %dma_start3A_111 = arith.constant 0 : i32
          %dma_start3A_112 = tpu.memref_slice %arg4[%add3A, %add3A_104, %dma_start3A_111] : memref<32x79x128xi32, #tpu.memory_space<hbm>> -> memref<1x1x128xi32, #tpu.memory_space<hbm>>
          %dma_start3A_113 = tpu.memref_squeeze %dma_start3A_112 : memref<1x1x128xi32, #tpu.memory_space<hbm>> -> memref<128xi32, #tpu.memory_space<hbm>>
          %dma_start3A_114 = arith.constant 0 : i32
          %dma_start3A_115 = tpu.memref_slice %arg4[%add3A, %add3A_104, %dma_start3A_114] : memref<32x79x128xi32, #tpu.memory_space<hbm>> -> memref<1x1x128xi32, #tpu.memory_space<hbm>>
          %dma_start3A_116 = tpu.memref_squeeze %dma_start3A_115 : memref<1x1x128xi32, #tpu.memory_space<hbm>> -> memref<128xi32, #tpu.memory_space<hbm>>
          tpu.enqueue_dma source(%dma_start3A_116 : memref<128xi32, #tpu.memory_space<hbm>>) target(%arg10 : memref<128xi32, #tpu.memory_space<vmem>>) target_semaphore(%arg13 : memref<!tpu.dma_semaphore, #tpu.memory_space<semaphore_mem>>)
        } else {
        }
      } else {
      }
      %rem3A_73 = arith.constant 2 : i32
      %rem3A_74 = arith.remsi %add3A_69, %rem3A_73 : i32
      %eq3A_75 = arith.constant 1 : i32
      %eq3A_76 = arith.cmpi eq, %rem3A_74, %eq3A_75 : i32
      %convert_element_type3A_77 = arith.extui %eq3A_76 : i1 to i32
      %cond3A_78 = arith.constant 0 : i32
      %cond3A_79 = arith.cmpi ne, %convert_element_type3A_77, %cond3A_78 : i32
      scf.if %cond3A_79 {
        %dma_wait3A = arith.constant 0 : i32
        %dma_wait3A_80 = tpu.memref_slice %arg3[%add3A, %add3A_69, %dma_wait3A] : memref<32x79x128xi32, #tpu.memory_space<hbm>> -> memref<1x1x128xi32, #tpu.memory_space<hbm>>
        %dma_wait3A_81 = tpu.memref_squeeze %dma_wait3A_80 : memref<1x1x128xi32, #tpu.memory_space<hbm>> -> memref<128xi32, #tpu.memory_space<hbm>>
        %dma_wait3A_82 = arith.constant 0 : i32
        %dma_wait3A_83 = tpu.memref_slice %arg3[%add3A, %add3A_69, %dma_wait3A_82] : memref<32x79x128xi32, #tpu.memory_space<hbm>> -> memref<1x1x128xi32, #tpu.memory_space<hbm>>
        %dma_wait3A_84 = tpu.memref_squeeze %dma_wait3A_83 : memref<1x1x128xi32, #tpu.memory_space<hbm>> -> memref<128xi32, #tpu.memory_space<hbm>>
        tpu.wait_dma2 semaphore(%arg14 : memref<!tpu.dma_semaphore, #tpu.memory_space<semaphore_mem>>) src(%dma_wait3A_84 : memref<128xi32, #tpu.memory_space<hbm>>) dst(%arg9 : memref<128xi32, #tpu.memory_space<vmem>>)
        %dma_wait3A_85 = arith.constant 0 : i32
        %dma_wait3A_86 = tpu.memref_slice %arg4[%add3A, %add3A_69, %dma_wait3A_85] : memref<32x79x128xi32, #tpu.memory_space<hbm>> -> memref<1x1x128xi32, #tpu.memory_space<hbm>>
        %dma_wait3A_87 = tpu.memref_squeeze %dma_wait3A_86 : memref<1x1x128xi32, #tpu.memory_space<hbm>> -> memref<128xi32, #tpu.memory_space<hbm>>
        %dma_wait3A_88 = arith.constant 0 : i32
        %dma_wait3A_89 = tpu.memref_slice %arg4[%add3A, %add3A_69, %dma_wait3A_88] : memref<32x79x128xi32, #tpu.memory_space<hbm>> -> memref<1x1x128xi32, #tpu.memory_space<hbm>>
        %dma_wait3A_90 = tpu.memref_squeeze %dma_wait3A_89 : memref<1x1x128xi32, #tpu.memory_space<hbm>> -> memref<128xi32, #tpu.memory_space<hbm>>
        tpu.wait_dma2 semaphore(%arg14 : memref<!tpu.dma_semaphore, #tpu.memory_space<semaphore_mem>>) src(%dma_wait3A_90 : memref<128xi32, #tpu.memory_space<hbm>>) dst(%arg11 : memref<128xi32, #tpu.memory_space<vmem>>)
        %dma_start3A_91 = arith.constant 0 : i32
        %dma_start3A_92 = arith.constant 0 : i32
        %dma_start3A_93 = tpu.memref_slice %arg2[%dma_start3A_91, %dma_start3A_92] : memref<10240x128xf32, #tpu.memory_space<hbm>> -> memref<10240x128xf32, #tpu.memory_space<hbm>>
        tpu.enqueue_indirect_dma source(%dma_start3A_93 : memref<10240x128xf32, #tpu.memory_space<hbm>>) target(%arg12 : memref<128x128xf32, #tpu.memory_space<vmem>>) offsets(%arg9 : memref<128xi32, #tpu.memory_space<vmem>>) semaphore(%arg15 : memref<!tpu.dma_semaphore, #tpu.memory_space<semaphore_mem>>)
        %dma_wait3A_94 = arith.constant 0 : i32
        %dma_wait3A_95 = arith.constant 0 : i32
        %dma_wait3A_96 = tpu.memref_slice %arg2[%dma_wait3A_94, %dma_wait3A_95] : memref<10240x128xf32, #tpu.memory_space<hbm>> -> memref<10240x128xf32, #tpu.memory_space<hbm>>
        tpu.wait_indirect_dma semaphore(%arg15 : memref<!tpu.dma_semaphore, #tpu.memory_space<semaphore_mem>>) src(%dma_wait3A_96 : memref<10240x128xf32, #tpu.memory_space<hbm>>) dst(%arg12 : memref<128x128xf32, #tpu.memory_space<vmem>>)
        "tpu.region"() ({
          %run_scoped3A = tpu.sem_alloc : memref<!tpu.dma_semaphore, #tpu.memory_space<semaphore_mem>>
          %dma_start3A_103 = arith.constant 0 : i32
          %dma_start3A_104 = arith.constant 0 : i32
          %dma_start3A_105 = tpu.memref_slice %arg7[%dma_start3A_103, %dma_start3A_104] : memref<10240x128xf32, #tpu.memory_space<vmem_shared>> -> memref<10240x128xf32, #tpu.memory_space<vmem_shared>>
          tpu.enqueue_indirect_dma source(%arg12 : memref<128x128xf32, #tpu.memory_space<vmem>>) target(%dma_start3A_105 : memref<10240x128xf32, #tpu.memory_space<vmem_shared>>) offsets(%arg11 : memref<128xi32, #tpu.memory_space<vmem>>) semaphore(%run_scoped3A : memref<!tpu.dma_semaphore, #tpu.memory_space<semaphore_mem>>) {add = true}
          %dma_wait3A_106 = arith.constant 0 : i32
          %dma_wait3A_107 = arith.constant 0 : i32
          %dma_wait3A_108 = tpu.memref_slice %arg7[%dma_wait3A_106, %dma_wait3A_107] : memref<10240x128xf32, #tpu.memory_space<vmem_shared>> -> memref<10240x128xf32, #tpu.memory_space<vmem_shared>>
          tpu.wait_indirect_dma semaphore(%run_scoped3A : memref<!tpu.dma_semaphore, #tpu.memory_space<semaphore_mem>>) src(%arg12 : memref<128x128xf32, #tpu.memory_space<vmem>>) dst(%dma_wait3A_108 : memref<10240x128xf32, #tpu.memory_space<vmem_shared>>)
          tpu.yield
        }) : () -> ()
        %add3A_97 = arith.constant 2 : i32
        %add3A_98 = arith.addi %add3A_69, %add3A_97 : i32
        %lt3A = arith.constant 79 : i32
        %lt3A_99 = arith.cmpi slt, %add3A_98, %lt3A : i32
        %convert_element_type3A_100 = arith.extui %lt3A_99 : i1 to i32
        %cond3A_101 = arith.constant 0 : i32
        %cond3A_102 = arith.cmpi ne, %convert_element_type3A_100, %cond3A_101 : i32
        scf.if %cond3A_102 {
          %add3A_103 = arith.constant 2 : i32
          %add3A_104 = arith.addi %add3A_69, %add3A_103 : i32
          %dma_start3A_105 = arith.constant 0 : i32
          %dma_start3A_106 = tpu.memref_slice %arg3[%add3A, %add3A_104, %dma_start3A_105] : memref<32x79x128xi32, #tpu.memory_space<hbm>> -> memref<1x1x128xi32, #tpu.memory_space<hbm>>
          %dma_start3A_107 = tpu.memref_squeeze %dma_start3A_106 : memref<1x1x128xi32, #tpu.memory_space<hbm>> -> memref<128xi32, #tpu.memory_space<hbm>>
          %dma_start3A_108 = arith.constant 0 : i32
          %dma_start3A_109 = tpu.memref_slice %arg3[%add3A, %add3A_104, %dma_start3A_108] : memref<32x79x128xi32, #tpu.memory_space<hbm>> -> memref<1x1x128xi32, #tpu.memory_space<hbm>>
          %dma_start3A_110 = tpu.memref_squeeze %dma_start3A_109 : memref<1x1x128xi32, #tpu.memory_space<hbm>> -> memref<128xi32, #tpu.memory_space<hbm>>
          tpu.enqueue_dma source(%dma_start3A_110 : memref<128xi32, #tpu.memory_space<hbm>>) target(%arg9 : memref<128xi32, #tpu.memory_space<vmem>>) target_semaphore(%arg14 : memref<!tpu.dma_semaphore, #tpu.memory_space<semaphore_mem>>)
          %dma_start3A_111 = arith.constant 0 : i32
          %dma_start3A_112 = tpu.memref_slice %arg4[%add3A, %add3A_104, %dma_start3A_111] : memref<32x79x128xi32, #tpu.memory_space<hbm>> -> memref<1x1x128xi32, #tpu.memory_space<hbm>>
          %dma_start3A_113 = tpu.memref_squeeze %dma_start3A_112 : memref<1x1x128xi32, #tpu.memory_space<hbm>> -> memref<128xi32, #tpu.memory_space<hbm>>
          %dma_start3A_114 = arith.constant 0 : i32
          %dma_start3A_115 = tpu.memref_slice %arg4[%add3A, %add3A_104, %dma_start3A_114] : memref<32x79x128xi32, #tpu.memory_space<hbm>> -> memref<1x1x128xi32, #tpu.memory_space<hbm>>
          %dma_start3A_116 = tpu.memref_squeeze %dma_start3A_115 : memref<1x1x128xi32, #tpu.memory_space<hbm>> -> memref<128xi32, #tpu.memory_space<hbm>>
          tpu.enqueue_dma source(%dma_start3A_116 : memref<128xi32, #tpu.memory_space<hbm>>) target(%arg11 : memref<128xi32, #tpu.memory_space<vmem>>) target_semaphore(%arg14 : memref<!tpu.dma_semaphore, #tpu.memory_space<semaphore_mem>>)
        } else {
        }
      } else {
      }
    }
    %scan3A_43 = arith.constant 79 : i32
    %barrier3A_44 = arith.constant 0 : index
    tpu.barrier barrier_id(%barrier3A_44)
    %add3A_45 = arith.constant 0 : i32
    %add3A_46 = arith.addi %mul3A_2, %add3A_45 : i32
    "tpu.region"() ({
      %run_scoped3A = tpu.sem_alloc : memref<!tpu.dma_semaphore, #tpu.memory_space<semaphore_mem>>
      %dma_start3A_65 = arith.constant 0 : i32
      %dma_start3A_66 = arith.constant 0 : i32
      %dma_start3A_67 = tpu.memref_slice %arg12[%dma_start3A_65, %dma_start3A_66] : memref<128x128xf32, #tpu.memory_space<vmem>> -> memref<128x128xf32, #tpu.memory_space<vmem>>
      %dma_start3A_68 = arith.constant 0 : i32
      %dma_start3A_69 = tpu.memref_slice %arg7[%add3A_46, %dma_start3A_68] : memref<10240x128xf32, #tpu.memory_space<vmem_shared>> -> memref<128x128xf32, #tpu.memory_space<vmem_shared>>
      %dma_start3A_70 = arith.constant 0 : i32
      %dma_start3A_71 = arith.constant 0 : i32
      %dma_start3A_72 = tpu.memref_slice %arg12[%dma_start3A_70, %dma_start3A_71] : memref<128x128xf32, #tpu.memory_space<vmem>> -> memref<128x128xf32, #tpu.memory_space<vmem>>
      %dma_start3A_73 = arith.constant 0 : i32
      %dma_start3A_74 = tpu.memref_slice %arg7[%add3A_46, %dma_start3A_73] : memref<10240x128xf32, #tpu.memory_space<vmem_shared>> -> memref<128x128xf32, #tpu.memory_space<vmem_shared>>
      tpu.enqueue_dma source(%dma_start3A_74 : memref<128x128xf32, #tpu.memory_space<vmem_shared>>) target(%dma_start3A_72 : memref<128x128xf32, #tpu.memory_space<vmem>>) target_semaphore(%run_scoped3A : memref<!tpu.dma_semaphore, #tpu.memory_space<semaphore_mem>>)
      %dma_wait3A = arith.constant 0 : i32
      %dma_wait3A_75 = arith.constant 0 : i32
      %dma_wait3A_76 = tpu.memref_slice %arg12[%dma_wait3A, %dma_wait3A_75] : memref<128x128xf32, #tpu.memory_space<vmem>> -> memref<128x128xf32, #tpu.memory_space<vmem>>
      %dma_wait3A_77 = arith.constant 0 : i32
      %dma_wait3A_78 = tpu.memref_slice %arg7[%add3A_46, %dma_wait3A_77] : memref<10240x128xf32, #tpu.memory_space<vmem_shared>> -> memref<128x128xf32, #tpu.memory_space<vmem_shared>>
      %dma_wait3A_79 = arith.constant 0 : i32
      %dma_wait3A_80 = arith.constant 0 : i32
      %dma_wait3A_81 = tpu.memref_slice %arg12[%dma_wait3A_79, %dma_wait3A_80] : memref<128x128xf32, #tpu.memory_space<vmem>> -> memref<128x128xf32, #tpu.memory_space<vmem>>
      %dma_wait3A_82 = arith.constant 0 : i32
      %dma_wait3A_83 = tpu.memref_slice %arg7[%add3A_46, %dma_wait3A_82] : memref<10240x128xf32, #tpu.memory_space<vmem_shared>> -> memref<128x128xf32, #tpu.memory_space<vmem_shared>>
      tpu.wait_dma2 semaphore(%run_scoped3A : memref<!tpu.dma_semaphore, #tpu.memory_space<semaphore_mem>>) src(%dma_wait3A_83 : memref<128x128xf32, #tpu.memory_space<vmem_shared>>) dst(%dma_wait3A_81 : memref<128x128xf32, #tpu.memory_space<vmem>>)
      tpu.yield
    }) : () -> ()
    %add3A_47 = arith.constant 0 : i32
    %add3A_48 = arith.addi %mul3A_2, %add3A_47 : i32
    "tpu.region"() ({
      %run_scoped3A = tpu.sem_alloc : memref<!tpu.dma_semaphore, #tpu.memory_space<semaphore_mem>>
      %dma_start3A_65 = arith.constant 0 : i32
      %dma_start3A_66 = arith.constant 0 : i32
      %dma_start3A_67 = tpu.memref_slice %arg12[%dma_start3A_65, %dma_start3A_66] : memref<128x128xf32, #tpu.memory_space<vmem>> -> memref<128x128xf32, #tpu.memory_space<vmem>>
      %dma_start3A_68 = arith.constant 0 : i32
      %dma_start3A_69 = tpu.memref_slice %arg6[%arg0, %add3A_48, %dma_start3A_68] : memref<2x10240x128xf32, #tpu.memory_space<hbm>> -> memref<1x128x128xf32, #tpu.memory_space<hbm>>
      %dma_start3A_70 = tpu.memref_squeeze %dma_start3A_69 : memref<1x128x128xf32, #tpu.memory_space<hbm>> -> memref<128x128xf32, #tpu.memory_space<hbm>>
      %dma_start3A_71 = arith.constant 0 : i32
      %dma_start3A_72 = tpu.memref_slice %arg6[%arg0, %add3A_48, %dma_start3A_71] : memref<2x10240x128xf32, #tpu.memory_space<hbm>> -> memref<1x128x128xf32, #tpu.memory_space<hbm>>
      %dma_start3A_73 = tpu.memref_squeeze %dma_start3A_72 : memref<1x128x128xf32, #tpu.memory_space<hbm>> -> memref<128x128xf32, #tpu.memory_space<hbm>>
      %dma_start3A_74 = arith.constant 0 : i32
      %dma_start3A_75 = arith.constant 0 : i32
      %dma_start3A_76 = tpu.memref_slice %arg12[%dma_start3A_74, %dma_start3A_75] : memref<128x128xf32, #tpu.memory_space<vmem>> -> memref<128x128xf32, #tpu.memory_space<vmem>>
      tpu.enqueue_dma source(%dma_start3A_76 : memref<128x128xf32, #tpu.memory_space<vmem>>) target(%dma_start3A_73 : memref<128x128xf32, #tpu.memory_space<hbm>>) target_semaphore(%run_scoped3A : memref<!tpu.dma_semaphore, #tpu.memory_space<semaphore_mem>>)
      %dma_wait3A = arith.constant 0 : i32
      %dma_wait3A_77 = arith.constant 0 : i32
      %dma_wait3A_78 = tpu.memref_slice %arg12[%dma_wait3A, %dma_wait3A_77] : memref<128x128xf32, #tpu.memory_space<vmem>> -> memref<128x128xf32, #tpu.memory_space<vmem>>
      %dma_wait3A_79 = arith.constant 0 : i32
      %dma_wait3A_80 = tpu.memref_slice %arg6[%arg0, %add3A_48, %dma_wait3A_79] : memref<2x10240x128xf32, #tpu.memory_space<hbm>> -> memref<1x128x128xf32, #tpu.memory_space<hbm>>
      %dma_wait3A_81 = tpu.memref_squeeze %dma_wait3A_80 : memref<1x128x128xf32, #tpu.memory_space<hbm>> -> memref<128x128xf32, #tpu.memory_space<hbm>>
      %dma_wait3A_82 = arith.constant 0 : i32
      %dma_wait3A_83 = tpu.memref_slice %arg6[%arg0, %add3A_48, %dma_wait3A_82] : memref<2x10240x128xf32, #tpu.memory_space<hbm>> -> memref<1x128x128xf32, #tpu.memory_space<hbm>>
      %dma_wait3A_84 = tpu.memref_squeeze %dma_wait3A_83 : memref<1x128x128xf32, #tpu.memory_space<hbm>> -> memref<128x128xf32, #tpu.memory_space<hbm>>
      %dma_wait3A_85 = arith.constant 0 : i32
      %dma_wait3A_86 = arith.constant 0 : i32
      %dma_wait3A_87 = tpu.memref_slice %arg12[%dma_wait3A_85, %dma_wait3A_86] : memref<128x128xf32, #tpu.memory_space<vmem>> -> memref<128x128xf32, #tpu.memory_space<vmem>>
      tpu.wait_dma2 semaphore(%run_scoped3A : memref<!tpu.dma_semaphore, #tpu.memory_space<semaphore_mem>>) src(%dma_wait3A_87 : memref<128x128xf32, #tpu.memory_space<vmem>>) dst(%dma_wait3A_84 : memref<128x128xf32, #tpu.memory_space<hbm>>)
      tpu.yield
    }) : () -> ()
    %add3A_49 = arith.constant 128 : i32
    %add3A_50 = arith.addi %mul3A_2, %add3A_49 : i32
    "tpu.region"() ({
      %run_scoped3A = tpu.sem_alloc : memref<!tpu.dma_semaphore, #tpu.memory_space<semaphore_mem>>
      %dma_start3A_65 = arith.constant 0 : i32
      %dma_start3A_66 = arith.constant 0 : i32
      %dma_start3A_67 = tpu.memref_slice %arg12[%dma_start3A_65, %dma_start3A_66] : memref<128x128xf32, #tpu.memory_space<vmem>> -> memref<128x128xf32, #tpu.memory_space<vmem>>
      %dma_start3A_68 = arith.constant 0 : i32
      %dma_start3A_69 = tpu.memref_slice %arg7[%add3A_50, %dma_start3A_68] : memref<10240x128xf32, #tpu.memory_space<vmem_shared>> -> memref<128x128xf32, #tpu.memory_space<vmem_shared>>
      %dma_start3A_70 = arith.constant 0 : i32
      %dma_start3A_71 = arith.constant 0 : i32
      %dma_start3A_72 = tpu.memref_slice %arg12[%dma_start3A_70, %dma_start3A_71] : memref<128x128xf32, #tpu.memory_space<vmem>> -> memref<128x128xf32, #tpu.memory_space<vmem>>
      %dma_start3A_73 = arith.constant 0 : i32
      %dma_start3A_74 = tpu.memref_slice %arg7[%add3A_50, %dma_start3A_73] : memref<10240x128xf32, #tpu.memory_space<vmem_shared>> -> memref<128x128xf32, #tpu.memory_space<vmem_shared>>
      tpu.enqueue_dma source(%dma_start3A_74 : memref<128x128xf32, #tpu.memory_space<vmem_shared>>) target(%dma_start3A_72 : memref<128x128xf32, #tpu.memory_space<vmem>>) target_semaphore(%run_scoped3A : memref<!tpu.dma_semaphore, #tpu.memory_space<semaphore_mem>>)
      %dma_wait3A = arith.constant 0 : i32
      %dma_wait3A_75 = arith.constant 0 : i32
      %dma_wait3A_76 = tpu.memref_slice %arg12[%dma_wait3A, %dma_wait3A_75] : memref<128x128xf32, #tpu.memory_space<vmem>> -> memref<128x128xf32, #tpu.memory_space<vmem>>
      %dma_wait3A_77 = arith.constant 0 : i32
      %dma_wait3A_78 = tpu.memref_slice %arg7[%add3A_50, %dma_wait3A_77] : memref<10240x128xf32, #tpu.memory_space<vmem_shared>> -> memref<128x128xf32, #tpu.memory_space<vmem_shared>>
      %dma_wait3A_79 = arith.constant 0 : i32
      %dma_wait3A_80 = arith.constant 0 : i32
      %dma_wait3A_81 = tpu.memref_slice %arg12[%dma_wait3A_79, %dma_wait3A_80] : memref<128x128xf32, #tpu.memory_space<vmem>> -> memref<128x128xf32, #tpu.memory_space<vmem>>
      %dma_wait3A_82 = arith.constant 0 : i32
      %dma_wait3A_83 = tpu.memref_slice %arg7[%add3A_50, %dma_wait3A_82] : memref<10240x128xf32, #tpu.memory_space<vmem_shared>> -> memref<128x128xf32, #tpu.memory_space<vmem_shared>>
      tpu.wait_dma2 semaphore(%run_scoped3A : memref<!tpu.dma_semaphore, #tpu.memory_space<semaphore_mem>>) src(%dma_wait3A_83 : memref<128x128xf32, #tpu.memory_space<vmem_shared>>) dst(%dma_wait3A_81 : memref<128x128xf32, #tpu.memory_space<vmem>>)
      tpu.yield
    }) : () -> ()
    %add3A_51 = arith.constant 128 : i32
    %add3A_52 = arith.addi %mul3A_2, %add3A_51 : i32
    "tpu.region"() ({
      %run_scoped3A = tpu.sem_alloc : memref<!tpu.dma_semaphore, #tpu.memory_space<semaphore_mem>>
      %dma_start3A_65 = arith.constant 0 : i32
      %dma_start3A_66 = arith.constant 0 : i32
      %dma_start3A_67 = tpu.memref_slice %arg12[%dma_start3A_65, %dma_start3A_66] : memref<128x128xf32, #tpu.memory_space<vmem>> -> memref<128x128xf32, #tpu.memory_space<vmem>>
      %dma_start3A_68 = arith.constant 0 : i32
      %dma_start3A_69 = tpu.memref_slice %arg6[%arg0, %add3A_52, %dma_start3A_68] : memref<2x10240x128xf32, #tpu.memory_space<hbm>> -> memref<1x128x128xf32, #tpu.memory_space<hbm>>
      %dma_start3A_70 = tpu.memref_squeeze %dma_start3A_69 : memref<1x128x128xf32, #tpu.memory_space<hbm>> -> memref<128x128xf32, #tpu.memory_space<hbm>>
      %dma_start3A_71 = arith.constant 0 : i32
      %dma_start3A_72 = tpu.memref_slice %arg6[%arg0, %add3A_52, %dma_start3A_71] : memref<2x10240x128xf32, #tpu.memory_space<hbm>> -> memref<1x128x128xf32, #tpu.memory_space<hbm>>
      %dma_start3A_73 = tpu.memref_squeeze %dma_start3A_72 : memref<1x128x128xf32, #tpu.memory_space<hbm>> -> memref<128x128xf32, #tpu.memory_space<hbm>>
      %dma_start3A_74 = arith.constant 0 : i32
      %dma_start3A_75 = arith.constant 0 : i32
      %dma_start3A_76 = tpu.memref_slice %arg12[%dma_start3A_74, %dma_start3A_75] : memref<128x128xf32, #tpu.memory_space<vmem>> -> memref<128x128xf32, #tpu.memory_space<vmem>>
      tpu.enqueue_dma source(%dma_start3A_76 : memref<128x128xf32, #tpu.memory_space<vmem>>) target(%dma_start3A_73 : memref<128x128xf32, #tpu.memory_space<hbm>>) target_semaphore(%run_scoped3A : memref<!tpu.dma_semaphore, #tpu.memory_space<semaphore_mem>>)
      %dma_wait3A = arith.constant 0 : i32
      %dma_wait3A_77 = arith.constant 0 : i32
      %dma_wait3A_78 = tpu.memref_slice %arg12[%dma_wait3A, %dma_wait3A_77] : memref<128x128xf32, #tpu.memory_space<vmem>> -> memref<128x128xf32, #tpu.memory_space<vmem>>
      %dma_wait3A_79 = arith.constant 0 : i32
      %dma_wait3A_80 = tpu.memref_slice %arg6[%arg0, %add3A_52, %dma_wait3A_79] : memref<2x10240x128xf32, #tpu.memory_space<hbm>> -> memref<1x128x128xf32, #tpu.memory_space<hbm>>
      %dma_wait3A_81 = tpu.memref_squeeze %dma_wait3A_80 : memref<1x128x128xf32, #tpu.memory_space<hbm>> -> memref<128x128xf32, #tpu.memory_space<hbm>>
      %dma_wait3A_82 = arith.constant 0 : i32
      %dma_wait3A_83 = tpu.memref_slice %arg6[%arg0, %add3A_52, %dma_wait3A_82] : memref<2x10240x128xf32, #tpu.memory_space<hbm>> -> memref<1x128x128xf32, #tpu.memory_space<hbm>>
      %dma_wait3A_84 = tpu.memref_squeeze %dma_wait3A_83 : memref<1x128x128xf32, #tpu.memory_space<hbm>> -> memref<128x128xf32, #tpu.memory_space<hbm>>
      %dma_wait3A_85 = arith.constant 0 : i32
      %dma_wait3A_86 = arith.constant 0 : i32
      %dma_wait3A_87 = tpu.memref_slice %arg12[%dma_wait3A_85, %dma_wait3A_86] : memref<128x128xf32, #tpu.memory_space<vmem>> -> memref<128x128xf32, #tpu.memory_space<vmem>>
      tpu.wait_dma2 semaphore(%run_scoped3A : memref<!tpu.dma_semaphore, #tpu.memory_space<semaphore_mem>>) src(%dma_wait3A_87 : memref<128x128xf32, #tpu.memory_space<vmem>>) dst(%dma_wait3A_84 : memref<128x128xf32, #tpu.memory_space<hbm>>)
      tpu.yield
    }) : () -> ()
    %add3A_53 = arith.constant 256 : i32
    %add3A_54 = arith.addi %mul3A_2, %add3A_53 : i32
    "tpu.region"() ({
      %run_scoped3A = tpu.sem_alloc : memref<!tpu.dma_semaphore, #tpu.memory_space<semaphore_mem>>
      %dma_start3A_65 = arith.constant 0 : i32
      %dma_start3A_66 = arith.constant 0 : i32
      %dma_start3A_67 = tpu.memref_slice %arg12[%dma_start3A_65, %dma_start3A_66] : memref<128x128xf32, #tpu.memory_space<vmem>> -> memref<128x128xf32, #tpu.memory_space<vmem>>
      %dma_start3A_68 = arith.constant 0 : i32
      %dma_start3A_69 = tpu.memref_slice %arg7[%add3A_54, %dma_start3A_68] : memref<10240x128xf32, #tpu.memory_space<vmem_shared>> -> memref<128x128xf32, #tpu.memory_space<vmem_shared>>
      %dma_start3A_70 = arith.constant 0 : i32
      %dma_start3A_71 = arith.constant 0 : i32
      %dma_start3A_72 = tpu.memref_slice %arg12[%dma_start3A_70, %dma_start3A_71] : memref<128x128xf32, #tpu.memory_space<vmem>> -> memref<128x128xf32, #tpu.memory_space<vmem>>
      %dma_start3A_73 = arith.constant 0 : i32
      %dma_start3A_74 = tpu.memref_slice %arg7[%add3A_54, %dma_start3A_73] : memref<10240x128xf32, #tpu.memory_space<vmem_shared>> -> memref<128x128xf32, #tpu.memory_space<vmem_shared>>
      tpu.enqueue_dma source(%dma_start3A_74 : memref<128x128xf32, #tpu.memory_space<vmem_shared>>) target(%dma_start3A_72 : memref<128x128xf32, #tpu.memory_space<vmem>>) target_semaphore(%run_scoped3A : memref<!tpu.dma_semaphore, #tpu.memory_space<semaphore_mem>>)
      %dma_wait3A = arith.constant 0 : i32
      %dma_wait3A_75 = arith.constant 0 : i32
      %dma_wait3A_76 = tpu.memref_slice %arg12[%dma_wait3A, %dma_wait3A_75] : memref<128x128xf32, #tpu.memory_space<vmem>> -> memref<128x128xf32, #tpu.memory_space<vmem>>
      %dma_wait3A_77 = arith.constant 0 : i32
      %dma_wait3A_78 = tpu.memref_slice %arg7[%add3A_54, %dma_wait3A_77] : memref<10240x128xf32, #tpu.memory_space<vmem_shared>> -> memref<128x128xf32, #tpu.memory_space<vmem_shared>>
      %dma_wait3A_79 = arith.constant 0 : i32
      %dma_wait3A_80 = arith.constant 0 : i32
      %dma_wait3A_81 = tpu.memref_slice %arg12[%dma_wait3A_79, %dma_wait3A_80] : memref<128x128xf32, #tpu.memory_space<vmem>> -> memref<128x128xf32, #tpu.memory_space<vmem>>
      %dma_wait3A_82 = arith.constant 0 : i32
      %dma_wait3A_83 = tpu.memref_slice %arg7[%add3A_54, %dma_wait3A_82] : memref<10240x128xf32, #tpu.memory_space<vmem_shared>> -> memref<128x128xf32, #tpu.memory_space<vmem_shared>>
      tpu.wait_dma2 semaphore(%run_scoped3A : memref<!tpu.dma_semaphore, #tpu.memory_space<semaphore_mem>>) src(%dma_wait3A_83 : memref<128x128xf32, #tpu.memory_space<vmem_shared>>) dst(%dma_wait3A_81 : memref<128x128xf32, #tpu.memory_space<vmem>>)
      tpu.yield
    }) : () -> ()
    %add3A_55 = arith.constant 256 : i32
    %add3A_56 = arith.addi %mul3A_2, %add3A_55 : i32
    "tpu.region"() ({
      %run_scoped3A = tpu.sem_alloc : memref<!tpu.dma_semaphore, #tpu.memory_space<semaphore_mem>>
      %dma_start3A_65 = arith.constant 0 : i32
      %dma_start3A_66 = arith.constant 0 : i32
      %dma_start3A_67 = tpu.memref_slice %arg12[%dma_start3A_65, %dma_start3A_66] : memref<128x128xf32, #tpu.memory_space<vmem>> -> memref<128x128xf32, #tpu.memory_space<vmem>>
      %dma_start3A_68 = arith.constant 0 : i32
      %dma_start3A_69 = tpu.memref_slice %arg6[%arg0, %add3A_56, %dma_start3A_68] : memref<2x10240x128xf32, #tpu.memory_space<hbm>> -> memref<1x128x128xf32, #tpu.memory_space<hbm>>
      %dma_start3A_70 = tpu.memref_squeeze %dma_start3A_69 : memref<1x128x128xf32, #tpu.memory_space<hbm>> -> memref<128x128xf32, #tpu.memory_space<hbm>>
      %dma_start3A_71 = arith.constant 0 : i32
      %dma_start3A_72 = tpu.memref_slice %arg6[%arg0, %add3A_56, %dma_start3A_71] : memref<2x10240x128xf32, #tpu.memory_space<hbm>> -> memref<1x128x128xf32, #tpu.memory_space<hbm>>
      %dma_start3A_73 = tpu.memref_squeeze %dma_start3A_72 : memref<1x128x128xf32, #tpu.memory_space<hbm>> -> memref<128x128xf32, #tpu.memory_space<hbm>>
      %dma_start3A_74 = arith.constant 0 : i32
      %dma_start3A_75 = arith.constant 0 : i32
      %dma_start3A_76 = tpu.memref_slice %arg12[%dma_start3A_74, %dma_start3A_75] : memref<128x128xf32, #tpu.memory_space<vmem>> -> memref<128x128xf32, #tpu.memory_space<vmem>>
      tpu.enqueue_dma source(%dma_start3A_76 : memref<128x128xf32, #tpu.memory_space<vmem>>) target(%dma_start3A_73 : memref<128x128xf32, #tpu.memory_space<hbm>>) target_semaphore(%run_scoped3A : memref<!tpu.dma_semaphore, #tpu.memory_space<semaphore_mem>>)
      %dma_wait3A = arith.constant 0 : i32
      %dma_wait3A_77 = arith.constant 0 : i32
      %dma_wait3A_78 = tpu.memref_slice %arg12[%dma_wait3A, %dma_wait3A_77] : memref<128x128xf32, #tpu.memory_space<vmem>> -> memref<128x128xf32, #tpu.memory_space<vmem>>
      %dma_wait3A_79 = arith.constant 0 : i32
      %dma_wait3A_80 = tpu.memref_slice %arg6[%arg0, %add3A_56, %dma_wait3A_79] : memref<2x10240x128xf32, #tpu.memory_space<hbm>> -> memref<1x128x128xf32, #tpu.memory_space<hbm>>
      %dma_wait3A_81 = tpu.memref_squeeze %dma_wait3A_80 : memref<1x128x128xf32, #tpu.memory_space<hbm>> -> memref<128x128xf32, #tpu.memory_space<hbm>>
      %dma_wait3A_82 = arith.constant 0 : i32
      %dma_wait3A_83 = tpu.memref_slice %arg6[%arg0, %add3A_56, %dma_wait3A_82] : memref<2x10240x128xf32, #tpu.memory_space<hbm>> -> memref<1x128x128xf32, #tpu.memory_space<hbm>>
      %dma_wait3A_84 = tpu.memref_squeeze %dma_wait3A_83 : memref<1x128x128xf32, #tpu.memory_space<hbm>> -> memref<128x128xf32, #tpu.memory_space<hbm>>
      %dma_wait3A_85 = arith.constant 0 : i32
      %dma_wait3A_86 = arith.constant 0 : i32
      %dma_wait3A_87 = tpu.memref_slice %arg12[%dma_wait3A_85, %dma_wait3A_86] : memref<128x128xf32, #tpu.memory_space<vmem>> -> memref<128x128xf32, #tpu.memory_space<vmem>>
      tpu.wait_dma2 semaphore(%run_scoped3A : memref<!tpu.dma_semaphore, #tpu.memory_space<semaphore_mem>>) src(%dma_wait3A_87 : memref<128x128xf32, #tpu.memory_space<vmem>>) dst(%dma_wait3A_84 : memref<128x128xf32, #tpu.memory_space<hbm>>)
      tpu.yield
    }) : () -> ()
    %add3A_57 = arith.constant 384 : i32
    %add3A_58 = arith.addi %mul3A_2, %add3A_57 : i32
    "tpu.region"() ({
      %run_scoped3A = tpu.sem_alloc : memref<!tpu.dma_semaphore, #tpu.memory_space<semaphore_mem>>
      %dma_start3A_65 = arith.constant 0 : i32
      %dma_start3A_66 = arith.constant 0 : i32
      %dma_start3A_67 = tpu.memref_slice %arg12[%dma_start3A_65, %dma_start3A_66] : memref<128x128xf32, #tpu.memory_space<vmem>> -> memref<128x128xf32, #tpu.memory_space<vmem>>
      %dma_start3A_68 = arith.constant 0 : i32
      %dma_start3A_69 = tpu.memref_slice %arg7[%add3A_58, %dma_start3A_68] : memref<10240x128xf32, #tpu.memory_space<vmem_shared>> -> memref<128x128xf32, #tpu.memory_space<vmem_shared>>
      %dma_start3A_70 = arith.constant 0 : i32
      %dma_start3A_71 = arith.constant 0 : i32
      %dma_start3A_72 = tpu.memref_slice %arg12[%dma_start3A_70, %dma_start3A_71] : memref<128x128xf32, #tpu.memory_space<vmem>> -> memref<128x128xf32, #tpu.memory_space<vmem>>
      %dma_start3A_73 = arith.constant 0 : i32
      %dma_start3A_74 = tpu.memref_slice %arg7[%add3A_58, %dma_start3A_73] : memref<10240x128xf32, #tpu.memory_space<vmem_shared>> -> memref<128x128xf32, #tpu.memory_space<vmem_shared>>
      tpu.enqueue_dma source(%dma_start3A_74 : memref<128x128xf32, #tpu.memory_space<vmem_shared>>) target(%dma_start3A_72 : memref<128x128xf32, #tpu.memory_space<vmem>>) target_semaphore(%run_scoped3A : memref<!tpu.dma_semaphore, #tpu.memory_space<semaphore_mem>>)
      %dma_wait3A = arith.constant 0 : i32
      %dma_wait3A_75 = arith.constant 0 : i32
      %dma_wait3A_76 = tpu.memref_slice %arg12[%dma_wait3A, %dma_wait3A_75] : memref<128x128xf32, #tpu.memory_space<vmem>> -> memref<128x128xf32, #tpu.memory_space<vmem>>
      %dma_wait3A_77 = arith.constant 0 : i32
      %dma_wait3A_78 = tpu.memref_slice %arg7[%add3A_58, %dma_wait3A_77] : memref<10240x128xf32, #tpu.memory_space<vmem_shared>> -> memref<128x128xf32, #tpu.memory_space<vmem_shared>>
      %dma_wait3A_79 = arith.constant 0 : i32
      %dma_wait3A_80 = arith.constant 0 : i32
      %dma_wait3A_81 = tpu.memref_slice %arg12[%dma_wait3A_79, %dma_wait3A_80] : memref<128x128xf32, #tpu.memory_space<vmem>> -> memref<128x128xf32, #tpu.memory_space<vmem>>
      %dma_wait3A_82 = arith.constant 0 : i32
      %dma_wait3A_83 = tpu.memref_slice %arg7[%add3A_58, %dma_wait3A_82] : memref<10240x128xf32, #tpu.memory_space<vmem_shared>> -> memref<128x128xf32, #tpu.memory_space<vmem_shared>>
      tpu.wait_dma2 semaphore(%run_scoped3A : memref<!tpu.dma_semaphore, #tpu.memory_space<semaphore_mem>>) src(%dma_wait3A_83 : memref<128x128xf32, #tpu.memory_space<vmem_shared>>) dst(%dma_wait3A_81 : memref<128x128xf32, #tpu.memory_space<vmem>>)
      tpu.yield
    }) : () -> ()
    %add3A_59 = arith.constant 384 : i32
    %add3A_60 = arith.addi %mul3A_2, %add3A_59 : i32
    "tpu.region"() ({
      %run_scoped3A = tpu.sem_alloc : memref<!tpu.dma_semaphore, #tpu.memory_space<semaphore_mem>>
      %dma_start3A_65 = arith.constant 0 : i32
      %dma_start3A_66 = arith.constant 0 : i32
      %dma_start3A_67 = tpu.memref_slice %arg12[%dma_start3A_65, %dma_start3A_66] : memref<128x128xf32, #tpu.memory_space<vmem>> -> memref<128x128xf32, #tpu.memory_space<vmem>>
      %dma_start3A_68 = arith.constant 0 : i32
      %dma_start3A_69 = tpu.memref_slice %arg6[%arg0, %add3A_60, %dma_start3A_68] : memref<2x10240x128xf32, #tpu.memory_space<hbm>> -> memref<1x128x128xf32, #tpu.memory_space<hbm>>
      %dma_start3A_70 = tpu.memref_squeeze %dma_start3A_69 : memref<1x128x128xf32, #tpu.memory_space<hbm>> -> memref<128x128xf32, #tpu.memory_space<hbm>>
      %dma_start3A_71 = arith.constant 0 : i32
      %dma_start3A_72 = tpu.memref_slice %arg6[%arg0, %add3A_60, %dma_start3A_71] : memref<2x10240x128xf32, #tpu.memory_space<hbm>> -> memref<1x128x128xf32, #tpu.memory_space<hbm>>
      %dma_start3A_73 = tpu.memref_squeeze %dma_start3A_72 : memref<1x128x128xf32, #tpu.memory_space<hbm>> -> memref<128x128xf32, #tpu.memory_space<hbm>>
      %dma_start3A_74 = arith.constant 0 : i32
      %dma_start3A_75 = arith.constant 0 : i32
      %dma_start3A_76 = tpu.memref_slice %arg12[%dma_start3A_74, %dma_start3A_75] : memref<128x128xf32, #tpu.memory_space<vmem>> -> memref<128x128xf32, #tpu.memory_space<vmem>>
      tpu.enqueue_dma source(%dma_start3A_76 : memref<128x128xf32, #tpu.memory_space<vmem>>) target(%dma_start3A_73 : memref<128x128xf32, #tpu.memory_space<hbm>>) target_semaphore(%run_scoped3A : memref<!tpu.dma_semaphore, #tpu.memory_space<semaphore_mem>>)
      %dma_wait3A = arith.constant 0 : i32
      %dma_wait3A_77 = arith.constant 0 : i32
      %dma_wait3A_78 = tpu.memref_slice %arg12[%dma_wait3A, %dma_wait3A_77] : memref<128x128xf32, #tpu.memory_space<vmem>> -> memref<128x128xf32, #tpu.memory_space<vmem>>
      %dma_wait3A_79 = arith.constant 0 : i32
      %dma_wait3A_80 = tpu.memref_slice %arg6[%arg0, %add3A_60, %dma_wait3A_79] : memref<2x10240x128xf32, #tpu.memory_space<hbm>> -> memref<1x128x128xf32, #tpu.memory_space<hbm>>
      %dma_wait3A_81 = tpu.memref_squeeze %dma_wait3A_80 : memref<1x128x128xf32, #tpu.memory_space<hbm>> -> memref<128x128xf32, #tpu.memory_space<hbm>>
      %dma_wait3A_82 = arith.constant 0 : i32
      %dma_wait3A_83 = tpu.memref_slice %arg6[%arg0, %add3A_60, %dma_wait3A_82] : memref<2x10240x128xf32, #tpu.memory_space<hbm>> -> memref<1x128x128xf32, #tpu.memory_space<hbm>>
      %dma_wait3A_84 = tpu.memref_squeeze %dma_wait3A_83 : memref<1x128x128xf32, #tpu.memory_space<hbm>> -> memref<128x128xf32, #tpu.memory_space<hbm>>
      %dma_wait3A_85 = arith.constant 0 : i32
      %dma_wait3A_86 = arith.constant 0 : i32
      %dma_wait3A_87 = tpu.memref_slice %arg12[%dma_wait3A_85, %dma_wait3A_86] : memref<128x128xf32, #tpu.memory_space<vmem>> -> memref<128x128xf32, #tpu.memory_space<vmem>>
      tpu.wait_dma2 semaphore(%run_scoped3A : memref<!tpu.dma_semaphore, #tpu.memory_space<semaphore_mem>>) src(%dma_wait3A_87 : memref<128x128xf32, #tpu.memory_space<vmem>>) dst(%dma_wait3A_84 : memref<128x128xf32, #tpu.memory_space<hbm>>)
      tpu.yield
    }) : () -> ()
    %add3A_61 = arith.constant 512 : i32
    %add3A_62 = arith.addi %mul3A_2, %add3A_61 : i32
    "tpu.region"() ({
      %run_scoped3A = tpu.sem_alloc : memref<!tpu.dma_semaphore, #tpu.memory_space<semaphore_mem>>
      %dma_start3A_65 = arith.constant 0 : i32
      %dma_start3A_66 = arith.constant 0 : i32
      %dma_start3A_67 = tpu.memref_slice %arg12[%dma_start3A_65, %dma_start3A_66] : memref<128x128xf32, #tpu.memory_space<vmem>> -> memref<128x128xf32, #tpu.memory_space<vmem>>
      %dma_start3A_68 = arith.constant 0 : i32
      %dma_start3A_69 = tpu.memref_slice %arg7[%add3A_62, %dma_start3A_68] : memref<10240x128xf32, #tpu.memory_space<vmem_shared>> -> memref<128x128xf32, #tpu.memory_space<vmem_shared>>
      %dma_start3A_70 = arith.constant 0 : i32
      %dma_start3A_71 = arith.constant 0 : i32
      %dma_start3A_72 = tpu.memref_slice %arg12[%dma_start3A_70, %dma_start3A_71] : memref<128x128xf32, #tpu.memory_space<vmem>> -> memref<128x128xf32, #tpu.memory_space<vmem>>
      %dma_start3A_73 = arith.constant 0 : i32
      %dma_start3A_74 = tpu.memref_slice %arg7[%add3A_62, %dma_start3A_73] : memref<10240x128xf32, #tpu.memory_space<vmem_shared>> -> memref<128x128xf32, #tpu.memory_space<vmem_shared>>
      tpu.enqueue_dma source(%dma_start3A_74 : memref<128x128xf32, #tpu.memory_space<vmem_shared>>) target(%dma_start3A_72 : memref<128x128xf32, #tpu.memory_space<vmem>>) target_semaphore(%run_scoped3A : memref<!tpu.dma_semaphore, #tpu.memory_space<semaphore_mem>>)
      %dma_wait3A = arith.constant 0 : i32
      %dma_wait3A_75 = arith.constant 0 : i32
      %dma_wait3A_76 = tpu.memref_slice %arg12[%dma_wait3A, %dma_wait3A_75] : memref<128x128xf32, #tpu.memory_space<vmem>> -> memref<128x128xf32, #tpu.memory_space<vmem>>
      %dma_wait3A_77 = arith.constant 0 : i32
      %dma_wait3A_78 = tpu.memref_slice %arg7[%add3A_62, %dma_wait3A_77] : memref<10240x128xf32, #tpu.memory_space<vmem_shared>> -> memref<128x128xf32, #tpu.memory_space<vmem_shared>>
      %dma_wait3A_79 = arith.constant 0 : i32
      %dma_wait3A_80 = arith.constant 0 : i32
      %dma_wait3A_81 = tpu.memref_slice %arg12[%dma_wait3A_79, %dma_wait3A_80] : memref<128x128xf32, #tpu.memory_space<vmem>> -> memref<128x128xf32, #tpu.memory_space<vmem>>
      %dma_wait3A_82 = arith.constant 0 : i32
      %dma_wait3A_83 = tpu.memref_slice %arg7[%add3A_62, %dma_wait3A_82] : memref<10240x128xf32, #tpu.memory_space<vmem_shared>> -> memref<128x128xf32, #tpu.memory_space<vmem_shared>>
      tpu.wait_dma2 semaphore(%run_scoped3A : memref<!tpu.dma_semaphore, #tpu.memory_space<semaphore_mem>>) src(%dma_wait3A_83 : memref<128x128xf32, #tpu.memory_space<vmem_shared>>) dst(%dma_wait3A_81 : memref<128x128xf32, #tpu.memory_space<vmem>>)
      tpu.yield
    }) : () -> ()
    %add3A_63 = arith.constant 512 : i32
    %add3A_64 = arith.addi %mul3A_2, %add3A_63 : i32
    "tpu.region"() ({
      %run_scoped3A = tpu.sem_alloc : memref<!tpu.dma_semaphore, #tpu.memory_space<semaphore_mem>>
      %dma_start3A_65 = arith.constant 0 : i32
      %dma_start3A_66 = arith.constant 0 : i32
      %dma_start3A_67 = tpu.memref_slice %arg12[%dma_start3A_65, %dma_start3A_66] : memref<128x128xf32, #tpu.memory_space<vmem>> -> memref<128x128xf32, #tpu.memory_space<vmem>>
      %dma_start3A_68 = arith.constant 0 : i32
      %dma_start3A_69 = tpu.memref_slice %arg6[%arg0, %add3A_64, %dma_start3A_68] : memref<2x10240x128xf32, #tpu.memory_space<hbm>> -> memref<1x128x128xf32, #tpu.memory_space<hbm>>
      %dma_start3A_70 = tpu.memref_squeeze %dma_start3A_69 : memref<1x128x128xf32, #tpu.memory_space<hbm>> -> memref<128x128xf32, #tpu.memory_space<hbm>>
      %dma_start3A_71 = arith.constant 0 : i32
      %dma_start3A_72 = tpu.memref_slice %arg6[%arg0, %add3A_64, %dma_start3A_71] : memref<2x10240x128xf32, #tpu.memory_space<hbm>> -> memref<1x128x128xf32, #tpu.memory_space<hbm>>
      %dma_start3A_73 = tpu.memref_squeeze %dma_start3A_72 : memref<1x128x128xf32, #tpu.memory_space<hbm>> -> memref<128x128xf32, #tpu.memory_space<hbm>>
      %dma_start3A_74 = arith.constant 0 : i32
      %dma_start3A_75 = arith.constant 0 : i32
      %dma_start3A_76 = tpu.memref_slice %arg12[%dma_start3A_74, %dma_start3A_75] : memref<128x128xf32, #tpu.memory_space<vmem>> -> memref<128x128xf32, #tpu.memory_space<vmem>>
      tpu.enqueue_dma source(%dma_start3A_76 : memref<128x128xf32, #tpu.memory_space<vmem>>) target(%dma_start3A_73 : memref<128x128xf32, #tpu.memory_space<hbm>>) target_semaphore(%run_scoped3A : memref<!tpu.dma_semaphore, #tpu.memory_space<semaphore_mem>>)
      %dma_wait3A = arith.constant 0 : i32
      %dma_wait3A_77 = arith.constant 0 : i32
      %dma_wait3A_78 = tpu.memref_slice %arg12[%dma_wait3A, %dma_wait3A_77] : memref<128x128xf32, #tpu.memory_space<vmem>> -> memref<128x128xf32, #tpu.memory_space<vmem>>
      %dma_wait3A_79 = arith.constant 0 : i32
      %dma_wait3A_80 = tpu.memref_slice %arg6[%arg0, %add3A_64, %dma_wait3A_79] : memref<2x10240x128xf32, #tpu.memory_space<hbm>> -> memref<1x128x128xf32, #tpu.memory_space<hbm>>
      %dma_wait3A_81 = tpu.memref_squeeze %dma_wait3A_80 : memref<1x128x128xf32, #tpu.memory_space<hbm>> -> memref<128x128xf32, #tpu.memory_space<hbm>>
      %dma_wait3A_82 = arith.constant 0 : i32
      %dma_wait3A_83 = tpu.memref_slice %arg6[%arg0, %add3A_64, %dma_wait3A_82] : memref<2x10240x128xf32, #tpu.memory_space<hbm>> -> memref<1x128x128xf32, #tpu.memory_space<hbm>>
      %dma_wait3A_84 = tpu.memref_squeeze %dma_wait3A_83 : memref<1x128x128xf32, #tpu.memory_space<hbm>> -> memref<128x128xf32, #tpu.memory_space<hbm>>
      %dma_wait3A_85 = arith.constant 0 : i32
      %dma_wait3A_86 = arith.constant 0 : i32
      %dma_wait3A_87 = tpu.memref_slice %arg12[%dma_wait3A_85, %dma_wait3A_86] : memref<128x128xf32, #tpu.memory_space<vmem>> -> memref<128x128xf32, #tpu.memory_space<vmem>>
      tpu.wait_dma2 semaphore(%run_scoped3A : memref<!tpu.dma_semaphore, #tpu.memory_space<semaphore_mem>>) src(%dma_wait3A_87 : memref<128x128xf32, #tpu.memory_space<vmem>>) dst(%dma_wait3A_84 : memref<128x128xf32, #tpu.memory_space<hbm>>)
      tpu.yield
    }) : () -> ()
    return
  }
}

#map = affine_map<(d0, d1) -> (0, 0, 0)>
#map1 = affine_map<(d0, d1) -> (0, 0)>
module attributes {stable_mosaic.version = 14 : i64} {
  func.func @_sc_body_deg(%arg0: i32, %arg1: i32, %arg2: memref<32x79x128xi32, #tpu.memory_space<hbm>>, %arg3: memref<128x128xf32, #tpu.memory_space<hbm>>, %arg4: memref<128x128xf32, #tpu.memory_space<hbm>>, %arg5: memref<2x10240x128xf32, #tpu.memory_space<hbm>>, %arg6: memref<10240x128xf32, #tpu.memory_space<vmem_shared>>, %arg7: memref<128xi32, #tpu.memory_space<vmem>>, %arg8: memref<128xi32, #tpu.memory_space<vmem>>, %arg9: memref<128x128xf32, #tpu.memory_space<vmem>>, %arg10: memref<!tpu.dma_semaphore, #tpu.memory_space<semaphore_mem>>, %arg11: memref<!tpu.dma_semaphore, #tpu.memory_space<semaphore_mem>>) attributes {dimension_semantics = [#tpu.dimension_semantics<core_parallel>, #tpu.dimension_semantics<subcore_parallel>], iteration_bounds = array<i64: 2, 16>, scalar_prefetch = 0 : i64, scratch_operands = 6 : i64, tpu.core_type = #tpu.core_type<sc_vector_subcore>, window_params = [{transform_indices = #map}, {transform_indices = #map1}, {transform_indices = #map1}, {transform_indices = #map}]} {
    %mul3A = arith.constant 2 : i32
    %mul3A_0 = arith.muli %arg1, %mul3A : i32
    %add3A = arith.addi %mul3A_0, %arg0 : i32
    %mul3A_1 = arith.constant 640 : i32
    %mul3A_2 = arith.muli %arg1, %mul3A_1 : i32
    "tpu.region"() ({
      %run_scoped3A = tpu.sem_alloc : memref<!tpu.dma_semaphore, #tpu.memory_space<semaphore_mem>>
      tpu.enqueue_dma source(%arg3 : memref<128x128xf32, #tpu.memory_space<hbm>>) target(%arg9 : memref<128x128xf32, #tpu.memory_space<vmem>>) target_semaphore(%run_scoped3A : memref<!tpu.dma_semaphore, #tpu.memory_space<semaphore_mem>>)
      tpu.wait_dma2 semaphore(%run_scoped3A : memref<!tpu.dma_semaphore, #tpu.memory_space<semaphore_mem>>) src(%arg3 : memref<128x128xf32, #tpu.memory_space<hbm>>) dst(%arg9 : memref<128x128xf32, #tpu.memory_space<vmem>>)
      tpu.yield
    }) : () -> ()
    %add3A_3 = arith.constant 0 : i32
    %add3A_4 = arith.addi %mul3A_2, %add3A_3 : i32
    "tpu.region"() ({
      %run_scoped3A = tpu.sem_alloc : memref<!tpu.dma_semaphore, #tpu.memory_space<semaphore_mem>>
      %dma_start3A_51 = arith.constant 0 : i32
      %dma_start3A_52 = arith.constant 0 : i32
      %dma_start3A_53 = tpu.memref_slice %arg9[%dma_start3A_51, %dma_start3A_52] : memref<128x128xf32, #tpu.memory_space<vmem>> -> memref<128x128xf32, #tpu.memory_space<vmem>>
      %dma_start3A_54 = arith.constant 0 : i32
      %dma_start3A_55 = tpu.memref_slice %arg6[%add3A_4, %dma_start3A_54] : memref<10240x128xf32, #tpu.memory_space<vmem_shared>> -> memref<128x128xf32, #tpu.memory_space<vmem_shared>>
      %dma_start3A_56 = arith.constant 0 : i32
      %dma_start3A_57 = tpu.memref_slice %arg6[%add3A_4, %dma_start3A_56] : memref<10240x128xf32, #tpu.memory_space<vmem_shared>> -> memref<128x128xf32, #tpu.memory_space<vmem_shared>>
      %dma_start3A_58 = arith.constant 0 : i32
      %dma_start3A_59 = arith.constant 0 : i32
      %dma_start3A_60 = tpu.memref_slice %arg9[%dma_start3A_58, %dma_start3A_59] : memref<128x128xf32, #tpu.memory_space<vmem>> -> memref<128x128xf32, #tpu.memory_space<vmem>>
      tpu.enqueue_dma source(%dma_start3A_60 : memref<128x128xf32, #tpu.memory_space<vmem>>) target(%dma_start3A_57 : memref<128x128xf32, #tpu.memory_space<vmem_shared>>) target_semaphore(%run_scoped3A : memref<!tpu.dma_semaphore, #tpu.memory_space<semaphore_mem>>)
      %dma_wait3A = arith.constant 0 : i32
      %dma_wait3A_61 = arith.constant 0 : i32
      %dma_wait3A_62 = tpu.memref_slice %arg9[%dma_wait3A, %dma_wait3A_61] : memref<128x128xf32, #tpu.memory_space<vmem>> -> memref<128x128xf32, #tpu.memory_space<vmem>>
      %dma_wait3A_63 = arith.constant 0 : i32
      %dma_wait3A_64 = tpu.memref_slice %arg6[%add3A_4, %dma_wait3A_63] : memref<10240x128xf32, #tpu.memory_space<vmem_shared>> -> memref<128x128xf32, #tpu.memory_space<vmem_shared>>
      %dma_wait3A_65 = arith.constant 0 : i32
      %dma_wait3A_66 = tpu.memref_slice %arg6[%add3A_4, %dma_wait3A_65] : memref<10240x128xf32, #tpu.memory_space<vmem_shared>> -> memref<128x128xf32, #tpu.memory_space<vmem_shared>>
      %dma_wait3A_67 = arith.constant 0 : i32
      %dma_wait3A_68 = arith.constant 0 : i32
      %dma_wait3A_69 = tpu.memref_slice %arg9[%dma_wait3A_67, %dma_wait3A_68] : memref<128x128xf32, #tpu.memory_space<vmem>> -> memref<128x128xf32, #tpu.memory_space<vmem>>
      tpu.wait_dma2 semaphore(%run_scoped3A : memref<!tpu.dma_semaphore, #tpu.memory_space<semaphore_mem>>) src(%dma_wait3A_69 : memref<128x128xf32, #tpu.memory_space<vmem>>) dst(%dma_wait3A_66 : memref<128x128xf32, #tpu.memory_space<vmem_shared>>)
      tpu.yield
    }) : () -> ()
    %add3A_5 = arith.constant 128 : i32
    %add3A_6 = arith.addi %mul3A_2, %add3A_5 : i32
    "tpu.region"() ({
      %run_scoped3A = tpu.sem_alloc : memref<!tpu.dma_semaphore, #tpu.memory_space<semaphore_mem>>
      %dma_start3A_51 = arith.constant 0 : i32
      %dma_start3A_52 = arith.constant 0 : i32
      %dma_start3A_53 = tpu.memref_slice %arg9[%dma_start3A_51, %dma_start3A_52] : memref<128x128xf32, #tpu.memory_space<vmem>> -> memref<128x128xf32, #tpu.memory_space<vmem>>
      %dma_start3A_54 = arith.constant 0 : i32
      %dma_start3A_55 = tpu.memref_slice %arg6[%add3A_6, %dma_start3A_54] : memref<10240x128xf32, #tpu.memory_space<vmem_shared>> -> memref<128x128xf32, #tpu.memory_space<vmem_shared>>
      %dma_start3A_56 = arith.constant 0 : i32
      %dma_start3A_57 = tpu.memref_slice %arg6[%add3A_6, %dma_start3A_56] : memref<10240x128xf32, #tpu.memory_space<vmem_shared>> -> memref<128x128xf32, #tpu.memory_space<vmem_shared>>
      %dma_start3A_58 = arith.constant 0 : i32
      %dma_start3A_59 = arith.constant 0 : i32
      %dma_start3A_60 = tpu.memref_slice %arg9[%dma_start3A_58, %dma_start3A_59] : memref<128x128xf32, #tpu.memory_space<vmem>> -> memref<128x128xf32, #tpu.memory_space<vmem>>
      tpu.enqueue_dma source(%dma_start3A_60 : memref<128x128xf32, #tpu.memory_space<vmem>>) target(%dma_start3A_57 : memref<128x128xf32, #tpu.memory_space<vmem_shared>>) target_semaphore(%run_scoped3A : memref<!tpu.dma_semaphore, #tpu.memory_space<semaphore_mem>>)
      %dma_wait3A = arith.constant 0 : i32
      %dma_wait3A_61 = arith.constant 0 : i32
      %dma_wait3A_62 = tpu.memref_slice %arg9[%dma_wait3A, %dma_wait3A_61] : memref<128x128xf32, #tpu.memory_space<vmem>> -> memref<128x128xf32, #tpu.memory_space<vmem>>
      %dma_wait3A_63 = arith.constant 0 : i32
      %dma_wait3A_64 = tpu.memref_slice %arg6[%add3A_6, %dma_wait3A_63] : memref<10240x128xf32, #tpu.memory_space<vmem_shared>> -> memref<128x128xf32, #tpu.memory_space<vmem_shared>>
      %dma_wait3A_65 = arith.constant 0 : i32
      %dma_wait3A_66 = tpu.memref_slice %arg6[%add3A_6, %dma_wait3A_65] : memref<10240x128xf32, #tpu.memory_space<vmem_shared>> -> memref<128x128xf32, #tpu.memory_space<vmem_shared>>
      %dma_wait3A_67 = arith.constant 0 : i32
      %dma_wait3A_68 = arith.constant 0 : i32
      %dma_wait3A_69 = tpu.memref_slice %arg9[%dma_wait3A_67, %dma_wait3A_68] : memref<128x128xf32, #tpu.memory_space<vmem>> -> memref<128x128xf32, #tpu.memory_space<vmem>>
      tpu.wait_dma2 semaphore(%run_scoped3A : memref<!tpu.dma_semaphore, #tpu.memory_space<semaphore_mem>>) src(%dma_wait3A_69 : memref<128x128xf32, #tpu.memory_space<vmem>>) dst(%dma_wait3A_66 : memref<128x128xf32, #tpu.memory_space<vmem_shared>>)
      tpu.yield
    }) : () -> ()
    %add3A_7 = arith.constant 256 : i32
    %add3A_8 = arith.addi %mul3A_2, %add3A_7 : i32
    "tpu.region"() ({
      %run_scoped3A = tpu.sem_alloc : memref<!tpu.dma_semaphore, #tpu.memory_space<semaphore_mem>>
      %dma_start3A_51 = arith.constant 0 : i32
      %dma_start3A_52 = arith.constant 0 : i32
      %dma_start3A_53 = tpu.memref_slice %arg9[%dma_start3A_51, %dma_start3A_52] : memref<128x128xf32, #tpu.memory_space<vmem>> -> memref<128x128xf32, #tpu.memory_space<vmem>>
      %dma_start3A_54 = arith.constant 0 : i32
      %dma_start3A_55 = tpu.memref_slice %arg6[%add3A_8, %dma_start3A_54] : memref<10240x128xf32, #tpu.memory_space<vmem_shared>> -> memref<128x128xf32, #tpu.memory_space<vmem_shared>>
      %dma_start3A_56 = arith.constant 0 : i32
      %dma_start3A_57 = tpu.memref_slice %arg6[%add3A_8, %dma_start3A_56] : memref<10240x128xf32, #tpu.memory_space<vmem_shared>> -> memref<128x128xf32, #tpu.memory_space<vmem_shared>>
      %dma_start3A_58 = arith.constant 0 : i32
      %dma_start3A_59 = arith.constant 0 : i32
      %dma_start3A_60 = tpu.memref_slice %arg9[%dma_start3A_58, %dma_start3A_59] : memref<128x128xf32, #tpu.memory_space<vmem>> -> memref<128x128xf32, #tpu.memory_space<vmem>>
      tpu.enqueue_dma source(%dma_start3A_60 : memref<128x128xf32, #tpu.memory_space<vmem>>) target(%dma_start3A_57 : memref<128x128xf32, #tpu.memory_space<vmem_shared>>) target_semaphore(%run_scoped3A : memref<!tpu.dma_semaphore, #tpu.memory_space<semaphore_mem>>)
      %dma_wait3A = arith.constant 0 : i32
      %dma_wait3A_61 = arith.constant 0 : i32
      %dma_wait3A_62 = tpu.memref_slice %arg9[%dma_wait3A, %dma_wait3A_61] : memref<128x128xf32, #tpu.memory_space<vmem>> -> memref<128x128xf32, #tpu.memory_space<vmem>>
      %dma_wait3A_63 = arith.constant 0 : i32
      %dma_wait3A_64 = tpu.memref_slice %arg6[%add3A_8, %dma_wait3A_63] : memref<10240x128xf32, #tpu.memory_space<vmem_shared>> -> memref<128x128xf32, #tpu.memory_space<vmem_shared>>
      %dma_wait3A_65 = arith.constant 0 : i32
      %dma_wait3A_66 = tpu.memref_slice %arg6[%add3A_8, %dma_wait3A_65] : memref<10240x128xf32, #tpu.memory_space<vmem_shared>> -> memref<128x128xf32, #tpu.memory_space<vmem_shared>>
      %dma_wait3A_67 = arith.constant 0 : i32
      %dma_wait3A_68 = arith.constant 0 : i32
      %dma_wait3A_69 = tpu.memref_slice %arg9[%dma_wait3A_67, %dma_wait3A_68] : memref<128x128xf32, #tpu.memory_space<vmem>> -> memref<128x128xf32, #tpu.memory_space<vmem>>
      tpu.wait_dma2 semaphore(%run_scoped3A : memref<!tpu.dma_semaphore, #tpu.memory_space<semaphore_mem>>) src(%dma_wait3A_69 : memref<128x128xf32, #tpu.memory_space<vmem>>) dst(%dma_wait3A_66 : memref<128x128xf32, #tpu.memory_space<vmem_shared>>)
      tpu.yield
    }) : () -> ()
    %add3A_9 = arith.constant 384 : i32
    %add3A_10 = arith.addi %mul3A_2, %add3A_9 : i32
    "tpu.region"() ({
      %run_scoped3A = tpu.sem_alloc : memref<!tpu.dma_semaphore, #tpu.memory_space<semaphore_mem>>
      %dma_start3A_51 = arith.constant 0 : i32
      %dma_start3A_52 = arith.constant 0 : i32
      %dma_start3A_53 = tpu.memref_slice %arg9[%dma_start3A_51, %dma_start3A_52] : memref<128x128xf32, #tpu.memory_space<vmem>> -> memref<128x128xf32, #tpu.memory_space<vmem>>
      %dma_start3A_54 = arith.constant 0 : i32
      %dma_start3A_55 = tpu.memref_slice %arg6[%add3A_10, %dma_start3A_54] : memref<10240x128xf32, #tpu.memory_space<vmem_shared>> -> memref<128x128xf32, #tpu.memory_space<vmem_shared>>
      %dma_start3A_56 = arith.constant 0 : i32
      %dma_start3A_57 = tpu.memref_slice %arg6[%add3A_10, %dma_start3A_56] : memref<10240x128xf32, #tpu.memory_space<vmem_shared>> -> memref<128x128xf32, #tpu.memory_space<vmem_shared>>
      %dma_start3A_58 = arith.constant 0 : i32
      %dma_start3A_59 = arith.constant 0 : i32
      %dma_start3A_60 = tpu.memref_slice %arg9[%dma_start3A_58, %dma_start3A_59] : memref<128x128xf32, #tpu.memory_space<vmem>> -> memref<128x128xf32, #tpu.memory_space<vmem>>
      tpu.enqueue_dma source(%dma_start3A_60 : memref<128x128xf32, #tpu.memory_space<vmem>>) target(%dma_start3A_57 : memref<128x128xf32, #tpu.memory_space<vmem_shared>>) target_semaphore(%run_scoped3A : memref<!tpu.dma_semaphore, #tpu.memory_space<semaphore_mem>>)
      %dma_wait3A = arith.constant 0 : i32
      %dma_wait3A_61 = arith.constant 0 : i32
      %dma_wait3A_62 = tpu.memref_slice %arg9[%dma_wait3A, %dma_wait3A_61] : memref<128x128xf32, #tpu.memory_space<vmem>> -> memref<128x128xf32, #tpu.memory_space<vmem>>
      %dma_wait3A_63 = arith.constant 0 : i32
      %dma_wait3A_64 = tpu.memref_slice %arg6[%add3A_10, %dma_wait3A_63] : memref<10240x128xf32, #tpu.memory_space<vmem_shared>> -> memref<128x128xf32, #tpu.memory_space<vmem_shared>>
      %dma_wait3A_65 = arith.constant 0 : i32
      %dma_wait3A_66 = tpu.memref_slice %arg6[%add3A_10, %dma_wait3A_65] : memref<10240x128xf32, #tpu.memory_space<vmem_shared>> -> memref<128x128xf32, #tpu.memory_space<vmem_shared>>
      %dma_wait3A_67 = arith.constant 0 : i32
      %dma_wait3A_68 = arith.constant 0 : i32
      %dma_wait3A_69 = tpu.memref_slice %arg9[%dma_wait3A_67, %dma_wait3A_68] : memref<128x128xf32, #tpu.memory_space<vmem>> -> memref<128x128xf32, #tpu.memory_space<vmem>>
      tpu.wait_dma2 semaphore(%run_scoped3A : memref<!tpu.dma_semaphore, #tpu.memory_space<semaphore_mem>>) src(%dma_wait3A_69 : memref<128x128xf32, #tpu.memory_space<vmem>>) dst(%dma_wait3A_66 : memref<128x128xf32, #tpu.memory_space<vmem_shared>>)
      tpu.yield
    }) : () -> ()
    %add3A_11 = arith.constant 512 : i32
    %add3A_12 = arith.addi %mul3A_2, %add3A_11 : i32
    "tpu.region"() ({
      %run_scoped3A = tpu.sem_alloc : memref<!tpu.dma_semaphore, #tpu.memory_space<semaphore_mem>>
      %dma_start3A_51 = arith.constant 0 : i32
      %dma_start3A_52 = arith.constant 0 : i32
      %dma_start3A_53 = tpu.memref_slice %arg9[%dma_start3A_51, %dma_start3A_52] : memref<128x128xf32, #tpu.memory_space<vmem>> -> memref<128x128xf32, #tpu.memory_space<vmem>>
      %dma_start3A_54 = arith.constant 0 : i32
      %dma_start3A_55 = tpu.memref_slice %arg6[%add3A_12, %dma_start3A_54] : memref<10240x128xf32, #tpu.memory_space<vmem_shared>> -> memref<128x128xf32, #tpu.memory_space<vmem_shared>>
      %dma_start3A_56 = arith.constant 0 : i32
      %dma_start3A_57 = tpu.memref_slice %arg6[%add3A_12, %dma_start3A_56] : memref<10240x128xf32, #tpu.memory_space<vmem_shared>> -> memref<128x128xf32, #tpu.memory_space<vmem_shared>>
      %dma_start3A_58 = arith.constant 0 : i32
      %dma_start3A_59 = arith.constant 0 : i32
      %dma_start3A_60 = tpu.memref_slice %arg9[%dma_start3A_58, %dma_start3A_59] : memref<128x128xf32, #tpu.memory_space<vmem>> -> memref<128x128xf32, #tpu.memory_space<vmem>>
      tpu.enqueue_dma source(%dma_start3A_60 : memref<128x128xf32, #tpu.memory_space<vmem>>) target(%dma_start3A_57 : memref<128x128xf32, #tpu.memory_space<vmem_shared>>) target_semaphore(%run_scoped3A : memref<!tpu.dma_semaphore, #tpu.memory_space<semaphore_mem>>)
      %dma_wait3A = arith.constant 0 : i32
      %dma_wait3A_61 = arith.constant 0 : i32
      %dma_wait3A_62 = tpu.memref_slice %arg9[%dma_wait3A, %dma_wait3A_61] : memref<128x128xf32, #tpu.memory_space<vmem>> -> memref<128x128xf32, #tpu.memory_space<vmem>>
      %dma_wait3A_63 = arith.constant 0 : i32
      %dma_wait3A_64 = tpu.memref_slice %arg6[%add3A_12, %dma_wait3A_63] : memref<10240x128xf32, #tpu.memory_space<vmem_shared>> -> memref<128x128xf32, #tpu.memory_space<vmem_shared>>
      %dma_wait3A_65 = arith.constant 0 : i32
      %dma_wait3A_66 = tpu.memref_slice %arg6[%add3A_12, %dma_wait3A_65] : memref<10240x128xf32, #tpu.memory_space<vmem_shared>> -> memref<128x128xf32, #tpu.memory_space<vmem_shared>>
      %dma_wait3A_67 = arith.constant 0 : i32
      %dma_wait3A_68 = arith.constant 0 : i32
      %dma_wait3A_69 = tpu.memref_slice %arg9[%dma_wait3A_67, %dma_wait3A_68] : memref<128x128xf32, #tpu.memory_space<vmem>> -> memref<128x128xf32, #tpu.memory_space<vmem>>
      tpu.wait_dma2 semaphore(%run_scoped3A : memref<!tpu.dma_semaphore, #tpu.memory_space<semaphore_mem>>) src(%dma_wait3A_69 : memref<128x128xf32, #tpu.memory_space<vmem>>) dst(%dma_wait3A_66 : memref<128x128xf32, #tpu.memory_space<vmem_shared>>)
      tpu.yield
    }) : () -> ()
    "tpu.region"() ({
      %run_scoped3A = tpu.sem_alloc : memref<!tpu.dma_semaphore, #tpu.memory_space<semaphore_mem>>
      tpu.enqueue_dma source(%arg4 : memref<128x128xf32, #tpu.memory_space<hbm>>) target(%arg9 : memref<128x128xf32, #tpu.memory_space<vmem>>) target_semaphore(%run_scoped3A : memref<!tpu.dma_semaphore, #tpu.memory_space<semaphore_mem>>)
      tpu.wait_dma2 semaphore(%run_scoped3A : memref<!tpu.dma_semaphore, #tpu.memory_space<semaphore_mem>>) src(%arg4 : memref<128x128xf32, #tpu.memory_space<hbm>>) dst(%arg9 : memref<128x128xf32, #tpu.memory_space<vmem>>)
      tpu.yield
    }) : () -> ()
    %barrier3A = arith.constant 0 : index
    tpu.barrier barrier_id(%barrier3A)
    %dma_start3A = arith.constant 0 : i32
    %dma_start3A_13 = arith.constant 0 : i32
    %dma_start3A_14 = tpu.memref_slice %arg2[%add3A, %dma_start3A, %dma_start3A_13] : memref<32x79x128xi32, #tpu.memory_space<hbm>> -> memref<1x1x128xi32, #tpu.memory_space<hbm>>
    %dma_start3A_15 = tpu.memref_squeeze %dma_start3A_14 : memref<1x1x128xi32, #tpu.memory_space<hbm>> -> memref<128xi32, #tpu.memory_space<hbm>>
    %dma_start3A_16 = arith.constant 0 : i32
    %dma_start3A_17 = tpu.memref_slice %arg2[%add3A, %dma_start3A, %dma_start3A_16] : memref<32x79x128xi32, #tpu.memory_space<hbm>> -> memref<1x1x128xi32, #tpu.memory_space<hbm>>
    %dma_start3A_18 = tpu.memref_squeeze %dma_start3A_17 : memref<1x1x128xi32, #tpu.memory_space<hbm>> -> memref<128xi32, #tpu.memory_space<hbm>>
    tpu.enqueue_dma source(%dma_start3A_18 : memref<128xi32, #tpu.memory_space<hbm>>) target(%arg7 : memref<128xi32, #tpu.memory_space<vmem>>) target_semaphore(%arg10 : memref<!tpu.dma_semaphore, #tpu.memory_space<semaphore_mem>>)
    %dma_start3A_19 = arith.constant 1 : i32
    %dma_start3A_20 = arith.constant 0 : i32
    %dma_start3A_21 = tpu.memref_slice %arg2[%add3A, %dma_start3A_19, %dma_start3A_20] : memref<32x79x128xi32, #tpu.memory_space<hbm>> -> memref<1x1x128xi32, #tpu.memory_space<hbm>>
    %dma_start3A_22 = tpu.memref_squeeze %dma_start3A_21 : memref<1x1x128xi32, #tpu.memory_space<hbm>> -> memref<128xi32, #tpu.memory_space<hbm>>
    %dma_start3A_23 = arith.constant 0 : i32
    %dma_start3A_24 = tpu.memref_slice %arg2[%add3A, %dma_start3A_19, %dma_start3A_23] : memref<32x79x128xi32, #tpu.memory_space<hbm>> -> memref<1x1x128xi32, #tpu.memory_space<hbm>>
    %dma_start3A_25 = tpu.memref_squeeze %dma_start3A_24 : memref<1x1x128xi32, #tpu.memory_space<hbm>> -> memref<128xi32, #tpu.memory_space<hbm>>
    tpu.enqueue_dma source(%dma_start3A_25 : memref<128xi32, #tpu.memory_space<hbm>>) target(%arg8 : memref<128xi32, #tpu.memory_space<vmem>>) target_semaphore(%arg11 : memref<!tpu.dma_semaphore, #tpu.memory_space<semaphore_mem>>)
    %scan3A = arith.constant 0 : i32
    %scan3A_26 = arith.constant 79 : i32
    %scan3A_27 = arith.addi %scan3A, %scan3A_26 : i32
    %scan3A_28 = arith.constant 1 : i32
    scf.for %scan3A_51 = %scan3A to %scan3A_27 step %scan3A_28  : i32 {
      %mul3A_52 = arith.constant 1 : i32
      %mul3A_53 = arith.muli %scan3A_51, %mul3A_52 : i32
      %add3A_54 = arith.constant 0 : i32
      %add3A_55 = arith.addi %add3A_54, %mul3A_53 : i32
      %rem3A = arith.constant 2 : i32
      %rem3A_56 = arith.remsi %add3A_55, %rem3A : i32
      %eq3A = arith.constant 0 : i32
      %eq3A_57 = arith.cmpi eq, %rem3A_56, %eq3A : i32
      %convert_element_type3A = arith.extui %eq3A_57 : i1 to i32
      %cond3A = arith.constant 0 : i32
      %cond3A_58 = arith.cmpi ne, %convert_element_type3A, %cond3A : i32
      scf.if %cond3A_58 {
        %dma_wait3A = arith.constant 0 : i32
        %dma_wait3A_66 = tpu.memref_slice %arg2[%add3A, %add3A_55, %dma_wait3A] : memref<32x79x128xi32, #tpu.memory_space<hbm>> -> memref<1x1x128xi32, #tpu.memory_space<hbm>>
        %dma_wait3A_67 = tpu.memref_squeeze %dma_wait3A_66 : memref<1x1x128xi32, #tpu.memory_space<hbm>> -> memref<128xi32, #tpu.memory_space<hbm>>
        %dma_wait3A_68 = arith.constant 0 : i32
        %dma_wait3A_69 = tpu.memref_slice %arg2[%add3A, %add3A_55, %dma_wait3A_68] : memref<32x79x128xi32, #tpu.memory_space<hbm>> -> memref<1x1x128xi32, #tpu.memory_space<hbm>>
        %dma_wait3A_70 = tpu.memref_squeeze %dma_wait3A_69 : memref<1x1x128xi32, #tpu.memory_space<hbm>> -> memref<128xi32, #tpu.memory_space<hbm>>
        tpu.wait_dma2 semaphore(%arg10 : memref<!tpu.dma_semaphore, #tpu.memory_space<semaphore_mem>>) src(%dma_wait3A_70 : memref<128xi32, #tpu.memory_space<hbm>>) dst(%arg7 : memref<128xi32, #tpu.memory_space<vmem>>)
        "tpu.region"() ({
          %run_scoped3A = tpu.sem_alloc : memref<!tpu.dma_semaphore, #tpu.memory_space<semaphore_mem>>
          %dma_start3A_77 = arith.constant 0 : i32
          %dma_start3A_78 = arith.constant 0 : i32
          %dma_start3A_79 = tpu.memref_slice %arg6[%dma_start3A_77, %dma_start3A_78] : memref<10240x128xf32, #tpu.memory_space<vmem_shared>> -> memref<10240x128xf32, #tpu.memory_space<vmem_shared>>
          tpu.enqueue_indirect_dma source(%arg9 : memref<128x128xf32, #tpu.memory_space<vmem>>) target(%dma_start3A_79 : memref<10240x128xf32, #tpu.memory_space<vmem_shared>>) offsets(%arg7 : memref<128xi32, #tpu.memory_space<vmem>>) semaphore(%run_scoped3A : memref<!tpu.dma_semaphore, #tpu.memory_space<semaphore_mem>>) {add = true}
          %dma_wait3A_80 = arith.constant 0 : i32
          %dma_wait3A_81 = arith.constant 0 : i32
          %dma_wait3A_82 = tpu.memref_slice %arg6[%dma_wait3A_80, %dma_wait3A_81] : memref<10240x128xf32, #tpu.memory_space<vmem_shared>> -> memref<10240x128xf32, #tpu.memory_space<vmem_shared>>
          tpu.wait_indirect_dma semaphore(%run_scoped3A : memref<!tpu.dma_semaphore, #tpu.memory_space<semaphore_mem>>) src(%arg9 : memref<128x128xf32, #tpu.memory_space<vmem>>) dst(%dma_wait3A_82 : memref<10240x128xf32, #tpu.memory_space<vmem_shared>>)
          tpu.yield
        }) : () -> ()
        %add3A_71 = arith.constant 2 : i32
        %add3A_72 = arith.addi %add3A_55, %add3A_71 : i32
        %lt3A = arith.constant 79 : i32
        %lt3A_73 = arith.cmpi slt, %add3A_72, %lt3A : i32
        %convert_element_type3A_74 = arith.extui %lt3A_73 : i1 to i32
        %cond3A_75 = arith.constant 0 : i32
        %cond3A_76 = arith.cmpi ne, %convert_element_type3A_74, %cond3A_75 : i32
        scf.if %cond3A_76 {
          %add3A_77 = arith.constant 2 : i32
          %add3A_78 = arith.addi %add3A_55, %add3A_77 : i32
          %dma_start3A_79 = arith.constant 0 : i32
          %dma_start3A_80 = tpu.memref_slice %arg2[%add3A, %add3A_78, %dma_start3A_79] : memref<32x79x128xi32, #tpu.memory_space<hbm>> -> memref<1x1x128xi32, #tpu.memory_space<hbm>>
          %dma_start3A_81 = tpu.memref_squeeze %dma_start3A_80 : memref<1x1x128xi32, #tpu.memory_space<hbm>> -> memref<128xi32, #tpu.memory_space<hbm>>
          %dma_start3A_82 = arith.constant 0 : i32
          %dma_start3A_83 = tpu.memref_slice %arg2[%add3A, %add3A_78, %dma_start3A_82] : memref<32x79x128xi32, #tpu.memory_space<hbm>> -> memref<1x1x128xi32, #tpu.memory_space<hbm>>
          %dma_start3A_84 = tpu.memref_squeeze %dma_start3A_83 : memref<1x1x128xi32, #tpu.memory_space<hbm>> -> memref<128xi32, #tpu.memory_space<hbm>>
          tpu.enqueue_dma source(%dma_start3A_84 : memref<128xi32, #tpu.memory_space<hbm>>) target(%arg7 : memref<128xi32, #tpu.memory_space<vmem>>) target_semaphore(%arg10 : memref<!tpu.dma_semaphore, #tpu.memory_space<semaphore_mem>>)
        } else {
        }
      } else {
      }
      %rem3A_59 = arith.constant 2 : i32
      %rem3A_60 = arith.remsi %add3A_55, %rem3A_59 : i32
      %eq3A_61 = arith.constant 1 : i32
      %eq3A_62 = arith.cmpi eq, %rem3A_60, %eq3A_61 : i32
      %convert_element_type3A_63 = arith.extui %eq3A_62 : i1 to i32
      %cond3A_64 = arith.constant 0 : i32
      %cond3A_65 = arith.cmpi ne, %convert_element_type3A_63, %cond3A_64 : i32
      scf.if %cond3A_65 {
        %dma_wait3A = arith.constant 0 : i32
        %dma_wait3A_66 = tpu.memref_slice %arg2[%add3A, %add3A_55, %dma_wait3A] : memref<32x79x128xi32, #tpu.memory_space<hbm>> -> memref<1x1x128xi32, #tpu.memory_space<hbm>>
        %dma_wait3A_67 = tpu.memref_squeeze %dma_wait3A_66 : memref<1x1x128xi32, #tpu.memory_space<hbm>> -> memref<128xi32, #tpu.memory_space<hbm>>
        %dma_wait3A_68 = arith.constant 0 : i32
        %dma_wait3A_69 = tpu.memref_slice %arg2[%add3A, %add3A_55, %dma_wait3A_68] : memref<32x79x128xi32, #tpu.memory_space<hbm>> -> memref<1x1x128xi32, #tpu.memory_space<hbm>>
        %dma_wait3A_70 = tpu.memref_squeeze %dma_wait3A_69 : memref<1x1x128xi32, #tpu.memory_space<hbm>> -> memref<128xi32, #tpu.memory_space<hbm>>
        tpu.wait_dma2 semaphore(%arg11 : memref<!tpu.dma_semaphore, #tpu.memory_space<semaphore_mem>>) src(%dma_wait3A_70 : memref<128xi32, #tpu.memory_space<hbm>>) dst(%arg8 : memref<128xi32, #tpu.memory_space<vmem>>)
        "tpu.region"() ({
          %run_scoped3A = tpu.sem_alloc : memref<!tpu.dma_semaphore, #tpu.memory_space<semaphore_mem>>
          %dma_start3A_77 = arith.constant 0 : i32
          %dma_start3A_78 = arith.constant 0 : i32
          %dma_start3A_79 = tpu.memref_slice %arg6[%dma_start3A_77, %dma_start3A_78] : memref<10240x128xf32, #tpu.memory_space<vmem_shared>> -> memref<10240x128xf32, #tpu.memory_space<vmem_shared>>
          tpu.enqueue_indirect_dma source(%arg9 : memref<128x128xf32, #tpu.memory_space<vmem>>) target(%dma_start3A_79 : memref<10240x128xf32, #tpu.memory_space<vmem_shared>>) offsets(%arg8 : memref<128xi32, #tpu.memory_space<vmem>>) semaphore(%run_scoped3A : memref<!tpu.dma_semaphore, #tpu.memory_space<semaphore_mem>>) {add = true}
          %dma_wait3A_80 = arith.constant 0 : i32
          %dma_wait3A_81 = arith.constant 0 : i32
          %dma_wait3A_82 = tpu.memref_slice %arg6[%dma_wait3A_80, %dma_wait3A_81] : memref<10240x128xf32, #tpu.memory_space<vmem_shared>> -> memref<10240x128xf32, #tpu.memory_space<vmem_shared>>
          tpu.wait_indirect_dma semaphore(%run_scoped3A : memref<!tpu.dma_semaphore, #tpu.memory_space<semaphore_mem>>) src(%arg9 : memref<128x128xf32, #tpu.memory_space<vmem>>) dst(%dma_wait3A_82 : memref<10240x128xf32, #tpu.memory_space<vmem_shared>>)
          tpu.yield
        }) : () -> ()
        %add3A_71 = arith.constant 2 : i32
        %add3A_72 = arith.addi %add3A_55, %add3A_71 : i32
        %lt3A = arith.constant 79 : i32
        %lt3A_73 = arith.cmpi slt, %add3A_72, %lt3A : i32
        %convert_element_type3A_74 = arith.extui %lt3A_73 : i1 to i32
        %cond3A_75 = arith.constant 0 : i32
        %cond3A_76 = arith.cmpi ne, %convert_element_type3A_74, %cond3A_75 : i32
        scf.if %cond3A_76 {
          %add3A_77 = arith.constant 2 : i32
          %add3A_78 = arith.addi %add3A_55, %add3A_77 : i32
          %dma_start3A_79 = arith.constant 0 : i32
          %dma_start3A_80 = tpu.memref_slice %arg2[%add3A, %add3A_78, %dma_start3A_79] : memref<32x79x128xi32, #tpu.memory_space<hbm>> -> memref<1x1x128xi32, #tpu.memory_space<hbm>>
          %dma_start3A_81 = tpu.memref_squeeze %dma_start3A_80 : memref<1x1x128xi32, #tpu.memory_space<hbm>> -> memref<128xi32, #tpu.memory_space<hbm>>
          %dma_start3A_82 = arith.constant 0 : i32
          %dma_start3A_83 = tpu.memref_slice %arg2[%add3A, %add3A_78, %dma_start3A_82] : memref<32x79x128xi32, #tpu.memory_space<hbm>> -> memref<1x1x128xi32, #tpu.memory_space<hbm>>
          %dma_start3A_84 = tpu.memref_squeeze %dma_start3A_83 : memref<1x1x128xi32, #tpu.memory_space<hbm>> -> memref<128xi32, #tpu.memory_space<hbm>>
          tpu.enqueue_dma source(%dma_start3A_84 : memref<128xi32, #tpu.memory_space<hbm>>) target(%arg8 : memref<128xi32, #tpu.memory_space<vmem>>) target_semaphore(%arg11 : memref<!tpu.dma_semaphore, #tpu.memory_space<semaphore_mem>>)
        } else {
        }
      } else {
      }
    }
    %scan3A_29 = arith.constant 79 : i32
    %barrier3A_30 = arith.constant 0 : index
    tpu.barrier barrier_id(%barrier3A_30)
    %add3A_31 = arith.constant 0 : i32
    %add3A_32 = arith.addi %mul3A_2, %add3A_31 : i32
    "tpu.region"() ({
      %run_scoped3A = tpu.sem_alloc : memref<!tpu.dma_semaphore, #tpu.memory_space<semaphore_mem>>
      %dma_start3A_51 = arith.constant 0 : i32
      %dma_start3A_52 = arith.constant 0 : i32
      %dma_start3A_53 = tpu.memref_slice %arg9[%dma_start3A_51, %dma_start3A_52] : memref<128x128xf32, #tpu.memory_space<vmem>> -> memref<128x128xf32, #tpu.memory_space<vmem>>
      %dma_start3A_54 = arith.constant 0 : i32
      %dma_start3A_55 = tpu.memref_slice %arg6[%add3A_32, %dma_start3A_54] : memref<10240x128xf32, #tpu.memory_space<vmem_shared>> -> memref<128x128xf32, #tpu.memory_space<vmem_shared>>
      %dma_start3A_56 = arith.constant 0 : i32
      %dma_start3A_57 = arith.constant 0 : i32
      %dma_start3A_58 = tpu.memref_slice %arg9[%dma_start3A_56, %dma_start3A_57] : memref<128x128xf32, #tpu.memory_space<vmem>> -> memref<128x128xf32, #tpu.memory_space<vmem>>
      %dma_start3A_59 = arith.constant 0 : i32
      %dma_start3A_60 = tpu.memref_slice %arg6[%add3A_32, %dma_start3A_59] : memref<10240x128xf32, #tpu.memory_space<vmem_shared>> -> memref<128x128xf32, #tpu.memory_space<vmem_shared>>
      tpu.enqueue_dma source(%dma_start3A_60 : memref<128x128xf32, #tpu.memory_space<vmem_shared>>) target(%dma_start3A_58 : memref<128x128xf32, #tpu.memory_space<vmem>>) target_semaphore(%run_scoped3A : memref<!tpu.dma_semaphore, #tpu.memory_space<semaphore_mem>>)
      %dma_wait3A = arith.constant 0 : i32
      %dma_wait3A_61 = arith.constant 0 : i32
      %dma_wait3A_62 = tpu.memref_slice %arg9[%dma_wait3A, %dma_wait3A_61] : memref<128x128xf32, #tpu.memory_space<vmem>> -> memref<128x128xf32, #tpu.memory_space<vmem>>
      %dma_wait3A_63 = arith.constant 0 : i32
      %dma_wait3A_64 = tpu.memref_slice %arg6[%add3A_32, %dma_wait3A_63] : memref<10240x128xf32, #tpu.memory_space<vmem_shared>> -> memref<128x128xf32, #tpu.memory_space<vmem_shared>>
      %dma_wait3A_65 = arith.constant 0 : i32
      %dma_wait3A_66 = arith.constant 0 : i32
      %dma_wait3A_67 = tpu.memref_slice %arg9[%dma_wait3A_65, %dma_wait3A_66] : memref<128x128xf32, #tpu.memory_space<vmem>> -> memref<128x128xf32, #tpu.memory_space<vmem>>
      %dma_wait3A_68 = arith.constant 0 : i32
      %dma_wait3A_69 = tpu.memref_slice %arg6[%add3A_32, %dma_wait3A_68] : memref<10240x128xf32, #tpu.memory_space<vmem_shared>> -> memref<128x128xf32, #tpu.memory_space<vmem_shared>>
      tpu.wait_dma2 semaphore(%run_scoped3A : memref<!tpu.dma_semaphore, #tpu.memory_space<semaphore_mem>>) src(%dma_wait3A_69 : memref<128x128xf32, #tpu.memory_space<vmem_shared>>) dst(%dma_wait3A_67 : memref<128x128xf32, #tpu.memory_space<vmem>>)
      tpu.yield
    }) : () -> ()
    %add3A_33 = arith.constant 0 : i32
    %add3A_34 = arith.addi %mul3A_2, %add3A_33 : i32
    "tpu.region"() ({
      %run_scoped3A = tpu.sem_alloc : memref<!tpu.dma_semaphore, #tpu.memory_space<semaphore_mem>>
      %dma_start3A_51 = arith.constant 0 : i32
      %dma_start3A_52 = arith.constant 0 : i32
      %dma_start3A_53 = tpu.memref_slice %arg9[%dma_start3A_51, %dma_start3A_52] : memref<128x128xf32, #tpu.memory_space<vmem>> -> memref<128x128xf32, #tpu.memory_space<vmem>>
      %dma_start3A_54 = arith.constant 0 : i32
      %dma_start3A_55 = tpu.memref_slice %arg5[%arg0, %add3A_34, %dma_start3A_54] : memref<2x10240x128xf32, #tpu.memory_space<hbm>> -> memref<1x128x128xf32, #tpu.memory_space<hbm>>
      %dma_start3A_56 = tpu.memref_squeeze %dma_start3A_55 : memref<1x128x128xf32, #tpu.memory_space<hbm>> -> memref<128x128xf32, #tpu.memory_space<hbm>>
      %dma_start3A_57 = arith.constant 0 : i32
      %dma_start3A_58 = tpu.memref_slice %arg5[%arg0, %add3A_34, %dma_start3A_57] : memref<2x10240x128xf32, #tpu.memory_space<hbm>> -> memref<1x128x128xf32, #tpu.memory_space<hbm>>
      %dma_start3A_59 = tpu.memref_squeeze %dma_start3A_58 : memref<1x128x128xf32, #tpu.memory_space<hbm>> -> memref<128x128xf32, #tpu.memory_space<hbm>>
      %dma_start3A_60 = arith.constant 0 : i32
      %dma_start3A_61 = arith.constant 0 : i32
      %dma_start3A_62 = tpu.memref_slice %arg9[%dma_start3A_60, %dma_start3A_61] : memref<128x128xf32, #tpu.memory_space<vmem>> -> memref<128x128xf32, #tpu.memory_space<vmem>>
      tpu.enqueue_dma source(%dma_start3A_62 : memref<128x128xf32, #tpu.memory_space<vmem>>) target(%dma_start3A_59 : memref<128x128xf32, #tpu.memory_space<hbm>>) target_semaphore(%run_scoped3A : memref<!tpu.dma_semaphore, #tpu.memory_space<semaphore_mem>>)
      %dma_wait3A = arith.constant 0 : i32
      %dma_wait3A_63 = arith.constant 0 : i32
      %dma_wait3A_64 = tpu.memref_slice %arg9[%dma_wait3A, %dma_wait3A_63] : memref<128x128xf32, #tpu.memory_space<vmem>> -> memref<128x128xf32, #tpu.memory_space<vmem>>
      %dma_wait3A_65 = arith.constant 0 : i32
      %dma_wait3A_66 = tpu.memref_slice %arg5[%arg0, %add3A_34, %dma_wait3A_65] : memref<2x10240x128xf32, #tpu.memory_space<hbm>> -> memref<1x128x128xf32, #tpu.memory_space<hbm>>
      %dma_wait3A_67 = tpu.memref_squeeze %dma_wait3A_66 : memref<1x128x128xf32, #tpu.memory_space<hbm>> -> memref<128x128xf32, #tpu.memory_space<hbm>>
      %dma_wait3A_68 = arith.constant 0 : i32
      %dma_wait3A_69 = tpu.memref_slice %arg5[%arg0, %add3A_34, %dma_wait3A_68] : memref<2x10240x128xf32, #tpu.memory_space<hbm>> -> memref<1x128x128xf32, #tpu.memory_space<hbm>>
      %dma_wait3A_70 = tpu.memref_squeeze %dma_wait3A_69 : memref<1x128x128xf32, #tpu.memory_space<hbm>> -> memref<128x128xf32, #tpu.memory_space<hbm>>
      %dma_wait3A_71 = arith.constant 0 : i32
      %dma_wait3A_72 = arith.constant 0 : i32
      %dma_wait3A_73 = tpu.memref_slice %arg9[%dma_wait3A_71, %dma_wait3A_72] : memref<128x128xf32, #tpu.memory_space<vmem>> -> memref<128x128xf32, #tpu.memory_space<vmem>>
      tpu.wait_dma2 semaphore(%run_scoped3A : memref<!tpu.dma_semaphore, #tpu.memory_space<semaphore_mem>>) src(%dma_wait3A_73 : memref<128x128xf32, #tpu.memory_space<vmem>>) dst(%dma_wait3A_70 : memref<128x128xf32, #tpu.memory_space<hbm>>)
      tpu.yield
    }) : () -> ()
    %add3A_35 = arith.constant 128 : i32
    %add3A_36 = arith.addi %mul3A_2, %add3A_35 : i32
    "tpu.region"() ({
      %run_scoped3A = tpu.sem_alloc : memref<!tpu.dma_semaphore, #tpu.memory_space<semaphore_mem>>
      %dma_start3A_51 = arith.constant 0 : i32
      %dma_start3A_52 = arith.constant 0 : i32
      %dma_start3A_53 = tpu.memref_slice %arg9[%dma_start3A_51, %dma_start3A_52] : memref<128x128xf32, #tpu.memory_space<vmem>> -> memref<128x128xf32, #tpu.memory_space<vmem>>
      %dma_start3A_54 = arith.constant 0 : i32
      %dma_start3A_55 = tpu.memref_slice %arg6[%add3A_36, %dma_start3A_54] : memref<10240x128xf32, #tpu.memory_space<vmem_shared>> -> memref<128x128xf32, #tpu.memory_space<vmem_shared>>
      %dma_start3A_56 = arith.constant 0 : i32
      %dma_start3A_57 = arith.constant 0 : i32
      %dma_start3A_58 = tpu.memref_slice %arg9[%dma_start3A_56, %dma_start3A_57] : memref<128x128xf32, #tpu.memory_space<vmem>> -> memref<128x128xf32, #tpu.memory_space<vmem>>
      %dma_start3A_59 = arith.constant 0 : i32
      %dma_start3A_60 = tpu.memref_slice %arg6[%add3A_36, %dma_start3A_59] : memref<10240x128xf32, #tpu.memory_space<vmem_shared>> -> memref<128x128xf32, #tpu.memory_space<vmem_shared>>
      tpu.enqueue_dma source(%dma_start3A_60 : memref<128x128xf32, #tpu.memory_space<vmem_shared>>) target(%dma_start3A_58 : memref<128x128xf32, #tpu.memory_space<vmem>>) target_semaphore(%run_scoped3A : memref<!tpu.dma_semaphore, #tpu.memory_space<semaphore_mem>>)
      %dma_wait3A = arith.constant 0 : i32
      %dma_wait3A_61 = arith.constant 0 : i32
      %dma_wait3A_62 = tpu.memref_slice %arg9[%dma_wait3A, %dma_wait3A_61] : memref<128x128xf32, #tpu.memory_space<vmem>> -> memref<128x128xf32, #tpu.memory_space<vmem>>
      %dma_wait3A_63 = arith.constant 0 : i32
      %dma_wait3A_64 = tpu.memref_slice %arg6[%add3A_36, %dma_wait3A_63] : memref<10240x128xf32, #tpu.memory_space<vmem_shared>> -> memref<128x128xf32, #tpu.memory_space<vmem_shared>>
      %dma_wait3A_65 = arith.constant 0 : i32
      %dma_wait3A_66 = arith.constant 0 : i32
      %dma_wait3A_67 = tpu.memref_slice %arg9[%dma_wait3A_65, %dma_wait3A_66] : memref<128x128xf32, #tpu.memory_space<vmem>> -> memref<128x128xf32, #tpu.memory_space<vmem>>
      %dma_wait3A_68 = arith.constant 0 : i32
      %dma_wait3A_69 = tpu.memref_slice %arg6[%add3A_36, %dma_wait3A_68] : memref<10240x128xf32, #tpu.memory_space<vmem_shared>> -> memref<128x128xf32, #tpu.memory_space<vmem_shared>>
      tpu.wait_dma2 semaphore(%run_scoped3A : memref<!tpu.dma_semaphore, #tpu.memory_space<semaphore_mem>>) src(%dma_wait3A_69 : memref<128x128xf32, #tpu.memory_space<vmem_shared>>) dst(%dma_wait3A_67 : memref<128x128xf32, #tpu.memory_space<vmem>>)
      tpu.yield
    }) : () -> ()
    %add3A_37 = arith.constant 128 : i32
    %add3A_38 = arith.addi %mul3A_2, %add3A_37 : i32
    "tpu.region"() ({
      %run_scoped3A = tpu.sem_alloc : memref<!tpu.dma_semaphore, #tpu.memory_space<semaphore_mem>>
      %dma_start3A_51 = arith.constant 0 : i32
      %dma_start3A_52 = arith.constant 0 : i32
      %dma_start3A_53 = tpu.memref_slice %arg9[%dma_start3A_51, %dma_start3A_52] : memref<128x128xf32, #tpu.memory_space<vmem>> -> memref<128x128xf32, #tpu.memory_space<vmem>>
      %dma_start3A_54 = arith.constant 0 : i32
      %dma_start3A_55 = tpu.memref_slice %arg5[%arg0, %add3A_38, %dma_start3A_54] : memref<2x10240x128xf32, #tpu.memory_space<hbm>> -> memref<1x128x128xf32, #tpu.memory_space<hbm>>
      %dma_start3A_56 = tpu.memref_squeeze %dma_start3A_55 : memref<1x128x128xf32, #tpu.memory_space<hbm>> -> memref<128x128xf32, #tpu.memory_space<hbm>>
      %dma_start3A_57 = arith.constant 0 : i32
      %dma_start3A_58 = tpu.memref_slice %arg5[%arg0, %add3A_38, %dma_start3A_57] : memref<2x10240x128xf32, #tpu.memory_space<hbm>> -> memref<1x128x128xf32, #tpu.memory_space<hbm>>
      %dma_start3A_59 = tpu.memref_squeeze %dma_start3A_58 : memref<1x128x128xf32, #tpu.memory_space<hbm>> -> memref<128x128xf32, #tpu.memory_space<hbm>>
      %dma_start3A_60 = arith.constant 0 : i32
      %dma_start3A_61 = arith.constant 0 : i32
      %dma_start3A_62 = tpu.memref_slice %arg9[%dma_start3A_60, %dma_start3A_61] : memref<128x128xf32, #tpu.memory_space<vmem>> -> memref<128x128xf32, #tpu.memory_space<vmem>>
      tpu.enqueue_dma source(%dma_start3A_62 : memref<128x128xf32, #tpu.memory_space<vmem>>) target(%dma_start3A_59 : memref<128x128xf32, #tpu.memory_space<hbm>>) target_semaphore(%run_scoped3A : memref<!tpu.dma_semaphore, #tpu.memory_space<semaphore_mem>>)
      %dma_wait3A = arith.constant 0 : i32
      %dma_wait3A_63 = arith.constant 0 : i32
      %dma_wait3A_64 = tpu.memref_slice %arg9[%dma_wait3A, %dma_wait3A_63] : memref<128x128xf32, #tpu.memory_space<vmem>> -> memref<128x128xf32, #tpu.memory_space<vmem>>
      %dma_wait3A_65 = arith.constant 0 : i32
      %dma_wait3A_66 = tpu.memref_slice %arg5[%arg0, %add3A_38, %dma_wait3A_65] : memref<2x10240x128xf32, #tpu.memory_space<hbm>> -> memref<1x128x128xf32, #tpu.memory_space<hbm>>
      %dma_wait3A_67 = tpu.memref_squeeze %dma_wait3A_66 : memref<1x128x128xf32, #tpu.memory_space<hbm>> -> memref<128x128xf32, #tpu.memory_space<hbm>>
      %dma_wait3A_68 = arith.constant 0 : i32
      %dma_wait3A_69 = tpu.memref_slice %arg5[%arg0, %add3A_38, %dma_wait3A_68] : memref<2x10240x128xf32, #tpu.memory_space<hbm>> -> memref<1x128x128xf32, #tpu.memory_space<hbm>>
      %dma_wait3A_70 = tpu.memref_squeeze %dma_wait3A_69 : memref<1x128x128xf32, #tpu.memory_space<hbm>> -> memref<128x128xf32, #tpu.memory_space<hbm>>
      %dma_wait3A_71 = arith.constant 0 : i32
      %dma_wait3A_72 = arith.constant 0 : i32
      %dma_wait3A_73 = tpu.memref_slice %arg9[%dma_wait3A_71, %dma_wait3A_72] : memref<128x128xf32, #tpu.memory_space<vmem>> -> memref<128x128xf32, #tpu.memory_space<vmem>>
      tpu.wait_dma2 semaphore(%run_scoped3A : memref<!tpu.dma_semaphore, #tpu.memory_space<semaphore_mem>>) src(%dma_wait3A_73 : memref<128x128xf32, #tpu.memory_space<vmem>>) dst(%dma_wait3A_70 : memref<128x128xf32, #tpu.memory_space<hbm>>)
      tpu.yield
    }) : () -> ()
    %add3A_39 = arith.constant 256 : i32
    %add3A_40 = arith.addi %mul3A_2, %add3A_39 : i32
    "tpu.region"() ({
      %run_scoped3A = tpu.sem_alloc : memref<!tpu.dma_semaphore, #tpu.memory_space<semaphore_mem>>
      %dma_start3A_51 = arith.constant 0 : i32
      %dma_start3A_52 = arith.constant 0 : i32
      %dma_start3A_53 = tpu.memref_slice %arg9[%dma_start3A_51, %dma_start3A_52] : memref<128x128xf32, #tpu.memory_space<vmem>> -> memref<128x128xf32, #tpu.memory_space<vmem>>
      %dma_start3A_54 = arith.constant 0 : i32
      %dma_start3A_55 = tpu.memref_slice %arg6[%add3A_40, %dma_start3A_54] : memref<10240x128xf32, #tpu.memory_space<vmem_shared>> -> memref<128x128xf32, #tpu.memory_space<vmem_shared>>
      %dma_start3A_56 = arith.constant 0 : i32
      %dma_start3A_57 = arith.constant 0 : i32
      %dma_start3A_58 = tpu.memref_slice %arg9[%dma_start3A_56, %dma_start3A_57] : memref<128x128xf32, #tpu.memory_space<vmem>> -> memref<128x128xf32, #tpu.memory_space<vmem>>
      %dma_start3A_59 = arith.constant 0 : i32
      %dma_start3A_60 = tpu.memref_slice %arg6[%add3A_40, %dma_start3A_59] : memref<10240x128xf32, #tpu.memory_space<vmem_shared>> -> memref<128x128xf32, #tpu.memory_space<vmem_shared>>
      tpu.enqueue_dma source(%dma_start3A_60 : memref<128x128xf32, #tpu.memory_space<vmem_shared>>) target(%dma_start3A_58 : memref<128x128xf32, #tpu.memory_space<vmem>>) target_semaphore(%run_scoped3A : memref<!tpu.dma_semaphore, #tpu.memory_space<semaphore_mem>>)
      %dma_wait3A = arith.constant 0 : i32
      %dma_wait3A_61 = arith.constant 0 : i32
      %dma_wait3A_62 = tpu.memref_slice %arg9[%dma_wait3A, %dma_wait3A_61] : memref<128x128xf32, #tpu.memory_space<vmem>> -> memref<128x128xf32, #tpu.memory_space<vmem>>
      %dma_wait3A_63 = arith.constant 0 : i32
      %dma_wait3A_64 = tpu.memref_slice %arg6[%add3A_40, %dma_wait3A_63] : memref<10240x128xf32, #tpu.memory_space<vmem_shared>> -> memref<128x128xf32, #tpu.memory_space<vmem_shared>>
      %dma_wait3A_65 = arith.constant 0 : i32
      %dma_wait3A_66 = arith.constant 0 : i32
      %dma_wait3A_67 = tpu.memref_slice %arg9[%dma_wait3A_65, %dma_wait3A_66] : memref<128x128xf32, #tpu.memory_space<vmem>> -> memref<128x128xf32, #tpu.memory_space<vmem>>
      %dma_wait3A_68 = arith.constant 0 : i32
      %dma_wait3A_69 = tpu.memref_slice %arg6[%add3A_40, %dma_wait3A_68] : memref<10240x128xf32, #tpu.memory_space<vmem_shared>> -> memref<128x128xf32, #tpu.memory_space<vmem_shared>>
      tpu.wait_dma2 semaphore(%run_scoped3A : memref<!tpu.dma_semaphore, #tpu.memory_space<semaphore_mem>>) src(%dma_wait3A_69 : memref<128x128xf32, #tpu.memory_space<vmem_shared>>) dst(%dma_wait3A_67 : memref<128x128xf32, #tpu.memory_space<vmem>>)
      tpu.yield
    }) : () -> ()
    %add3A_41 = arith.constant 256 : i32
    %add3A_42 = arith.addi %mul3A_2, %add3A_41 : i32
    "tpu.region"() ({
      %run_scoped3A = tpu.sem_alloc : memref<!tpu.dma_semaphore, #tpu.memory_space<semaphore_mem>>
      %dma_start3A_51 = arith.constant 0 : i32
      %dma_start3A_52 = arith.constant 0 : i32
      %dma_start3A_53 = tpu.memref_slice %arg9[%dma_start3A_51, %dma_start3A_52] : memref<128x128xf32, #tpu.memory_space<vmem>> -> memref<128x128xf32, #tpu.memory_space<vmem>>
      %dma_start3A_54 = arith.constant 0 : i32
      %dma_start3A_55 = tpu.memref_slice %arg5[%arg0, %add3A_42, %dma_start3A_54] : memref<2x10240x128xf32, #tpu.memory_space<hbm>> -> memref<1x128x128xf32, #tpu.memory_space<hbm>>
      %dma_start3A_56 = tpu.memref_squeeze %dma_start3A_55 : memref<1x128x128xf32, #tpu.memory_space<hbm>> -> memref<128x128xf32, #tpu.memory_space<hbm>>
      %dma_start3A_57 = arith.constant 0 : i32
      %dma_start3A_58 = tpu.memref_slice %arg5[%arg0, %add3A_42, %dma_start3A_57] : memref<2x10240x128xf32, #tpu.memory_space<hbm>> -> memref<1x128x128xf32, #tpu.memory_space<hbm>>
      %dma_start3A_59 = tpu.memref_squeeze %dma_start3A_58 : memref<1x128x128xf32, #tpu.memory_space<hbm>> -> memref<128x128xf32, #tpu.memory_space<hbm>>
      %dma_start3A_60 = arith.constant 0 : i32
      %dma_start3A_61 = arith.constant 0 : i32
      %dma_start3A_62 = tpu.memref_slice %arg9[%dma_start3A_60, %dma_start3A_61] : memref<128x128xf32, #tpu.memory_space<vmem>> -> memref<128x128xf32, #tpu.memory_space<vmem>>
      tpu.enqueue_dma source(%dma_start3A_62 : memref<128x128xf32, #tpu.memory_space<vmem>>) target(%dma_start3A_59 : memref<128x128xf32, #tpu.memory_space<hbm>>) target_semaphore(%run_scoped3A : memref<!tpu.dma_semaphore, #tpu.memory_space<semaphore_mem>>)
      %dma_wait3A = arith.constant 0 : i32
      %dma_wait3A_63 = arith.constant 0 : i32
      %dma_wait3A_64 = tpu.memref_slice %arg9[%dma_wait3A, %dma_wait3A_63] : memref<128x128xf32, #tpu.memory_space<vmem>> -> memref<128x128xf32, #tpu.memory_space<vmem>>
      %dma_wait3A_65 = arith.constant 0 : i32
      %dma_wait3A_66 = tpu.memref_slice %arg5[%arg0, %add3A_42, %dma_wait3A_65] : memref<2x10240x128xf32, #tpu.memory_space<hbm>> -> memref<1x128x128xf32, #tpu.memory_space<hbm>>
      %dma_wait3A_67 = tpu.memref_squeeze %dma_wait3A_66 : memref<1x128x128xf32, #tpu.memory_space<hbm>> -> memref<128x128xf32, #tpu.memory_space<hbm>>
      %dma_wait3A_68 = arith.constant 0 : i32
      %dma_wait3A_69 = tpu.memref_slice %arg5[%arg0, %add3A_42, %dma_wait3A_68] : memref<2x10240x128xf32, #tpu.memory_space<hbm>> -> memref<1x128x128xf32, #tpu.memory_space<hbm>>
      %dma_wait3A_70 = tpu.memref_squeeze %dma_wait3A_69 : memref<1x128x128xf32, #tpu.memory_space<hbm>> -> memref<128x128xf32, #tpu.memory_space<hbm>>
      %dma_wait3A_71 = arith.constant 0 : i32
      %dma_wait3A_72 = arith.constant 0 : i32
      %dma_wait3A_73 = tpu.memref_slice %arg9[%dma_wait3A_71, %dma_wait3A_72] : memref<128x128xf32, #tpu.memory_space<vmem>> -> memref<128x128xf32, #tpu.memory_space<vmem>>
      tpu.wait_dma2 semaphore(%run_scoped3A : memref<!tpu.dma_semaphore, #tpu.memory_space<semaphore_mem>>) src(%dma_wait3A_73 : memref<128x128xf32, #tpu.memory_space<vmem>>) dst(%dma_wait3A_70 : memref<128x128xf32, #tpu.memory_space<hbm>>)
      tpu.yield
    }) : () -> ()
    %add3A_43 = arith.constant 384 : i32
    %add3A_44 = arith.addi %mul3A_2, %add3A_43 : i32
    "tpu.region"() ({
      %run_scoped3A = tpu.sem_alloc : memref<!tpu.dma_semaphore, #tpu.memory_space<semaphore_mem>>
      %dma_start3A_51 = arith.constant 0 : i32
      %dma_start3A_52 = arith.constant 0 : i32
      %dma_start3A_53 = tpu.memref_slice %arg9[%dma_start3A_51, %dma_start3A_52] : memref<128x128xf32, #tpu.memory_space<vmem>> -> memref<128x128xf32, #tpu.memory_space<vmem>>
      %dma_start3A_54 = arith.constant 0 : i32
      %dma_start3A_55 = tpu.memref_slice %arg6[%add3A_44, %dma_start3A_54] : memref<10240x128xf32, #tpu.memory_space<vmem_shared>> -> memref<128x128xf32, #tpu.memory_space<vmem_shared>>
      %dma_start3A_56 = arith.constant 0 : i32
      %dma_start3A_57 = arith.constant 0 : i32
      %dma_start3A_58 = tpu.memref_slice %arg9[%dma_start3A_56, %dma_start3A_57] : memref<128x128xf32, #tpu.memory_space<vmem>> -> memref<128x128xf32, #tpu.memory_space<vmem>>
      %dma_start3A_59 = arith.constant 0 : i32
      %dma_start3A_60 = tpu.memref_slice %arg6[%add3A_44, %dma_start3A_59] : memref<10240x128xf32, #tpu.memory_space<vmem_shared>> -> memref<128x128xf32, #tpu.memory_space<vmem_shared>>
      tpu.enqueue_dma source(%dma_start3A_60 : memref<128x128xf32, #tpu.memory_space<vmem_shared>>) target(%dma_start3A_58 : memref<128x128xf32, #tpu.memory_space<vmem>>) target_semaphore(%run_scoped3A : memref<!tpu.dma_semaphore, #tpu.memory_space<semaphore_mem>>)
      %dma_wait3A = arith.constant 0 : i32
      %dma_wait3A_61 = arith.constant 0 : i32
      %dma_wait3A_62 = tpu.memref_slice %arg9[%dma_wait3A, %dma_wait3A_61] : memref<128x128xf32, #tpu.memory_space<vmem>> -> memref<128x128xf32, #tpu.memory_space<vmem>>
      %dma_wait3A_63 = arith.constant 0 : i32
      %dma_wait3A_64 = tpu.memref_slice %arg6[%add3A_44, %dma_wait3A_63] : memref<10240x128xf32, #tpu.memory_space<vmem_shared>> -> memref<128x128xf32, #tpu.memory_space<vmem_shared>>
      %dma_wait3A_65 = arith.constant 0 : i32
      %dma_wait3A_66 = arith.constant 0 : i32
      %dma_wait3A_67 = tpu.memref_slice %arg9[%dma_wait3A_65, %dma_wait3A_66] : memref<128x128xf32, #tpu.memory_space<vmem>> -> memref<128x128xf32, #tpu.memory_space<vmem>>
      %dma_wait3A_68 = arith.constant 0 : i32
      %dma_wait3A_69 = tpu.memref_slice %arg6[%add3A_44, %dma_wait3A_68] : memref<10240x128xf32, #tpu.memory_space<vmem_shared>> -> memref<128x128xf32, #tpu.memory_space<vmem_shared>>
      tpu.wait_dma2 semaphore(%run_scoped3A : memref<!tpu.dma_semaphore, #tpu.memory_space<semaphore_mem>>) src(%dma_wait3A_69 : memref<128x128xf32, #tpu.memory_space<vmem_shared>>) dst(%dma_wait3A_67 : memref<128x128xf32, #tpu.memory_space<vmem>>)
      tpu.yield
    }) : () -> ()
    %add3A_45 = arith.constant 384 : i32
    %add3A_46 = arith.addi %mul3A_2, %add3A_45 : i32
    "tpu.region"() ({
      %run_scoped3A = tpu.sem_alloc : memref<!tpu.dma_semaphore, #tpu.memory_space<semaphore_mem>>
      %dma_start3A_51 = arith.constant 0 : i32
      %dma_start3A_52 = arith.constant 0 : i32
      %dma_start3A_53 = tpu.memref_slice %arg9[%dma_start3A_51, %dma_start3A_52] : memref<128x128xf32, #tpu.memory_space<vmem>> -> memref<128x128xf32, #tpu.memory_space<vmem>>
      %dma_start3A_54 = arith.constant 0 : i32
      %dma_start3A_55 = tpu.memref_slice %arg5[%arg0, %add3A_46, %dma_start3A_54] : memref<2x10240x128xf32, #tpu.memory_space<hbm>> -> memref<1x128x128xf32, #tpu.memory_space<hbm>>
      %dma_start3A_56 = tpu.memref_squeeze %dma_start3A_55 : memref<1x128x128xf32, #tpu.memory_space<hbm>> -> memref<128x128xf32, #tpu.memory_space<hbm>>
      %dma_start3A_57 = arith.constant 0 : i32
      %dma_start3A_58 = tpu.memref_slice %arg5[%arg0, %add3A_46, %dma_start3A_57] : memref<2x10240x128xf32, #tpu.memory_space<hbm>> -> memref<1x128x128xf32, #tpu.memory_space<hbm>>
      %dma_start3A_59 = tpu.memref_squeeze %dma_start3A_58 : memref<1x128x128xf32, #tpu.memory_space<hbm>> -> memref<128x128xf32, #tpu.memory_space<hbm>>
      %dma_start3A_60 = arith.constant 0 : i32
      %dma_start3A_61 = arith.constant 0 : i32
      %dma_start3A_62 = tpu.memref_slice %arg9[%dma_start3A_60, %dma_start3A_61] : memref<128x128xf32, #tpu.memory_space<vmem>> -> memref<128x128xf32, #tpu.memory_space<vmem>>
      tpu.enqueue_dma source(%dma_start3A_62 : memref<128x128xf32, #tpu.memory_space<vmem>>) target(%dma_start3A_59 : memref<128x128xf32, #tpu.memory_space<hbm>>) target_semaphore(%run_scoped3A : memref<!tpu.dma_semaphore, #tpu.memory_space<semaphore_mem>>)
      %dma_wait3A = arith.constant 0 : i32
      %dma_wait3A_63 = arith.constant 0 : i32
      %dma_wait3A_64 = tpu.memref_slice %arg9[%dma_wait3A, %dma_wait3A_63] : memref<128x128xf32, #tpu.memory_space<vmem>> -> memref<128x128xf32, #tpu.memory_space<vmem>>
      %dma_wait3A_65 = arith.constant 0 : i32
      %dma_wait3A_66 = tpu.memref_slice %arg5[%arg0, %add3A_46, %dma_wait3A_65] : memref<2x10240x128xf32, #tpu.memory_space<hbm>> -> memref<1x128x128xf32, #tpu.memory_space<hbm>>
      %dma_wait3A_67 = tpu.memref_squeeze %dma_wait3A_66 : memref<1x128x128xf32, #tpu.memory_space<hbm>> -> memref<128x128xf32, #tpu.memory_space<hbm>>
      %dma_wait3A_68 = arith.constant 0 : i32
      %dma_wait3A_69 = tpu.memref_slice %arg5[%arg0, %add3A_46, %dma_wait3A_68] : memref<2x10240x128xf32, #tpu.memory_space<hbm>> -> memref<1x128x128xf32, #tpu.memory_space<hbm>>
      %dma_wait3A_70 = tpu.memref_squeeze %dma_wait3A_69 : memref<1x128x128xf32, #tpu.memory_space<hbm>> -> memref<128x128xf32, #tpu.memory_space<hbm>>
      %dma_wait3A_71 = arith.constant 0 : i32
      %dma_wait3A_72 = arith.constant 0 : i32
      %dma_wait3A_73 = tpu.memref_slice %arg9[%dma_wait3A_71, %dma_wait3A_72] : memref<128x128xf32, #tpu.memory_space<vmem>> -> memref<128x128xf32, #tpu.memory_space<vmem>>
      tpu.wait_dma2 semaphore(%run_scoped3A : memref<!tpu.dma_semaphore, #tpu.memory_space<semaphore_mem>>) src(%dma_wait3A_73 : memref<128x128xf32, #tpu.memory_space<vmem>>) dst(%dma_wait3A_70 : memref<128x128xf32, #tpu.memory_space<hbm>>)
      tpu.yield
    }) : () -> ()
    %add3A_47 = arith.constant 512 : i32
    %add3A_48 = arith.addi %mul3A_2, %add3A_47 : i32
    "tpu.region"() ({
      %run_scoped3A = tpu.sem_alloc : memref<!tpu.dma_semaphore, #tpu.memory_space<semaphore_mem>>
      %dma_start3A_51 = arith.constant 0 : i32
      %dma_start3A_52 = arith.constant 0 : i32
      %dma_start3A_53 = tpu.memref_slice %arg9[%dma_start3A_51, %dma_start3A_52] : memref<128x128xf32, #tpu.memory_space<vmem>> -> memref<128x128xf32, #tpu.memory_space<vmem>>
      %dma_start3A_54 = arith.constant 0 : i32
      %dma_start3A_55 = tpu.memref_slice %arg6[%add3A_48, %dma_start3A_54] : memref<10240x128xf32, #tpu.memory_space<vmem_shared>> -> memref<128x128xf32, #tpu.memory_space<vmem_shared>>
      %dma_start3A_56 = arith.constant 0 : i32
      %dma_start3A_57 = arith.constant 0 : i32
      %dma_start3A_58 = tpu.memref_slice %arg9[%dma_start3A_56, %dma_start3A_57] : memref<128x128xf32, #tpu.memory_space<vmem>> -> memref<128x128xf32, #tpu.memory_space<vmem>>
      %dma_start3A_59 = arith.constant 0 : i32
      %dma_start3A_60 = tpu.memref_slice %arg6[%add3A_48, %dma_start3A_59] : memref<10240x128xf32, #tpu.memory_space<vmem_shared>> -> memref<128x128xf32, #tpu.memory_space<vmem_shared>>
      tpu.enqueue_dma source(%dma_start3A_60 : memref<128x128xf32, #tpu.memory_space<vmem_shared>>) target(%dma_start3A_58 : memref<128x128xf32, #tpu.memory_space<vmem>>) target_semaphore(%run_scoped3A : memref<!tpu.dma_semaphore, #tpu.memory_space<semaphore_mem>>)
      %dma_wait3A = arith.constant 0 : i32
      %dma_wait3A_61 = arith.constant 0 : i32
      %dma_wait3A_62 = tpu.memref_slice %arg9[%dma_wait3A, %dma_wait3A_61] : memref<128x128xf32, #tpu.memory_space<vmem>> -> memref<128x128xf32, #tpu.memory_space<vmem>>
      %dma_wait3A_63 = arith.constant 0 : i32
      %dma_wait3A_64 = tpu.memref_slice %arg6[%add3A_48, %dma_wait3A_63] : memref<10240x128xf32, #tpu.memory_space<vmem_shared>> -> memref<128x128xf32, #tpu.memory_space<vmem_shared>>
      %dma_wait3A_65 = arith.constant 0 : i32
      %dma_wait3A_66 = arith.constant 0 : i32
      %dma_wait3A_67 = tpu.memref_slice %arg9[%dma_wait3A_65, %dma_wait3A_66] : memref<128x128xf32, #tpu.memory_space<vmem>> -> memref<128x128xf32, #tpu.memory_space<vmem>>
      %dma_wait3A_68 = arith.constant 0 : i32
      %dma_wait3A_69 = tpu.memref_slice %arg6[%add3A_48, %dma_wait3A_68] : memref<10240x128xf32, #tpu.memory_space<vmem_shared>> -> memref<128x128xf32, #tpu.memory_space<vmem_shared>>
      tpu.wait_dma2 semaphore(%run_scoped3A : memref<!tpu.dma_semaphore, #tpu.memory_space<semaphore_mem>>) src(%dma_wait3A_69 : memref<128x128xf32, #tpu.memory_space<vmem_shared>>) dst(%dma_wait3A_67 : memref<128x128xf32, #tpu.memory_space<vmem>>)
      tpu.yield
    }) : () -> ()
    %add3A_49 = arith.constant 512 : i32
    %add3A_50 = arith.addi %mul3A_2, %add3A_49 : i32
    "tpu.region"() ({
      %run_scoped3A = tpu.sem_alloc : memref<!tpu.dma_semaphore, #tpu.memory_space<semaphore_mem>>
      %dma_start3A_51 = arith.constant 0 : i32
      %dma_start3A_52 = arith.constant 0 : i32
      %dma_start3A_53 = tpu.memref_slice %arg9[%dma_start3A_51, %dma_start3A_52] : memref<128x128xf32, #tpu.memory_space<vmem>> -> memref<128x128xf32, #tpu.memory_space<vmem>>
      %dma_start3A_54 = arith.constant 0 : i32
      %dma_start3A_55 = tpu.memref_slice %arg5[%arg0, %add3A_50, %dma_start3A_54] : memref<2x10240x128xf32, #tpu.memory_space<hbm>> -> memref<1x128x128xf32, #tpu.memory_space<hbm>>
      %dma_start3A_56 = tpu.memref_squeeze %dma_start3A_55 : memref<1x128x128xf32, #tpu.memory_space<hbm>> -> memref<128x128xf32, #tpu.memory_space<hbm>>
      %dma_start3A_57 = arith.constant 0 : i32
      %dma_start3A_58 = tpu.memref_slice %arg5[%arg0, %add3A_50, %dma_start3A_57] : memref<2x10240x128xf32, #tpu.memory_space<hbm>> -> memref<1x128x128xf32, #tpu.memory_space<hbm>>
      %dma_start3A_59 = tpu.memref_squeeze %dma_start3A_58 : memref<1x128x128xf32, #tpu.memory_space<hbm>> -> memref<128x128xf32, #tpu.memory_space<hbm>>
      %dma_start3A_60 = arith.constant 0 : i32
      %dma_start3A_61 = arith.constant 0 : i32
      %dma_start3A_62 = tpu.memref_slice %arg9[%dma_start3A_60, %dma_start3A_61] : memref<128x128xf32, #tpu.memory_space<vmem>> -> memref<128x128xf32, #tpu.memory_space<vmem>>
      tpu.enqueue_dma source(%dma_start3A_62 : memref<128x128xf32, #tpu.memory_space<vmem>>) target(%dma_start3A_59 : memref<128x128xf32, #tpu.memory_space<hbm>>) target_semaphore(%run_scoped3A : memref<!tpu.dma_semaphore, #tpu.memory_space<semaphore_mem>>)
      %dma_wait3A = arith.constant 0 : i32
      %dma_wait3A_63 = arith.constant 0 : i32
      %dma_wait3A_64 = tpu.memref_slice %arg9[%dma_wait3A, %dma_wait3A_63] : memref<128x128xf32, #tpu.memory_space<vmem>> -> memref<128x128xf32, #tpu.memory_space<vmem>>
      %dma_wait3A_65 = arith.constant 0 : i32
      %dma_wait3A_66 = tpu.memref_slice %arg5[%arg0, %add3A_50, %dma_wait3A_65] : memref<2x10240x128xf32, #tpu.memory_space<hbm>> -> memref<1x128x128xf32, #tpu.memory_space<hbm>>
      %dma_wait3A_67 = tpu.memref_squeeze %dma_wait3A_66 : memref<1x128x128xf32, #tpu.memory_space<hbm>> -> memref<128x128xf32, #tpu.memory_space<hbm>>
      %dma_wait3A_68 = arith.constant 0 : i32
      %dma_wait3A_69 = tpu.memref_slice %arg5[%arg0, %add3A_50, %dma_wait3A_68] : memref<2x10240x128xf32, #tpu.memory_space<hbm>> -> memref<1x128x128xf32, #tpu.memory_space<hbm>>
      %dma_wait3A_70 = tpu.memref_squeeze %dma_wait3A_69 : memref<1x128x128xf32, #tpu.memory_space<hbm>> -> memref<128x128xf32, #tpu.memory_space<hbm>>
      %dma_wait3A_71 = arith.constant 0 : i32
      %dma_wait3A_72 = arith.constant 0 : i32
      %dma_wait3A_73 = tpu.memref_slice %arg9[%dma_wait3A_71, %dma_wait3A_72] : memref<128x128xf32, #tpu.memory_space<vmem>> -> memref<128x128xf32, #tpu.memory_space<vmem>>
      tpu.wait_dma2 semaphore(%run_scoped3A : memref<!tpu.dma_semaphore, #tpu.memory_space<semaphore_mem>>) src(%dma_wait3A_73 : memref<128x128xf32, #tpu.memory_space<vmem>>) dst(%dma_wait3A_70 : memref<128x128xf32, #tpu.memory_space<hbm>>)
      tpu.yield
    }) : () -> ()
    return
  }
}

module attributes {stable_mosaic.version = 14 : i64} {
  func.func @_mm_body(%arg0: i32, %arg1: memref<2560x128xf32, #tpu.memory_space<vmem>>, %arg2: memref<128x128xf32, #tpu.memory_space<vmem>>, %arg3: memref<2560x128xf32, #tpu.memory_space<vmem>>) attributes {dimension_semantics = [#tpu.dimension_semantics<arbitrary>], iteration_bounds = array<i64: 4>, scalar_prefetch = 0 : i64, scratch_operands = 0 : i64, tpu.core_type = #tpu.core_type<tc>, window_params = [{transform_indices = @transform_0, window_bounds = array<i64: 2560, 128>}, {pipeline_mode = #tpu.pipeline_mode<synchronous>, transform_indices = @transform_1, window_bounds = array<i64: 128, 128>}, {transform_indices = @transform_2, window_bounds = array<i64: 2560, 128>}]} {
    %get3A = arith.constant 0 : index
    %get3A_0 = arith.constant 0 : index
    %get3A_1 = vector.load %arg1[%get3A, %get3A_0] : memref<2560x128xf32, #tpu.memory_space<vmem>>, vector<2560x128xf32>
    %get3A_2 = arith.constant 0 : index
    %get3A_3 = arith.constant 0 : index
    %get3A_4 = vector.load %arg2[%get3A_2, %get3A_3] : memref<128x128xf32, #tpu.memory_space<vmem>>, vector<128x128xf32>
    %dot_general3A = arith.constant dense<0.000000e+00> : vector<2560x128xf32>
    %dot_general3A_5 = tpu.matmul %get3A_1, %get3A_4, %dot_general3A {dimension_numbers = #tpu.dot_dimension_numbers<[1], [0], [0], [1], [0, 0, 1, 1], [], []>, transpose_lhs_hint = false} : vector<2560x128xf32>, vector<128x128xf32>, vector<2560x128xf32> -> vector<2560x128xf32>
    %swap3A = arith.constant 0 : index
    %swap3A_6 = arith.constant 0 : index
    %swap3A_7 = vector.load %arg3[%swap3A, %swap3A_6] : memref<2560x128xf32, #tpu.memory_space<vmem>>, vector<2560x128xf32>
    tpu.vector_store %arg3[%swap3A, %swap3A_6], %dot_general3A_5 {strides = array<i32>} : memref<2560x128xf32, #tpu.memory_space<vmem>>, vector<2560x128xf32>,
    return
  }
  func.func @transform_0(%arg0: i32) -> (i32, i32) {
    %c0_i32 = arith.constant 0 : i32
    %c0_i32_0 = arith.constant 0 : i32
    return %arg0, %c0_i32 : i32, i32
  }
  func.func @transform_1(%arg0: i32) -> (i32, i32) {
    %c0_i32 = arith.constant 0 : i32
    %c0_i32_0 = arith.constant 0 : i32
    %c0_i32_1 = arith.constant 0 : i32
    return %c0_i32, %c0_i32_0 : i32, i32
  }
  func.func @transform_2(%arg0: i32) -> (i32, i32) {
    %c0_i32 = arith.constant 0 : i32
    %c0_i32_0 = arith.constant 0 : i32
    return %arg0, %c0_i32 : i32, i32
  }
}

module attributes {stable_mosaic.version = 14 : i64} {
  func.func @_combine_body(%arg0: i32, %arg1: memref<2560x128xf32, #tpu.memory_space<vmem>>, %arg2: memref<2560x128xf32, #tpu.memory_space<vmem>>, %arg3: memref<2560x128xf32, #tpu.memory_space<vmem>>, %arg4: memref<2560x128xf32, #tpu.memory_space<vmem>>, %arg5: memref<2560x128xf32, #tpu.memory_space<vmem>>, %arg6: memref<1x128xf32, #tpu.memory_space<vmem>>, %arg7: memref<128x128xf32, #tpu.memory_space<vmem>>, %arg8: memref<2560x128xf32, #tpu.memory_space<vmem>>) attributes {dimension_semantics = [#tpu.dimension_semantics<arbitrary>], iteration_bounds = array<i64: 4>, scalar_prefetch = 0 : i64, scratch_operands = 0 : i64, tpu.core_type = #tpu.core_type<tc>, window_params = [{transform_indices = @transform_0, window_bounds = array<i64: 2560, 128>}, {transform_indices = @transform_1, window_bounds = array<i64: 2560, 128>}, {transform_indices = @transform_2, window_bounds = array<i64: 2560, 128>}, {transform_indices = @transform_3, window_bounds = array<i64: 2560, 128>}, {transform_indices = @transform_4, window_bounds = array<i64: 2560, 128>}, {pipeline_mode = #tpu.pipeline_mode<synchronous>, transform_indices = @transform_5, window_bounds = array<i64: 1, 128>}, {pipeline_mode = #tpu.pipeline_mode<synchronous>, transform_indices = @transform_6, window_bounds = array<i64: 128, 128>}, {transform_indices = @transform_7, window_bounds = array<i64: 2560, 128>}]} {
    %get3A = arith.constant 0 : index
    %get3A_0 = arith.constant 0 : index
    %get3A_1 = vector.load %arg4[%get3A, %get3A_0] : memref<2560x128xf32, #tpu.memory_space<vmem>>, vector<2560x1xf32>
    %get3A_2 = arith.constant 0 : index
    %get3A_3 = arith.constant 0 : index
    %get3A_4 = vector.load %arg5[%get3A_2, %get3A_3] : memref<2560x128xf32, #tpu.memory_space<vmem>>, vector<2560x1xf32>
    %add3A = arith.addf %get3A_1, %get3A_4 : vector<2560x1xf32>
    %add3A_5 = arith.constant 2.000000e+00 : f32
    %add3A_6 = vector.broadcast %add3A_5 : f32 to vector<2560x1xf32>
    %add3A_7 = arith.addf %add3A, %add3A_6 : vector<2560x1xf32>
    %get3A_8 = arith.constant 0 : index
    %get3A_9 = arith.constant 0 : index
    %get3A_10 = vector.load %arg1[%get3A_8, %get3A_9] : memref<2560x128xf32, #tpu.memory_space<vmem>>, vector<2560x128xf32>
    %get3A_11 = arith.constant 0 : index
    %get3A_12 = arith.constant 0 : index
    %get3A_13 = vector.load %arg2[%get3A_11, %get3A_12] : memref<2560x128xf32, #tpu.memory_space<vmem>>, vector<2560x128xf32>
    %add3A_14 = arith.addf %get3A_10, %get3A_13 : vector<2560x128xf32>
    %get3A_15 = arith.constant 0 : index
    %get3A_16 = arith.constant 0 : index
    %get3A_17 = vector.load %arg3[%get3A_15, %get3A_16] : memref<2560x128xf32, #tpu.memory_space<vmem>>, vector<2560x128xf32>
    %mul3A = arith.constant 2.000000e+00 : f32
    %mul3A_18 = vector.broadcast %mul3A : f32 to vector<2560x128xf32>
    %mul3A_19 = arith.mulf %mul3A_18, %get3A_17 : vector<2560x128xf32>
    %add3A_20 = arith.addf %add3A_14, %mul3A_19 : vector<2560x128xf32>
    %div3A = vector.broadcast %add3A_7 : vector<2560x1xf32> to vector<2560x128xf32>
    %div3A_21 = arith.divf %add3A_20, %div3A : vector<2560x128xf32>
    %get3A_22 = arith.constant 0 : index
    %get3A_23 = arith.constant 0 : index
    %get3A_24 = vector.load %arg6[%get3A_22, %get3A_23] : memref<1x128xf32, #tpu.memory_space<vmem>>, vector<1x128xf32>
    %add3A_25 = vector.broadcast %get3A_24 : vector<1x128xf32> to vector<2560x128xf32>
    %add3A_26 = arith.addf %div3A_21, %add3A_25 : vector<2560x128xf32>
    %max3A = arith.constant 0.000000e+00 : f32
    %max3A_27 = vector.broadcast %max3A : f32 to vector<2560x128xf32>
    %max3A_28 = arith.maximumf %add3A_26, %max3A_27 : vector<2560x128xf32>
    %get3A_29 = arith.constant 0 : index
    %get3A_30 = arith.constant 0 : index
    %get3A_31 = vector.load %arg7[%get3A_29, %get3A_30] : memref<128x128xf32, #tpu.memory_space<vmem>>, vector<128x128xf32>
    %dot_general3A = arith.constant dense<0.000000e+00> : vector<2560x128xf32>
    %dot_general3A_32 = tpu.matmul %max3A_28, %get3A_31, %dot_general3A {dimension_numbers = #tpu.dot_dimension_numbers<[1], [0], [0], [1], [0, 0, 1, 1], [], []>, transpose_lhs_hint = false} : vector<2560x128xf32>, vector<128x128xf32>, vector<2560x128xf32> -> vector<2560x128xf32>
    %swap3A = arith.constant 0 : index
    %swap3A_33 = arith.constant 0 : index
    %swap3A_34 = vector.load %arg8[%swap3A, %swap3A_33] : memref<2560x128xf32, #tpu.memory_space<vmem>>, vector<2560x128xf32>
    tpu.vector_store %arg8[%swap3A, %swap3A_33], %dot_general3A_32 {strides = array<i32>} : memref<2560x128xf32, #tpu.memory_space<vmem>>, vector<2560x128xf32>,
    return
  }
  func.func @transform_0(%arg0: i32) -> (i32, i32) {
    %c0_i32 = arith.constant 0 : i32
    %c0_i32_0 = arith.constant 0 : i32
    return %arg0, %c0_i32 : i32, i32
  }
  func.func @transform_1(%arg0: i32) -> (i32, i32) {
    %c0_i32 = arith.constant 0 : i32
    %c0_i32_0 = arith.constant 0 : i32
    return %arg0, %c0_i32 : i32, i32
  }
  func.func @transform_2(%arg0: i32) -> (i32, i32) {
    %c0_i32 = arith.constant 0 : i32
    %c0_i32_0 = arith.constant 0 : i32
    return %arg0, %c0_i32 : i32, i32
  }
  func.func @transform_3(%arg0: i32) -> (i32, i32) {
    %c0_i32 = arith.constant 0 : i32
    %c0_i32_0 = arith.constant 0 : i32
    return %arg0, %c0_i32 : i32, i32
  }
  func.func @transform_4(%arg0: i32) -> (i32, i32) {
    %c0_i32 = arith.constant 0 : i32
    %c0_i32_0 = arith.constant 0 : i32
    return %arg0, %c0_i32 : i32, i32
  }
  func.func @transform_5(%arg0: i32) -> (i32, i32) {
    %c0_i32 = arith.constant 0 : i32
    %c0_i32_0 = arith.constant 0 : i32
    %c0_i32_1 = arith.constant 0 : i32
    return %c0_i32, %c0_i32_0 : i32, i32
  }
  func.func @transform_6(%arg0: i32) -> (i32, i32) {
    %c0_i32 = arith.constant 0 : i32
    %c0_i32_0 = arith.constant 0 : i32
    %c0_i32_1 = arith.constant 0 : i32
    return %c0_i32, %c0_i32_0 : i32, i32
  }
  func.func @transform_7(%arg0: i32) -> (i32, i32) {
    %c0_i32 = arith.constant 0 : i32
    %c0_i32_0 = arith.constant 0 : i32
    return %arg0, %c0_i32 : i32, i32
  }
}

module attributes {stable_mosaic.version = 14 : i64} {
  func.func @_head_body(%arg0: i32, %arg1: memref<2560x128xf32, #tpu.memory_space<vmem>>, %arg2: memref<2560x128xf32, #tpu.memory_space<vmem>>, %arg3: memref<2560x128xf32, #tpu.memory_space<vmem>>, %arg4: memref<2560x128xf32, #tpu.memory_space<vmem>>, %arg5: memref<2560x128xf32, #tpu.memory_space<vmem>>, %arg6: memref<1x128xf32, #tpu.memory_space<vmem>>, %arg7: memref<128x256xf32, #tpu.memory_space<vmem>>, %arg8: memref<1x256xf32, #tpu.memory_space<vmem>>, %arg9: memref<1x256xf32, #tpu.memory_space<vmem>>, %arg10: memref<1x256xf32, #tpu.memory_space<vmem>>, %arg11: memref<256x2xf32, #tpu.memory_space<vmem>>, %arg12: memref<1x2xf32, #tpu.memory_space<vmem>>, %arg13: memref<2560x2xf32, #tpu.memory_space<vmem>>) attributes {dimension_semantics = [#tpu.dimension_semantics<arbitrary>], iteration_bounds = array<i64: 4>, scalar_prefetch = 0 : i64, scratch_operands = 0 : i64, tpu.core_type = #tpu.core_type<tc>, window_params = [{transform_indices = @transform_0, window_bounds = array<i64: 2560, 128>}, {transform_indices = @transform_1, window_bounds = array<i64: 2560, 128>}, {transform_indices = @transform_2, window_bounds = array<i64: 2560, 128>}, {transform_indices = @transform_3, window_bounds = array<i64: 2560, 128>}, {transform_indices = @transform_4, window_bounds = array<i64: 2560, 128>}, {pipeline_mode = #tpu.pipeline_mode<synchronous>, transform_indices = @transform_5, window_bounds = array<i64: 1, 128>}, {pipeline_mode = #tpu.pipeline_mode<synchronous>, transform_indices = @transform_6, window_bounds = array<i64: 128, 256>}, {pipeline_mode = #tpu.pipeline_mode<synchronous>, transform_indices = @transform_7, window_bounds = array<i64: 1, 256>}, {pipeline_mode = #tpu.pipeline_mode<synchronous>, transform_indices = @transform_8, window_bounds = array<i64: 1, 256>}, {pipeline_mode = #tpu.pipeline_mode<synchronous>, transform_indices = @transform_9, window_bounds = array<i64: 1, 256>}, {pipeline_mode = #tpu.pipeline_mode<synchronous>, transform_indices = @transform_10, window_bounds = array<i64: 256, 2>}, {pipeline_mode = #tpu.pipeline_mode<synchronous>, transform_indices = @transform_11, window_bounds = array<i64: 1, 2>}, {transform_indices = @transform_12, window_bounds = array<i64: 2560, 2>}]} {
    %get3A = arith.constant 0 : index
    %get3A_0 = arith.constant 0 : index
    %get3A_1 = vector.load %arg4[%get3A, %get3A_0] : memref<2560x128xf32, #tpu.memory_space<vmem>>, vector<2560x1xf32>
    %get3A_2 = arith.constant 0 : index
    %get3A_3 = arith.constant 0 : index
    %get3A_4 = vector.load %arg5[%get3A_2, %get3A_3] : memref<2560x128xf32, #tpu.memory_space<vmem>>, vector<2560x1xf32>
    %add3A = arith.addf %get3A_1, %get3A_4 : vector<2560x1xf32>
    %add3A_5 = arith.constant 2.000000e+00 : f32
    %add3A_6 = vector.broadcast %add3A_5 : f32 to vector<2560x1xf32>
    %add3A_7 = arith.addf %add3A, %add3A_6 : vector<2560x1xf32>
    %get3A_8 = arith.constant 0 : index
    %get3A_9 = arith.constant 0 : index
    %get3A_10 = vector.load %arg1[%get3A_8, %get3A_9] : memref<2560x128xf32, #tpu.memory_space<vmem>>, vector<2560x128xf32>
    %get3A_11 = arith.constant 0 : index
    %get3A_12 = arith.constant 0 : index
    %get3A_13 = vector.load %arg2[%get3A_11, %get3A_12] : memref<2560x128xf32, #tpu.memory_space<vmem>>, vector<2560x128xf32>
    %add3A_14 = arith.addf %get3A_10, %get3A_13 : vector<2560x128xf32>
    %get3A_15 = arith.constant 0 : index
    %get3A_16 = arith.constant 0 : index
    %get3A_17 = vector.load %arg3[%get3A_15, %get3A_16] : memref<2560x128xf32, #tpu.memory_space<vmem>>, vector<2560x128xf32>
    %mul3A = arith.constant 2.000000e+00 : f32
    %mul3A_18 = vector.broadcast %mul3A : f32 to vector<2560x128xf32>
    %mul3A_19 = arith.mulf %mul3A_18, %get3A_17 : vector<2560x128xf32>
    %add3A_20 = arith.addf %add3A_14, %mul3A_19 : vector<2560x128xf32>
    %div3A = vector.broadcast %add3A_7 : vector<2560x1xf32> to vector<2560x128xf32>
    %div3A_21 = arith.divf %add3A_20, %div3A : vector<2560x128xf32>
    %get3A_22 = arith.constant 0 : index
    %get3A_23 = arith.constant 0 : index
    %get3A_24 = vector.load %arg6[%get3A_22, %get3A_23] : memref<1x128xf32, #tpu.memory_space<vmem>>, vector<1x128xf32>
    %add3A_25 = vector.broadcast %get3A_24 : vector<1x128xf32> to vector<2560x128xf32>
    %add3A_26 = arith.addf %div3A_21, %add3A_25 : vector<2560x128xf32>
    %max3A = arith.constant 0.000000e+00 : f32
    %max3A_27 = vector.broadcast %max3A : f32 to vector<2560x128xf32>
    %max3A_28 = arith.maximumf %add3A_26, %max3A_27 : vector<2560x128xf32>
    %get3A_29 = arith.constant 0 : index
    %get3A_30 = arith.constant 0 : index
    %get3A_31 = vector.load %arg7[%get3A_29, %get3A_30] : memref<128x256xf32, #tpu.memory_space<vmem>>, vector<128x256xf32>
    %dot_general3A = arith.constant dense<0.000000e+00> : vector<2560x256xf32>
    %dot_general3A_32 = tpu.matmul %max3A_28, %get3A_31, %dot_general3A {dimension_numbers = #tpu.dot_dimension_numbers<[1], [0], [0], [1], [0, 0, 1, 1], [], []>, transpose_lhs_hint = false} : vector<2560x128xf32>, vector<128x256xf32>, vector<2560x256xf32> -> vector<2560x256xf32>
    %get3A_33 = arith.constant 0 : index
    %get3A_34 = arith.constant 0 : index
    %get3A_35 = vector.load %arg8[%get3A_33, %get3A_34] : memref<1x256xf32, #tpu.memory_space<vmem>>, vector<1x256xf32>
    %add3A_36 = vector.broadcast %get3A_35 : vector<1x256xf32> to vector<2560x256xf32>
    %add3A_37 = arith.addf %dot_general3A_32, %add3A_36 : vector<2560x256xf32>
    %max3A_38 = arith.constant 0.000000e+00 : f32
    %max3A_39 = vector.broadcast %max3A_38 : f32 to vector<2560x256xf32>
    %max3A_40 = arith.maximumf %add3A_37, %max3A_39 : vector<2560x256xf32>
    %get3A_41 = arith.constant 0 : index
    %get3A_42 = arith.constant 0 : index
    %get3A_43 = vector.load %arg9[%get3A_41, %get3A_42] : memref<1x256xf32, #tpu.memory_space<vmem>>, vector<1x256xf32>
    %sqrt3A = arith.constant 1.000010e+00 : f32
    %sqrt3A_44 = math.sqrt %sqrt3A : f32
    %div3A_45 = arith.constant 1.000000e+00 : f32
    %div3A_46 = arith.divf %div3A_45, %sqrt3A_44 : f32
    %mul3A_47 = vector.broadcast %div3A_46 : f32 to vector<1x256xf32>
    %mul3A_48 = arith.mulf %get3A_43, %mul3A_47 : vector<1x256xf32>
    %mul3A_49 = vector.broadcast %mul3A_48 : vector<1x256xf32> to vector<2560x256xf32>
    %mul3A_50 = arith.mulf %max3A_40, %mul3A_49 : vector<2560x256xf32>
    %get3A_51 = arith.constant 0 : index
    %get3A_52 = arith.constant 0 : index
    %get3A_53 = vector.load %arg10[%get3A_51, %get3A_52] : memref<1x256xf32, #tpu.memory_space<vmem>>, vector<1x256xf32>
    %add3A_54 = vector.broadcast %get3A_53 : vector<1x256xf32> to vector<2560x256xf32>
    %add3A_55 = arith.addf %mul3A_50, %add3A_54 : vector<2560x256xf32>
    %get3A_56 = arith.constant 0 : index
    %get3A_57 = arith.constant 0 : index
    %get3A_58 = vector.load %arg11[%get3A_56, %get3A_57] : memref<256x2xf32, #tpu.memory_space<vmem>>, vector<256x2xf32>
    %dot_general3A_59 = arith.constant dense<0.000000e+00> : vector<2560x2xf32>
    %dot_general3A_60 = tpu.matmul %add3A_55, %get3A_58, %dot_general3A_59 {dimension_numbers = #tpu.dot_dimension_numbers<[1], [0], [0], [1], [0, 0, 1, 1], [], []>, transpose_lhs_hint = false} : vector<2560x256xf32>, vector<256x2xf32>, vector<2560x2xf32> -> vector<2560x2xf32>
    %get3A_61 = arith.constant 0 : index
    %get3A_62 = arith.constant 0 : index
    %get3A_63 = vector.load %arg12[%get3A_61, %get3A_62] : memref<1x2xf32, #tpu.memory_space<vmem>>, vector<1x2xf32>
    %add3A_64 = vector.broadcast %get3A_63 : vector<1x2xf32> to vector<2560x2xf32>
    %add3A_65 = arith.addf %dot_general3A_60, %add3A_64 : vector<2560x2xf32>
    %swap3A = arith.constant 0 : index
    %swap3A_66 = arith.constant 0 : index
    %swap3A_67 = vector.load %arg13[%swap3A, %swap3A_66] : memref<2560x2xf32, #tpu.memory_space<vmem>>, vector<2560x2xf32>
    tpu.vector_store %arg13[%swap3A, %swap3A_66], %add3A_65 {strides = array<i32>} : memref<2560x2xf32, #tpu.memory_space<vmem>>, vector<2560x2xf32>,
    return
  }
  func.func @transform_0(%arg0: i32) -> (i32, i32) {
    %c0_i32 = arith.constant 0 : i32
    %c0_i32_0 = arith.constant 0 : i32
    return %arg0, %c0_i32 : i32, i32
  }
  func.func @transform_1(%arg0: i32) -> (i32, i32) {
    %c0_i32 = arith.constant 0 : i32
    %c0_i32_0 = arith.constant 0 : i32
    return %arg0, %c0_i32 : i32, i32
  }
  func.func @transform_2(%arg0: i32) -> (i32, i32) {
    %c0_i32 = arith.constant 0 : i32
    %c0_i32_0 = arith.constant 0 : i32
    return %arg0, %c0_i32 : i32, i32
  }
  func.func @transform_3(%arg0: i32) -> (i32, i32) {
    %c0_i32 = arith.constant 0 : i32
    %c0_i32_0 = arith.constant 0 : i32
    return %arg0, %c0_i32 : i32, i32
  }
  func.func @transform_4(%arg0: i32) -> (i32, i32) {
    %c0_i32 = arith.constant 0 : i32
    %c0_i32_0 = arith.constant 0 : i32
    return %arg0, %c0_i32 : i32, i32
  }
  func.func @transform_5(%arg0: i32) -> (i32, i32) {
    %c0_i32 = arith.constant 0 : i32
    %c0_i32_0 = arith.constant 0 : i32
    %c0_i32_1 = arith.constant 0 : i32
    return %c0_i32, %c0_i32_0 : i32, i32
  }
  func.func @transform_6(%arg0: i32) -> (i32, i32) {
    %c0_i32 = arith.constant 0 : i32
    %c0_i32_0 = arith.constant 0 : i32
    %c0_i32_1 = arith.constant 0 : i32
    return %c0_i32, %c0_i32_0 : i32, i32
  }
  func.func @transform_7(%arg0: i32) -> (i32, i32) {
    %c0_i32 = arith.constant 0 : i32
    %c0_i32_0 = arith.constant 0 : i32
    %c0_i32_1 = arith.constant 0 : i32
    return %c0_i32, %c0_i32_0 : i32, i32
  }
  func.func @transform_8(%arg0: i32) -> (i32, i32) {
    %c0_i32 = arith.constant 0 : i32
    %c0_i32_0 = arith.constant 0 : i32
    %c0_i32_1 = arith.constant 0 : i32
    return %c0_i32, %c0_i32_0 : i32, i32
  }
  func.func @transform_9(%arg0: i32) -> (i32, i32) {
    %c0_i32 = arith.constant 0 : i32
    %c0_i32_0 = arith.constant 0 : i32
    %c0_i32_1 = arith.constant 0 : i32
    return %c0_i32, %c0_i32_0 : i32, i32
  }
  func.func @transform_10(%arg0: i32) -> (i32, i32) {
    %c0_i32 = arith.constant 0 : i32
    %c0_i32_0 = arith.constant 0 : i32
    %c0_i32_1 = arith.constant 0 : i32
    return %c0_i32, %c0_i32_0 : i32, i32
  }
  func.func @transform_11(%arg0: i32) -> (i32, i32) {
    %c0_i32 = arith.constant 0 : i32
    %c0_i32_0 = arith.constant 0 : i32
    %c0_i32_1 = arith.constant 0 : i32
    return %c0_i32, %c0_i32_0 : i32, i32
  }
  func.func @transform_12(%arg0: i32) -> (i32, i32) {
    %c0_i32 = arith.constant 0 : i32
    %c0_i32_0 = arith.constant 0 : i32
    return %arg0, %c0_i32 : i32, i32
  }
}

</mosaic_0001>

<sc_bundles>
// kernel: kernel.11.cloned.1.call-start
scs
__scs_entry_jumppad:
0x0: {  	(pc) =	sbr.rel $0x88, $3  }
0x1: {  	(tag) =	ssettag $0x0;
	lr =	simm.s32 $0x1  }
0x2: {  	[smem:$0x3F95] =	sst lr;
	_ =	strace $0xD0000000  }
0x3: {  	_ = 	snop  }
0x4: {  	_ = 	snop  }
0x5: {  	_ = 	snop  }
0x6: {  	_ = 	snop  }
0x7: {  	_ = 	snop  }
__scs_overlays_trampoline_lowered:
0x8: {  	[smem:$0x3FA4] =	sst s0  }
0x9: {  	[smem:$0x3FA5] =	sst s1  }
0xa: {  	[smem:$0x3FA6] =	sst s2  }
0xb: {  	[smem:$0x3FA7] =	sst s3  }
0xc: {  	[smem:$0x3FA8] =	sst s4  }
0xd: {  	[smem:$0x3FA9] =	sst s5  }
0xe: {  	[smem:$0x3FAA] =	sst s6  }
0xf: {  	[smem:$0x3FAB] =	sst s7  }
0x10: {  	[smem:$0x3FAC] =	sst s8  }
0x11: {  	[smem:$0x3FAD] =	sst s9;
	s0 =	simm.s32 @!p0 $0x0  }
0x12: {  	s1 =	sld [smem:$0x3F93];
	s0 =	simm.s32 @p0 $0x1  }
0x13: {  	[smem:$0x3FAE] =	sst s0;
	s0 =	simm.s32 @!p1 $0x0  }
0x14: {  	s2 =	sld [smem:$0x3F92];
	s0 =	simm.s32 @p1 $0x1  }
0x15: {  	[smem:$0x3FAF] =	sst s0;
	s0 =	simm.s32 @!p2 $0x0  }
0x16: {  	s3 =	sld [smem:$0x3FDB];
	s0 =	simm.s32 @p2 $0x1  }
0x17: {  	s4 =	simm.s32 $0x1BF5;
	[smem:$0x3FB1] =	sst s0  }
0x18: {  	s0 =	sld [smem:$0x3F94];
	_ =	swait.ge [sflag:s4], $0x0  }
0x19: {  	s7 =	sld [smem:$0x3F95]  }
0x1a: {  	s8 =	sadd.s32 $0xFFFFE003, lr  }
0x1b: {  	s9 =	sadd.s32 $0xFFFFFEF7, lr;
	s5 =	simm.s32 $0xFFFFFFFF;
	p2 =	slt.u32 s8, $0xFFFFF086  }
0x1c: {  	p1 =	slt.u32 s9, $0xF7A;
	s5 =	simm.s32 @!p2 $0x0  }
0x1d: {  	s5 =	simm.s32 @p1 $0x1;
	p0 =	seq.s32 s7, s2  }
0x1e: {  	s7 =	smul.u32 @!p0 $0xF7A, s2;
	p2 =	seq.s32 @!p0 s5, $0x0  }
0x1f: {  	s9 =	smul.u32 $0xF7A, s1;
	s8 =	simm.s32 @!p0 $0x1BF5;
	p2 =	por !p2, p0  }
0x20: {  	[sflag:s8] =	ssyncset.s32 @!p0 $0xFFFFF086;
	s6 =	sadd.s32 @!p0 s3, s7;
	s7 =	simm.s32 @!p0 $0x108  }
0x21: {  	s3 =	sadd.s32 s3, s9;
	s6 =	sadd.s32 @!p0 $0x88, s6;
	s7 =	simm.s32 @p2 $0x1082  }
0x22: {  	[simem:s7], [sflag:s8] =	dma.local @!p0 [hbm:s6], $0xF7A  }
0x23: {  	s9 =	sor.u32 $0xD0000000, s2;
	s6 =	simm.s32 $0x108;
	_ =	swait.ge @!p0 [sflag:s8], $0x0  }
0x24: {  	s3 =	sadd.s32 $0x88, s3;
	s6 =	simm.s32 @!p1 $0x1082;
	[sflag:s4] =	ssyncset.s32 $0xFFFFF086  }
0x25: {  	[simem:s6], [sflag:s4] =	dma.local [hbm:s3], $0xF7A  }
0x26: {  	[smem:$0x3F95] =	sst s1;
	(tag) =	ssettag s2;
	_ =	strace s9  }
0x27: {  	s1 =	sld [smem:$0x3FA5]  }
0x28: {  	s2 =	sld [smem:$0x3FA6]  }
0x29: {  	s4 =	sld [smem:$0x3FA8]  }
0x2a: {  	p0 =	seq.s32 s5, $0x0;
	s5 =	sld [smem:$0x3FA9]  }
0x2b: {  	s6 =	sld [smem:$0x3FAA]  }
0x2c: {  	s7 =	sld [smem:$0x3FAB]  }
0x2d: {  	s3 =	simm.s32 $0x108;
	s8 =	sld [smem:$0x3FAC]  }
0x2e: {  	s3 =	simm.s32 @!p0 $0x1082;
	s9 =	sld [smem:$0x3FAD]  }
0x2f: {  	lr =	sadd.s32 s0, s3;
	s0 =	sld [smem:$0x3FA4]  }
0x30: {  	s3 =	sld [smem:$0x3FA7]  }
0x31: {  	[smem:$0x3FB0] =	sst s10  }
0x32: {  	s10 =	sld [smem:$0x3FAE];
	_ =	sdelay $0x3  }
0x33: {  	p0 =	seq.s32 s10, $0x1;
	s10 =	sld [smem:$0x3FB0];
	_ =	sdelay $0x3  }
0x34: {  	[smem:$0x3FB0] =	sst s10  }
0x35: {  	s10 =	sld [smem:$0x3FAF];
	_ =	sdelay $0x3  }
0x36: {  	p1 =	seq.s32 s10, $0x1;
	s10 =	sld [smem:$0x3FB0];
	_ =	sdelay $0x3  }
0x37: {  	[smem:$0x3FB0] =	sst s10  }
0x38: {  	s10 =	sld [smem:$0x3FB1]  }
0x39: {  	_ = 	snop;
	(pc) =	sbr.ind lr, $3  }
0x3a: {  	_ = 	snop  }
0x3b: {  	_ = 	snop  }
0x3c: {  	p2 =	seq.s32 s10, $0x1;
	s10 =	sld [smem:$0x3FB0]  }
0x3d: {  	_ =	shalt  }
0x3e: {  	_ =	shalt  }
0x3f: {  	_ =	shalt  }
0x40: {  	_ =	shalt  }
0x41: {  	_ =	shalt  }
0x42: {  	_ =	shalt  }
0x43: {  	_ =	shalt  }
0x44: {  	_ =	shalt  }
0x45: {  	_ =	shalt  }
0x46: {  	_ =	shalt  }
0x47: {  	_ =	shalt  }
0x48: {  	_ =	shalt  }
0x49: {  	_ =	shalt  }
0x4a: {  	_ =	shalt  }
0x4b: {  	_ =	shalt  }
0x4c: {  	_ =	shalt  }
0x4d: {  	_ =	shalt  }
0x4e: {  	_ =	shalt  }
0x4f: {  	_ =	shalt  }
0x50: {  	_ =	shalt  }
0x51: {  	_ =	shalt  }
0x52: {  	_ =	shalt  }
0x53: {  	_ =	shalt  }
0x54: {  	_ =	shalt  }
0x55: {  	_ =	shalt  }
0x56: {  	_ =	shalt  }
0x57: {  	_ =	shalt  }
0x58: {  	_ =	shalt  }
0x59: {  	_ =	shalt  }
0x5a: {  	_ =	shalt  }
0x5b: {  	_ =	shalt  }
0x5c: {  	_ =	shalt  }
0x5d: {  	_ =	shalt  }
0x5e: {  	_ =	shalt  }
0x5f: {  	_ =	shalt  }
0x60: {  	_ =	shalt  }
0x61: {  	_ =	shalt  }
0x62: {  	_ =	shalt  }
0x63: {  	_ =	shalt  }
0x64: {  	_ =	shalt  }
0x65: {  	_ =	shalt  }
0x66: {  	_ =	shalt  }
0x67: {  	_ =	shalt  }
0x68: {  	_ =	shalt  }
0x69: {  	_ =	shalt  }
0x6a: {  	_ =	shalt  }
0x6b: {  	_ =	shalt  }
0x6c: {  	_ =	shalt  }
0x6d: {  	_ =	shalt  }
0x6e: {  	_ =	shalt  }
0x6f: {  	_ =	shalt  }
0x70: {  	_ =	shalt  }
0x71: {  	_ =	shalt  }
0x72: {  	_ =	shalt  }
0x73: {  	_ =	shalt  }
0x74: {  	_ =	shalt  }
0x75: {  	_ =	shalt  }
0x76: {  	_ =	shalt  }
0x77: {  	_ =	shalt  }
0x78: {  	_ =	shalt  }
0x79: {  	_ =	shalt  }
0x7a: {  	_ =	shalt  }
0x7b: {  	_ =	shalt  }
0x7c: {  	_ =	shalt  }
0x7d: {  	_ =	shalt  }
0x7e: {  	_ =	shalt  }
0x7f: {  	_ =	shalt  }
0x80: {  	_ =	shalt  }
0x81: {  	_ =	shalt  }
0x82: {  	_ =	shalt  }
0x83: {  	_ =	shalt  }
0x84: {  	_ =	shalt  }
0x85: {  	_ =	shalt  }
0x86: {  	_ =	shalt  }
0x87: {  	_ =	shalt  }
.Lfunc_end0:
.L_simem_size_0:
called_computation.1_lowered:
.L_overlay_start_0:
0x88: {  	s2 =	sld [smem:$0x3FD9]  }
0x89: {  	s3 =	sld [smem:$0x3FFE];
	_ =	sdelay $0x1  }
0x8a: {  	s1 =	srdreg.scid  }
0x8b: {  	s0 =	sand.u32 $0x1, s1  }
0x8c: {  	s17 =	sshll.u32 s0, $0xA;
	s2 =	sadd.s32 s3, s2  }
0x8d: {  	s2 =	sadd.s32 s2, s17  }
0x8e: {  	[smem:$0x3FBC] =	sst s2  }
0x8f: {  	_ = 	snop  }
0x90: {  	s2 =	sld [smem:$0x3FD0];
	(tm) =	ssettm $0x1  }
0x91: {  	s18 =	sld [smem:$0x3FFB];
	_ =	sdelay $0x3  }
0x92: {  	_ =	strace s18  }
0x93: {  	s3 =	sld [smem:$0x3FFC];
	_ =	sdelay $0x3  }
0x94: {  	_ =	strace s3  }
0x95: {  	s3 =	sld [smem:$0x3FFD];
	_ =	sdelay $0x3  }
0x96: {  	_ =	strace s3  }
0x97: {  	_ =	strace $0x8FFFFFFF  }
0x98: {  	s19 =	sld [smem:$0x3FDB];
	_ =	sdelay $0x1  }
0x99: {  	s4 =	simm.s32 $_scs_section_size  }
0x9a: {  	s5 =	simm.s32 $_size__tile_overlayer_lowered;
	s6 =	simm.s32 $_tile_overlayer_lowered  }
0x9b: {  	s22 =	simm.s32 $0x1BFF;
	s21 =	sshll.u32 s6, $0x1;
	s3 =	sadd.s32 s4, s19  }
0x9c: {  	s7 =	simm.s32 $0x0;
	s20 =	sshll.u32 s5, $0x1;
	s5 =	sadd.s32 s21, s3  }
0x9d: {  	[timem:s7], [sflag:s22] =	dma.local [hbm:s5], s20  }
0x9e: {  	_ =	swait.ge [sflag:s22], s20  }
0x9f: {  	s4 =	ssub.s32 $0x0, s20;
	[sflag:s22] =	ssyncset.done $0x0  }
0xa0: {  	[sflag:s22] =	ssyncadd.s32 s4;
	_ =	sdelay $0x1  }
0xa1: {  	s23 =	simm.s32 $0x1B8B  }
0xa2: {  	_ =	swait.ge [sflag:s23], $0x1  }
0xa3: {  	[sflag:s23] =	ssyncset.done $0x0  }
0xa4: {  	s25 =	simm.s32 $0x1B8E;
	s24 =	sld [smem:$0x3FFE];
	[sflag:s23] =	ssyncadd.s32 $0xFFFFFFFF  }
0xa5: {  	s26 =	simm.s32 $execute0_lowered;
	[smem:$0x3FD2] =	sst s25  }
0xa6: {  	s5 =	sshll.u32 s26, $0x1;
	_ =	strace $0x80000046;
	[dreg:$0x1] =	wrdreg $0xFFFFFFFF  }
0xa7: {  	s28 =	simm.s32 $_size_execute0_lowered;
	s3 =	sadd.s32 s3, s5;
	[dreg:$0x0] =	wrdreg $0x0  }
0xa8: {  	s5 =	sshll.u32 s28, $0x1;
	[dreg:$0x2] =	wrdreg s3  }
0xa9: {  	[dreg:$0x3] =	wrdreg s5  }
0xaa: {  	[dreg:$0x4] =	wrdreg $0xC0  }
0xab: {  	_ =	task [dreg:s7], $0x5FFFF  }
0xac: {  	[dreg:$0x1] =	wrdreg $0xFFFFFFFF  }
0xad: {  	[dreg:$0x0] =	wrdreg $0x60  }
0xae: {  	[dreg:$0x2] =	wrdreg s24  }
0xaf: {  	[dreg:$0x3] =	wrdreg s2  }
0xb0: {  	[dreg:$0x4] =	wrdreg $0x0  }
0xb1: {  	[dreg:$0x5] =	wrdreg $0xA  }
0xb2: {  	_ =	task.clear_ibuf [dreg:s7], $0x6FFFF;
	_ =	strace $0x90000046  }
0xb3: {  	s29 =	simm.s32 $0xA;
	_ =	strace $0x80000048  }
0xb4: {  	_ =	swait.ge [sflag:s29], $0x1  }
0xb5: {  	[sflag:s29] =	ssyncadd.s32 $0xFFFFFFFF  }
0xb6: {  	_ =	strace $0x90000048  }
0xb7: {  	_ =	sfence  }
0xb8: {  	s30 =	sld [smem:$0x0];
	_ =	sdelay $0x2  }
0xb9: {  	s31 =	sshll.u32 s1, $0xD;
	s1 =	sshrl.u32 s1, $0x2  }
0xba: {  	s3 =	sand.u32 $0x4000, s31;
	s1 =	sadd.s32 s1, s30  }
0xbb: {  	s0 =	sor.u32 s3, s0;
	s1 =	sshll.u32 s1, $0x11  }
0xbc: {  	s0 =	sor.u32 s1, s0  }
0xbd: {  	s0 =	sadd.s32 $0x8F2B, s0  }
0xbe: {  	[sflag:s0] =	ssyncadd.remote.s32 $0x1  }
0xbf: {  	_ =	sfence.sel $0xFFFF  }
0xc0: {  	[dreg:$0x0] =	wrdreg $0xFFFFFFFF;
	(pc) =	sbr.abs _section_cstart, $3  }
0xc1: {  	[dreg:$0x1] =	wrdreg $0xFFFFFFFF  }
0xc2: {  	_ =	task.clear_ibuf [dreg:s7], $0x2FFFF;
	_ =	strace $0x9FFFFFFF  }
0xc3: {  	(tm) =	ssettm $0x7FFFFFFF  }
tec
execute0_lowered:
.L_overlay_start_1:
0x0: {  	(tag) =	ssettag $0x1  }
0x1: {  	s0 =	rddreg [dreg:$0x0]  }
0x2: {  	s2 =	rddreg [dreg:$0x2];
	s3 =	simm.s32 $0x0;
	s1 =	srdreg.scid  }
0x3: {  	s11 =	stileid.u32;
	s31 =	simm.s32 $0x0;
	[smem:$0x7FF] =	sst s3  }
0x4: {  	s5 =	sadd.s32 $0x17400, s0;
	s1 =	sand.u32 $0x1, s1;
	s6 =	sadd.s32 $0xD400, s0  }
0x5: {  	s8 =	smul.u32 $0x50000, s11;
	s7 =	sadd.s32 $0x3400, s0;
	s0 =	sadd.s32 $0x3F400, s0  }
0x6: {  	s10 =	sshll.u32 s11, $0x1;
	s14 =	smul.u32 $0x14000, s11;
	_ =	strace $0x80000047  }
0x7: {  	s4 =	ssub.s32 $0x2, s1;
	s23 =	sor.u32 s1, s10;
	s1 =	smul.u32 $0x140000, s1  }
0x8: {  	s9 =	sshrl.u32 s4, $0x1;
	s8 =	sshrl.u32 s8, $0x2;
	s17 =	sadd.s32 $0x4000, s14  }
0x9: {  	s20 =	sadd.s32 $0x8000, s14;
	s21 =	sadd.s32 $0xC000, s14;
	s22 =	sadd.s32 $0x10000, s14  }
0xa: {  	s4 =	ssub.s32 s4, s9;
	s8 =	sadd.s32 s8, s2;
	s9 =	smul.u32 $0x2800, s23  }
0xb: {  	s10 =	sadd.s32 s17, s2;
	s11 =	sadd.s32 s20, s2;
	s12 =	sadd.s32 s21, s2  }
0xc: {  	s13 =	sadd.s32 s22, s2;
	s14 =	sadd.s32 s14, s1;
	s19 =	sadd.s32 s1, s17  }
0xd: {  	s29 =	sadd.s32 s1, s20;
	s30 =	sadd.s32 s1, s21;
	s1 =	sadd.s32 s1, s22  }
0xe: {  	s14 =	sshrl.u32 s14, $0x3;
	s28 =	sshrl.u32 s19, $0x3;
	s21 =	sshrl.u32 s30, $0x3  }
0xf: {  	s1 =	sshrl.u32 s1, $0x3;
	s23 =	smax.u32 s4, $0x1;
	s16 =	sshrl.u32 s9, $0x3  }
0x10: {  	s14 =	sadd.s32 s0, s14;
	s19 =	sadd.s32 s0, s28;
	s21 =	sadd.s32 s0, s21  }
0x11: {  	s22 =	sadd.s32 s0, s1;
	s15 =	sadd.s32 s6, s16;
	[dreg:$0x8] =	wrdreg s14  }
0x12: {  	s24 =	sadd.s32 s7, s16;
	s18 =	sor.u32 $0x10, s16;
	[dreg:$0x4] =	wrdreg s15  }
0x13: {  	s14 =	sshrl.u32 s29, $0x3;
	[dreg:$0x5] =	wrdreg s24;
	s25 =	sadd.s32 s6, s18  }
0x14: {  	s26 =	sadd.s32 s7, s18;
	s20 =	sadd.s32 s0, s14;
	[dreg:$0x6] =	wrdreg s25  }
0x15: {  	s24 =	simm.s32 $0x14200;
	[dreg:$0x7] =	wrdreg s26;
	s25 =	simm.s32 $0x4  }
.LBB2_1:
0x16: {  	s0 =	rddreg [dreg:$0x1]  }
0x17: {  	[tilespmem:s24], [sflag:$0x4] =	stream.linear.gather [hbm4b:s0+s3], $0x4000, $0x38;
	[tilespmem:$0x18200] =	vst v63  }
0x18: {  	_ =	swait.ge [sflag:s25], $0x4000  }
0x19: {  	[sflag:s25] =	ssyncset.done $0x0  }
0x1a: {  	[sflag:s25] =	ssyncadd.s32 $0xFFFFC000  }
0x1b: {  	[spmem:s8] =	stream.linear.scatter [tilespmem:s24], [sflag:$0x4], $0x4000, $0x38;
	[tilespmem:$0x18200] =	vst v63  }
0x1c: {  	_ =	swait.ge [sflag:s25], $0x4000  }
0x1d: {  	[sflag:s25] =	ssyncset.done $0x0  }
0x1e: {  	[sflag:s25] =	ssyncadd.s32 $0xFFFFC000  }
0x1f: {  	[spmem:s10] =	stream.linear.scatter [tilespmem:s24], [sflag:$0x4], $0x4000, $0x38;
	[tilespmem:$0x18200] =	vst v63  }
0x20: {  	_ =	swait.ge [sflag:s25], $0x4000  }
0x21: {  	[sflag:s25] =	ssyncset.done $0x0  }
0x22: {  	[sflag:s25] =	ssyncadd.s32 $0xFFFFC000  }
0x23: {  	[spmem:s11] =	stream.linear.scatter [tilespmem:s24], [sflag:$0x4], $0x4000, $0x38;
	[tilespmem:$0x18200] =	vst v63  }
0x24: {  	_ =	swait.ge [sflag:s25], $0x4000  }
0x25: {  	[sflag:s25] =	ssyncset.done $0x0  }
0x26: {  	[sflag:s25] =	ssyncadd.s32 $0xFFFFC000  }
0x27: {  	[spmem:s12] =	stream.linear.scatter [tilespmem:s24], [sflag:$0x4], $0x4000, $0x38;
	[tilespmem:$0x18200] =	vst v63  }
0x28: {  	_ =	swait.ge [sflag:s25], $0x4000  }
0x29: {  	[sflag:s25] =	ssyncset.done $0x0  }
0x2a: {  	[sflag:s25] =	ssyncadd.s32 $0xFFFFC000  }
0x2b: {  	[spmem:s13] =	stream.linear.scatter [tilespmem:s24], [sflag:$0x4], $0x4000, $0x38;
	[tilespmem:$0x18200] =	vst v63  }
0x2c: {  	_ =	swait.ge [sflag:s25], $0x4000  }
0x2d: {  	[sflag:s25] =	ssyncset.done $0x0  }
0x2e: {  	[sflag:s25] =	ssyncadd.s32 $0xFFFFC000  }
0x2f: {  	[bflag:$0x0] =	sbarrier.arrive $0xFFFF  }
0x30: {  	s1 =	simm.s32 $0x14000;
	s26 =	rddreg [dreg:$0x4]  }
0x31: {  	[tilespmem:s1], [sflag:$0x1] =	stream.linear.gather [hbm4b:s26+s3], $0x80, $0x38;
	[tilespmem:$0x18200] =	vst v63  }
0x32: {  	s14 =	simm.s32 $0x14100;
	s4 =	rddreg [dreg:$0x5];
	s26 =	sand.u32 $0x1, s3  }
0x33: {  	[tilespmem:s14], [sflag:$0x1] =	stream.linear.gather [hbm4b:s4+s3], $0x80, $0x38;
	[tilespmem:$0x18200] =	vst v63  }
0x34: {  	s16 =	simm.s32 $0x14080;
	s15 =	rddreg [dreg:$0x6];
	p0 =	seq.s32 s26, $0x1  }
0x35: {  	[tilespmem:s16], [sflag:$0x2] =	stream.linear.gather [hbm4b:s15+s3], $0x80, $0x38;
	[tilespmem:$0x18200] =	vst v63  }
0x36: {  	s18 =	simm.s32 $0x14180;
	s17 =	rddreg [dreg:$0x7];
	s0 =	simm.s32 @p0 $0x2  }
0x37: {  	[tilespmem:s18], [sflag:$0x2] =	stream.linear.gather [hbm4b:s17+s3], $0x80, $0x38;
	[tilespmem:$0x18200] =	vst v63  }
0x38: {  	_ =	swait.ge @p0 [sflag:s0], $0x80;
	p0 =	por p0, p0  }
0x39: {  	[sflag:s0] =	ssyncset.done @p0 $0x0  }
0x3a: {  	s14 =	simm.s32 $0x100;
	[sflag:s0] =	ssyncadd.s32 @p0 $0xFFFFFF80  }
0x3b: {  	s1 =	simm.s32 @p0 $0x14200;
	s4 =	simm.s32 @p0 $0x3;
	_ =	swait.ge @p0 [sflag:s0], $0x80  }
0x3c: {  	s26 =	simm.s32 @p0 $0x80;
	p1 =	por @p0 $0x0, $0x0;
	[sflag:s0] =	ssyncset.done @p0 $0x0  }
0x3d: {  	s28 =	simm.s32 @p0 $0x14080;
	p1 =	por p1, !p0;
	[sflag:s0] =	ssyncadd.s32 @p0 $0xFFFFFF80  }
0x3e: {  	[tilespmem:s1], [sflag:$0x3] =	stream.indirect.gather @p0 [hbm4b:s5+s26], $0x80, s28, s26, $0xb8;
	[tilespmem:$0x18200] =	vst v63  }
0x3f: {  	s29 =	sand.u32 @!p1 $0x7C00, s14;
	_ =	swait.ge @p0 [sflag:s4], $0x4000  }
0x40: {  	s0 =	simm.s32 @p0 $0x4;
	s28 =	simm.s32 @p0 $0x14180;
	[sflag:s4] =	ssyncset.done @p0 $0x0  }
0x41: {  	[sflag:s4] =	ssyncadd.s32 @p0 $0xFFFFC000;
	s4 =	sadd.s32 @!p1 s9, s29;
	s29 =	sand.u32 @!p1 $0x380, s14  }
0x42: {  	[spmem:s2] =	stream.indirect.scatter.add.f32 @p0 [tilespmem:s1], [sflag:$0x4], $0x80, s28, s26, $0xb8;
	[tilespmem:$0x18200] =	vst v63  }
0x43: {  	s1 =	sor.u32 @!p1 s29, s4;
	_ =	swait.ge @p0 [sflag:s0], $0x4000  }
0x44: {  	s4 =	simm.s32 @!p1 $0x0;
	s1 =	sshrl.u32 @!p1 s1, $0x3;
	[sflag:s0] =	ssyncset.done @p0 $0x0  }
0x45: {  	s26 =	simm.s32 @!p1 $0x14080;
	[sflag:s0] =	ssyncadd.s32 @p0 $0xFFFFC000;
	s0 =	sadd.s32 @!p1 s6, s1  }
0x46: {  	[tilespmem:s26], [sflag:$0x2] =	stream.linear.gather @!p1 [hbm4b:s0+s4], $0x80, $0x38;
	[tilespmem:$0x18200] =	vst v63  }
0x47: {  	s0 =	sadd.s32 @!p1 s7, s1;
	s1 =	simm.s32 @!p1 $0x14180;
	s26 =	simm.s32 @!p0 $0x1  }
0x48: {  	[tilespmem:s1], [sflag:$0x2] =	stream.linear.gather @!p1 [hbm4b:s0+s4], $0x80, $0x38;
	[tilespmem:$0x18200] =	vst v63  }
0x49: {  	_ =	swait.ge @!p0 [sflag:s26], $0x80  }
0x4a: {  	[sflag:s26] =	ssyncset.done @!p0 $0x0  }
0x4b: {  	[sflag:s26] =	ssyncadd.s32 @!p0 $0xFFFFFF80  }
0x4c: {  	_ =	swait.ge @!p0 [sflag:s26], $0x80  }
0x4d: {  	s28 =	simm.s32 @!p0 $0x14200;
	s29 =	simm.s32 @!p0 $0x3;
	[sflag:s26] =	ssyncset.done @!p0 $0x0  }
0x4e: {  	s0 =	simm.s32 @!p0 $0x14000;
	[sflag:s26] =	ssyncadd.s32 @!p0 $0xFFFFFF80;
	s26 =	simm.s32 @!p0 $0x80  }
0x4f: {  	[tilespmem:s28], [sflag:$0x3] =	stream.indirect.gather @!p0 [hbm4b:s5+s26], $0x80, s0, s26, $0xb8;
	[tilespmem:$0x18200] =	vst v63  }
0x50: {  	s30 =	simm.s32 @!p0 $0x14100;
	s1 =	simm.s32 $0x200;
	_ =	swait.ge @!p0 [sflag:s29], $0x4000  }
0x51: {  	s4 =	simm.s32 $0x1;
	p1 =	por @!p0 $0x0, $0x0;
	[sflag:s29] =	ssyncset.done @!p0 $0x0  }
0x52: {  	p2 =	por p1, p0;
	s0 =	simm.s32 $0x180;
	[sflag:s29] =	ssyncadd.s32 @!p0 $0xFFFFC000  }
0x53: {  	[spmem:s2] =	stream.indirect.scatter.add.f32 @!p0 [tilespmem:s28], [sflag:$0x4], $0x80, s30, s26, $0xb8;
	[tilespmem:$0x18200] =	vst v63  }
0x54: {  	s29 =	simm.s32 @!p2 $0x0;
	s30 =	simm.s32 @!p0 $0x4;
	s26 =	sand.u32 @!p2 $0x7C00, s14  }
0x55: {  	s28 =	sand.u32 @!p2 $0x300, s14;
	s14 =	simm.s32 @!p2 $0x14000;
	s26 =	sadd.s32 @!p2 s9, s26  }
0x56: {  	_ =	swait.ge @!p0 [sflag:s30], $0x4000;
	s28 =	sor.u32 @!p2 s28, s26;
	s26 =	sand.u32 $0x1, s4  }
.LBB2_2:
0x57: {  	p3 =	seq.s32 s26, $0x1;
	[sflag:s30] =	ssyncset.done @!p0 $0x0;
	s15 =	sshrl.u32 @!p2 s28, $0x3  }
0x58: {  	s26 =	smov.u32 s0;
	s0 =	smov.u32 s1;
	s28 =	smov.u32 s4  }
0x59: {  	[sflag:s30] =	ssyncadd.s32 @!p0 $0xFFFFC000;
	s30 =	sadd.s32 @!p2 s6, s15;
	s15 =	sadd.s32 @!p2 s7, s15  }
0x5a: {  	[tilespmem:s14], [sflag:$0x1] =	stream.linear.gather @!p2 [hbm4b:s30+s29], $0x80, $0x38;
	[tilespmem:$0x18200] =	vst v63  }
0x5b: {  	s1 =	sadd.s32 $0x80, s1;
	s14 =	simm.s32 @p3 $0x2;
	s30 =	simm.s32 @!p2 $0x14100  }
0x5c: {  	[tilespmem:s30], [sflag:$0x1] =	stream.linear.gather @!p2 [hbm4b:s15+s29], $0x80, $0x38;
	[tilespmem:$0x18200] =	vst v63  }
0x5d: {  	p1 =	sne.s32 s1, $0x2880;
	p0 =	por p3, p3;
	_ =	swait.ge @p3 [sflag:s14], $0x80  }
0x5e: {  	[sflag:s14] =	ssyncset.done @p0 $0x0  }
0x5f: {  	[sflag:s14] =	ssyncadd.s32 @p0 $0xFFFFFF80  }
0x60: {  	s15 =	simm.s32 @p0 $0x14200;
	s29 =	simm.s32 @p0 $0x3;
	_ =	swait.ge @p0 [sflag:s14], $0x80  }
0x61: {  	s16 =	simm.s32 @p0 $0x14080;
	s30 =	simm.s32 @p0 $0x80;
	[sflag:s14] =	ssyncset.done @p0 $0x0  }
0x62: {  	p2 =	sgt.u32 @p0 s4, $0x4C;
	[sflag:s14] =	ssyncadd.s32 @p0 $0xFFFFFF80  }
0x63: {  	[tilespmem:s15], [sflag:$0x3] =	stream.indirect.gather @p0 [hbm4b:s5+s30], $0x80, s16, s30, $0xb8;
	[tilespmem:$0x18200] =	vst v63  }
0x64: {  	p2 =	por p2, !p0;
	s14 =	simm.s32 @p0 $0x4;
	_ =	swait.ge @p0 [sflag:s29], $0x4000  }
0x65: {  	s17 =	sand.u32 @!p2 $0x7C00, s26;
	s16 =	simm.s32 @p0 $0x14180;
	[sflag:s29] =	ssyncset.done @p0 $0x0  }
0x66: {  	s17 =	sadd.s32 @!p2 s9, s17;
	[sflag:s29] =	ssyncadd.s32 @p0 $0xFFFFC000;
	s29 =	sand.u32 @!p2 $0x380, s26  }
0x67: {  	[spmem:s2] =	stream.indirect.scatter.add.f32 @p0 [tilespmem:s15], [sflag:$0x4], $0x80, s16, s30, $0xb8;
	[tilespmem:$0x18200] =	vst v63  }
0x68: {  	s15 =	sor.u32 @!p2 s29, s17;
	s16 =	simm.s32 @!p2 $0x0;
	_ =	swait.ge @p0 [sflag:s14], $0x4000  }
0x69: {  	s17 =	simm.s32 @!p2 $0x14080;
	s15 =	sshrl.u32 @!p2 s15, $0x3;
	[sflag:s14] =	ssyncset.done @p0 $0x0  }
0x6a: {  	[sflag:s14] =	ssyncadd.s32 @p0 $0xFFFFC000;
	s14 =	sadd.s32 @!p2 s6, s15;
	s15 =	sadd.s32 @!p2 s7, s15  }
0x6b: {  	[tilespmem:s17], [sflag:$0x2] =	stream.linear.gather @!p2 [hbm4b:s14+s16], $0x80, $0x38;
	[tilespmem:$0x18200] =	vst v63  }
0x6c: {  	s14 =	simm.s32 @!p2 $0x14180;
	s17 =	simm.s32 @!p0 $0x1  }
0x6d: {  	[tilespmem:s14], [sflag:$0x2] =	stream.linear.gather @!p2 [hbm4b:s15+s16], $0x80, $0x38;
	[tilespmem:$0x18200] =	vst v63  }
0x6e: {  	_ =	swait.ge @!p0 [sflag:s17], $0x80  }
0x6f: {  	[sflag:s17] =	ssyncset.done @!p0 $0x0  }
0x70: {  	[sflag:s17] =	ssyncadd.s32 @!p0 $0xFFFFFF80  }
0x71: {  	s4 =	sadd.s32 $0x1, s4;
	s15 =	simm.s32 @!p0 $0x14200;
	_ =	swait.ge @!p0 [sflag:s17], $0x80  }
0x72: {  	s14 =	simm.s32 @!p0 $0x3;
	s16 =	simm.s32 @!p0 $0x80;
	[sflag:s17] =	ssyncset.done @!p0 $0x0  }
0x73: {  	p2 =	sgt.u32 @!p0 s28, $0x4C;
	[sflag:s17] =	ssyncadd.s32 @!p0 $0xFFFFFF80;
	s17 =	simm.s32 @!p0 $0x14000  }
0x74: {  	[tilespmem:s15], [sflag:$0x3] =	stream.indirect.gather @!p0 [hbm4b:s5+s16], $0x80, s17, s16, $0xb8;
	[tilespmem:$0x18200] =	vst v63  }
0x75: {  	s30 =	simm.s32 @!p0 $0x4;
	p2 =	por p2, p0;
	_ =	swait.ge @!p0 [sflag:s14], $0x4000  }
.Ltmp0:
0x76: {  	s17 =	simm.s32 @!p0 $0x14100;
	[sflag:s14] =	ssyncset.done @!p0 $0x0;
	(pc) =	sbr.rel @p1 .LBB2_2-.Ltmp0, $4  }
0x77: {  	s29 =	simm.s32 @!p2 $0x0;
	[sflag:s14] =	ssyncadd.s32 @!p0 $0xFFFFC000;
	s14 =	sand.u32 @!p2 $0x7C00, s26  }
0x78: {  	s18 =	sand.u32 @!p2 $0x300, s26;
	s28 =	sadd.s32 @!p2 s9, s14;
	s14 =	simm.s32 @!p2 $0x14000  }
0x79: {  	[spmem:s2] =	stream.indirect.scatter.add.f32 @!p0 [tilespmem:s15], [sflag:$0x4], $0x80, s17, s16, $0xb8;
	[tilespmem:$0x18200] =	vst v63  }
0x7a: {  	s26 =	sand.u32 $0x1, s4;
	s28 =	sor.u32 @!p2 s18, s28;
	_ =	swait.ge @!p0 [sflag:s30], $0x4000  }
0x7b: {  	[sflag:s30] =	ssyncset.done @!p0 $0x0;
	s1 =	sshrl.u32 @!p2 s28, $0x3  }
0x7c: {  	p1 =	seq.s32 s26, $0x1;
	[sflag:s30] =	ssyncadd.s32 @!p0 $0xFFFFC000;
	s15 =	sadd.s32 @!p2 s6, s1  }
0x7d: {  	[tilespmem:s14], [sflag:$0x1] =	stream.linear.gather @!p2 [hbm4b:s15+s29], $0x80, $0x38;
	[tilespmem:$0x18200] =	vst v63  }
0x7e: {  	s1 =	sadd.s32 @!p2 s7, s1;
	s14 =	simm.s32 @p1 $0x2;
	s15 =	simm.s32 @!p2 $0x14100  }
0x7f: {  	[tilespmem:s15], [sflag:$0x1] =	stream.linear.gather @!p2 [hbm4b:s1+s29], $0x80, $0x38;
	[tilespmem:$0x18200] =	vst v63  }
0x80: {  	p0 =	por p1, p1;
	_ =	swait.ge @p1 [sflag:s14], $0x80  }
0x81: {  	[sflag:s14] =	ssyncset.done @p0 $0x0  }
0x82: {  	[sflag:s14] =	ssyncadd.s32 @p0 $0xFFFFFF80  }
0x83: {  	_ =	swait.ge @p0 [sflag:s14], $0x80  }
0x84: {  	s16 =	simm.s32 @p0 $0x80;
	s1 =	simm.s32 @p0 $0x14200;
	[sflag:s14] =	ssyncset.done @p0 $0x0  }
0x85: {  	s15 =	simm.s32 @p0 $0x3;
	[sflag:s14] =	ssyncadd.s32 @p0 $0xFFFFFF80;
	s14 =	simm.s32 @p0 $0x14080  }
0x86: {  	[tilespmem:s1], [sflag:$0x3] =	stream.indirect.gather @p0 [hbm4b:s5+s16], $0x80, s14, s16, $0xb8;
	[tilespmem:$0x18200] =	vst v63  }
0x87: {  	p1 =	sgt.u32 @p0 s4, $0x4C;
	_ =	swait.ge @p0 [sflag:s15], $0x4000  }
0x88: {  	p1 =	por p1, !p0;
	[sflag:s15] =	ssyncset.done @p0 $0x0  }
0x89: {  	s14 =	simm.s32 @p0 $0x14180;
	[sflag:s15] =	ssyncadd.s32 @p0 $0xFFFFC000;
	s15 =	sand.u32 @!p1 $0x7C00, s0  }
0x8a: {  	[spmem:s2] =	stream.indirect.scatter.add.f32 @p0 [tilespmem:s1], [sflag:$0x4], $0x80, s14, s16, $0xb8;
	[tilespmem:$0x18200] =	vst v63  }
0x8b: {  	s1 =	simm.s32 @p0 $0x4;
	s14 =	sadd.s32 @!p1 s9, s15;
	s15 =	sand.u32 @!p1 $0x380, s0  }
0x8c: {  	_ =	swait.ge @p0 [sflag:s1], $0x4000;
	s14 =	sor.u32 @!p1 s15, s14  }
0x8d: {  	s16 =	simm.s32 @!p1 $0x14080;
	[sflag:s1] =	ssyncset.done @p0 $0x0;
	s14 =	sshrl.u32 @!p1 s14, $0x3  }
0x8e: {  	s15 =	simm.s32 @!p1 $0x0;
	[sflag:s1] =	ssyncadd.s32 @p0 $0xFFFFC000;
	s1 =	sadd.s32 @!p1 s6, s14  }
0x8f: {  	[tilespmem:s16], [sflag:$0x2] =	stream.linear.gather @!p1 [hbm4b:s1+s15], $0x80, $0x38;
	[tilespmem:$0x18200] =	vst v63  }
0x90: {  	s1 =	sadd.s32 @!p1 s7, s14;
	s14 =	simm.s32 @!p1 $0x14180  }
0x91: {  	[tilespmem:s14], [sflag:$0x2] =	stream.linear.gather @!p1 [hbm4b:s1+s15], $0x80, $0x38;
	[tilespmem:$0x18200] =	vst v63  }
0x92: {  	s1 =	simm.s32 @!p0 $0x1  }
0x93: {  	_ =	swait.ge @!p0 [sflag:s1], $0x80  }
0x94: {  	[sflag:s1] =	ssyncset.done @!p0 $0x0  }
0x95: {  	[sflag:s1] =	ssyncadd.s32 @!p0 $0xFFFFFF80  }
0x96: {  	_ =	swait.ge @!p0 [sflag:s1], $0x80  }
0x97: {  	s14 =	simm.s32 @!p0 $0x14200;
	[sflag:s1] =	ssyncset.done @!p0 $0x0  }
0x98: {  	s15 =	simm.s32 @!p0 $0x14000;
	[sflag:s1] =	ssyncadd.s32 @!p0 $0xFFFFFF80;
	s1 =	simm.s32 @!p0 $0x80  }
0x99: {  	[tilespmem:s14], [sflag:$0x3] =	stream.indirect.gather @!p0 [hbm4b:s5+s1], $0x80, s15, s1, $0xb8;
	[tilespmem:$0x18200] =	vst v63  }
0x9a: {  	s15 =	simm.s32 @!p0 $0x3  }
0x9b: {  	_ =	swait.ge @!p0 [sflag:s15], $0x4000  }
0x9c: {  	p1 =	sgt.u32 @!p0 s4, $0x4C;
	[sflag:s15] =	ssyncset.done @!p0 $0x0  }
0x9d: {  	s4 =	simm.s32 @!p0 $0x14100;
	p1 =	por p1, p0;
	[sflag:s15] =	ssyncadd.s32 @!p0 $0xFFFFC000  }
0x9e: {  	[spmem:s2] =	stream.indirect.scatter.add.f32 @!p0 [tilespmem:s14], [sflag:$0x4], $0x80, s4, s1, $0xb8;
	[tilespmem:$0x18200] =	vst v63  }
0x9f: {  	s1 =	sand.u32 @!p1 $0x7C00, s0  }
0xa0: {  	s4 =	simm.s32 @!p0 $0x4;
	s0 =	sand.u32 @!p1 $0x300, s0;
	s1 =	sadd.s32 @!p1 s9, s1  }
0xa1: {  	_ =	swait.ge @!p0 [sflag:s4], $0x4000;
	s0 =	sor.u32 @!p1 s0, s1  }
0xa2: {  	s14 =	simm.s32 @!p1 $0x14000;
	[sflag:s4] =	ssyncset.done @!p0 $0x0;
	s0 =	sshrl.u32 @!p1 s0, $0x3  }
0xa3: {  	s1 =	simm.s32 @!p1 $0x0;
	[sflag:s4] =	ssyncadd.s32 @!p0 $0xFFFFC000;
	s4 =	sadd.s32 @!p1 s6, s0  }
0xa4: {  	[tilespmem:s14], [sflag:$0x1] =	stream.linear.gather @!p1 [hbm4b:s4+s1], $0x80, $0x38;
	[tilespmem:$0x18200] =	vst v63  }
0xa5: {  	s0 =	sadd.s32 @!p1 s7, s0;
	s4 =	simm.s32 @!p1 $0x14100  }
0xa6: {  	[tilespmem:s4], [sflag:$0x1] =	stream.linear.gather @!p1 [hbm4b:s0+s1], $0x80, $0x38;
	[tilespmem:$0x18200] =	vst v63  }
0xa7: {  	[bflag:$0x0] =	sbarrier.arrive $0xFFFF  }
0xa8: {  	[tilespmem:s24], [sflag:$0x4] =	stream.linear.gather [spmem:s8], $0x4000, $0x38;
	[tilespmem:$0x18200] =	vst v63  }
0xa9: {  	_ =	swait.ge [sflag:s25], $0x4000  }
0xaa: {  	[sflag:s25] =	ssyncset.done $0x0  }
0xab: {  	s30 =	rddreg [dreg:$0x8];
	[sflag:s25] =	ssyncadd.s32 $0xFFFFC000  }
0xac: {  	[hbm4b:s30+s3] =	stream.linear.scatter [tilespmem:s24], [sflag:$0x4], $0x4000, $0x38;
	[tilespmem:$0x18200] =	vst v63  }
0xad: {  	_ =	swait.ge [sflag:s25], $0x4000  }
0xae: {  	[sflag:s25] =	ssyncset.done $0x0  }
0xaf: {  	[sflag:s25] =	ssyncadd.s32 $0xFFFFC000  }
0xb0: {  	[tilespmem:s24], [sflag:$0x4] =	stream.linear.gather [spmem:s10], $0x4000, $0x38;
	[tilespmem:$0x18200] =	vst v63  }
0xb1: {  	_ =	swait.ge [sflag:s25], $0x4000  }
0xb2: {  	[sflag:s25] =	ssyncset.done $0x0  }
0xb3: {  	[sflag:s25] =	ssyncadd.s32 $0xFFFFC000  }
0xb4: {  	[hbm4b:s19+s3] =	stream.linear.scatter [tilespmem:s24], [sflag:$0x4], $0x4000, $0x38;
	[tilespmem:$0x18200] =	vst v63  }
0xb5: {  	_ =	swait.ge [sflag:s25], $0x4000  }
0xb6: {  	[sflag:s25] =	ssyncset.done $0x0  }
0xb7: {  	[sflag:s25] =	ssyncadd.s32 $0xFFFFC000  }
0xb8: {  	[tilespmem:s24], [sflag:$0x4] =	stream.linear.gather [spmem:s11], $0x4000, $0x38;
	[tilespmem:$0x18200] =	vst v63  }
0xb9: {  	_ =	swait.ge [sflag:s25], $0x4000  }
0xba: {  	[sflag:s25] =	ssyncset.done $0x0  }
0xbb: {  	[sflag:s25] =	ssyncadd.s32 $0xFFFFC000  }
0xbc: {  	[hbm4b:s20+s3] =	stream.linear.scatter [tilespmem:s24], [sflag:$0x4], $0x4000, $0x38;
	[tilespmem:$0x18200] =	vst v63  }
0xbd: {  	_ =	swait.ge [sflag:s25], $0x4000  }
0xbe: {  	[sflag:s25] =	ssyncset.done $0x0  }
0xbf: {  	[sflag:s25] =	ssyncadd.s32 $0xFFFFC000  }
0xc0: {  	[tilespmem:s24], [sflag:$0x4] =	stream.linear.gather [spmem:s12], $0x4000, $0x38;
	[tilespmem:$0x18200] =	vst v63  }
0xc1: {  	_ =	swait.ge [sflag:s25], $0x4000  }
0xc2: {  	[sflag:s25] =	ssyncset.done $0x0  }
0xc3: {  	[sflag:s25] =	ssyncadd.s32 $0xFFFFC000  }
0xc4: {  	[hbm4b:s21+s3] =	stream.linear.scatter [tilespmem:s24], [sflag:$0x4], $0x4000, $0x38;
	[tilespmem:$0x18200] =	vst v63  }
0xc5: {  	_ =	swait.ge [sflag:s25], $0x4000  }
0xc6: {  	[sflag:s25] =	ssyncset.done $0x0  }
0xc7: {  	[sflag:s25] =	ssyncadd.s32 $0xFFFFC000  }
0xc8: {  	[tilespmem:s24], [sflag:$0x4] =	stream.linear.gather [spmem:s13], $0x4000, $0x38;
	[tilespmem:$0x18200] =	vst v63  }
0xc9: {  	s31 =	sadd.s32 $0x1, s31;
	_ =	swait.ge [sflag:s25], $0x4000  }
0xca: {  	p0 =	sne.s32 s31, s23;
	[sflag:s25] =	ssyncset.done $0x0  }
.Ltmp1:
0xcb: {  	[sflag:s25] =	ssyncadd.s32 $0xFFFFC000;
	(pc) =	sbr.rel @p0 .LBB2_1-.Ltmp1, $4  }
0xcc: {  	[hbm4b:s22+s3] =	stream.linear.scatter [tilespmem:s24], [sflag:$0x4], $0x4000, $0x38;
	[tilespmem:$0x18200] =	vst v63  }
0xcd: {  	_ =	swait.ge [sflag:s25], $0x4000  }
0xce: {  	[sflag:s25] =	ssyncset.done $0x0  }
0xcf: {  	[sflag:s25] =	ssyncadd.s32 $0xFFFFC000  }
0xd0: {  	_ =	sfence.sel $0x180000  }
0xd1: {  	[bflag:$0x0] =	sbarrier.arrive $0xFFFF  }
0xd2: {  	_ =	strace $0x90000047  }
0xd3: {  	s0 =	stileid.u32;
	[bflag:$0x2] =	sbarrier.arrive $0xFFFF  }
0xd4: {  	p0 =	sne.s32 s0, $0x0;
	s0 =	rddreg [dreg:$0x3]  }
0xd5: {  	s0 =	sadd.s32 @!p0 $0x100000, s0  }
0xd6: {  	[sflag:s0] =	ssyncadd.tile.s32 @!p0 $0x1;
	_ =	shalt  }
.Lfunc_end2:
_tile_overlayer_lowered:
.L_overlay_start_2:
0xd7: {  	(tag) =	ssettag $0x2  }
0xd8: {  	s0 =	rddreg [dreg:$0x0];
	s2 =	stileid.u32  }
0xd9: {  	s1 =	rddreg [dreg:$0x1];
	p0 =	sne.s32 s2, $0x0  }
0xda: {  	s3 =	rddreg [dreg:$0x2];
	[bflag:$0x3] =	sbarrier.arrive $0xFFFF;
	s2 =	simm.s32 @!p0 $0x1C04  }
0xdb: {  	[timem:s3], [sflag:s2] =	dma.local @!p0 [hbm:s0], s1  }
0xdc: {  	s0 =	simm.s32 @!p0 $0x4  }
0xdd: {  	_ =	swait.ge @!p0 [sflag:s0], s1  }
0xde: {  	s1 =	ssub.s32 @!p0 $0x0, s1;
	[sflag:s0] =	ssyncset.done @!p0 $0x0  }
0xdf: {  	[sflag:s0] =	ssyncadd.s32 @!p0 s1  }
0xe0: {  	[bflag:$0x3] =	sbarrier.arrive $0xFFFF  }
0xe1: {  	_ =	shalt  }

// kernel: kernel.14.cloned.1.call-start
scs
__scs_entry_jumppad:
0x0: {  	(pc) =	sbr.rel $0x88, $3  }
0x1: {  	(tag) =	ssettag $0x0;
	lr =	simm.s32 $0x1  }
0x2: {  	[smem:$0x3F95] =	sst lr;
	_ =	strace $0xD0000000  }
0x3: {  	_ = 	snop  }
0x4: {  	_ = 	snop  }
0x5: {  	_ = 	snop  }
0x6: {  	_ = 	snop  }
0x7: {  	_ = 	snop  }
__scs_overlays_trampoline_lowered:
0x8: {  	[smem:$0x3FA4] =	sst s0  }
0x9: {  	[smem:$0x3FA5] =	sst s1  }
0xa: {  	[smem:$0x3FA6] =	sst s2  }
0xb: {  	[smem:$0x3FA7] =	sst s3  }
0xc: {  	[smem:$0x3FA8] =	sst s4  }
0xd: {  	[smem:$0x3FA9] =	sst s5  }
0xe: {  	[smem:$0x3FAA] =	sst s6  }
0xf: {  	[smem:$0x3FAB] =	sst s7  }
0x10: {  	[smem:$0x3FAC] =	sst s8  }
0x11: {  	[smem:$0x3FAD] =	sst s9;
	s0 =	simm.s32 @!p0 $0x0  }
0x12: {  	s1 =	sld [smem:$0x3F93];
	s0 =	simm.s32 @p0 $0x1  }
0x13: {  	[smem:$0x3FAE] =	sst s0;
	s0 =	simm.s32 @!p1 $0x0  }
0x14: {  	s2 =	sld [smem:$0x3F92];
	s0 =	simm.s32 @p1 $0x1  }
0x15: {  	[smem:$0x3FAF] =	sst s0;
	s0 =	simm.s32 @!p2 $0x0  }
0x16: {  	s3 =	sld [smem:$0x3FDB];
	s0 =	simm.s32 @p2 $0x1  }
0x17: {  	s4 =	simm.s32 $0x1BF5;
	[smem:$0x3FB1] =	sst s0  }
0x18: {  	s0 =	sld [smem:$0x3F94];
	_ =	swait.ge [sflag:s4], $0x0  }
0x19: {  	s7 =	sld [smem:$0x3F95]  }
0x1a: {  	s8 =	sadd.s32 $0xFFFFE003, lr  }
0x1b: {  	s9 =	sadd.s32 $0xFFFFFEF7, lr;
	s5 =	simm.s32 $0xFFFFFFFF;
	p2 =	slt.u32 s8, $0xFFFFF086  }
0x1c: {  	p1 =	slt.u32 s9, $0xF7A;
	s5 =	simm.s32 @!p2 $0x0  }
0x1d: {  	s5 =	simm.s32 @p1 $0x1;
	p0 =	seq.s32 s7, s2  }
0x1e: {  	s7 =	smul.u32 @!p0 $0xF7A, s2;
	p2 =	seq.s32 @!p0 s5, $0x0  }
0x1f: {  	s9 =	smul.u32 $0xF7A, s1;
	s8 =	simm.s32 @!p0 $0x1BF5;
	p2 =	por !p2, p0  }
0x20: {  	[sflag:s8] =	ssyncset.s32 @!p0 $0xFFFFF086;
	s6 =	sadd.s32 @!p0 s3, s7;
	s7 =	simm.s32 @!p0 $0x108  }
0x21: {  	s3 =	sadd.s32 s3, s9;
	s6 =	sadd.s32 @!p0 $0x88, s6;
	s7 =	simm.s32 @p2 $0x1082  }
0x22: {  	[simem:s7], [sflag:s8] =	dma.local @!p0 [hbm:s6], $0xF7A  }
0x23: {  	s9 =	sor.u32 $0xD0000000, s2;
	s6 =	simm.s32 $0x108;
	_ =	swait.ge @!p0 [sflag:s8], $0x0  }
0x24: {  	s3 =	sadd.s32 $0x88, s3;
	s6 =	simm.s32 @!p1 $0x1082;
	[sflag:s4] =	ssyncset.s32 $0xFFFFF086  }
0x25: {  	[simem:s6], [sflag:s4] =	dma.local [hbm:s3], $0xF7A  }
0x26: {  	[smem:$0x3F95] =	sst s1;
	(tag) =	ssettag s2;
	_ =	strace s9  }
0x27: {  	s1 =	sld [smem:$0x3FA5]  }
0x28: {  	s2 =	sld [smem:$0x3FA6]  }
0x29: {  	s4 =	sld [smem:$0x3FA8]  }
0x2a: {  	p0 =	seq.s32 s5, $0x0;
	s5 =	sld [smem:$0x3FA9]  }
0x2b: {  	s6 =	sld [smem:$0x3FAA]  }
0x2c: {  	s7 =	sld [smem:$0x3FAB]  }
0x2d: {  	s3 =	simm.s32 $0x108;
	s8 =	sld [smem:$0x3FAC]  }
0x2e: {  	s3 =	simm.s32 @!p0 $0x1082;
	s9 =	sld [smem:$0x3FAD]  }
0x2f: {  	lr =	sadd.s32 s0, s3;
	s0 =	sld [smem:$0x3FA4]  }
0x30: {  	s3 =	sld [smem:$0x3FA7]  }
0x31: {  	[smem:$0x3FB0] =	sst s10  }
0x32: {  	s10 =	sld [smem:$0x3FAE];
	_ =	sdelay $0x3  }
0x33: {  	p0 =	seq.s32 s10, $0x1;
	s10 =	sld [smem:$0x3FB0];
	_ =	sdelay $0x3  }
0x34: {  	[smem:$0x3FB0] =	sst s10  }
0x35: {  	s10 =	sld [smem:$0x3FAF];
	_ =	sdelay $0x3  }
0x36: {  	p1 =	seq.s32 s10, $0x1;
	s10 =	sld [smem:$0x3FB0];
	_ =	sdelay $0x3  }
0x37: {  	[smem:$0x3FB0] =	sst s10  }
0x38: {  	s10 =	sld [smem:$0x3FB1]  }
0x39: {  	_ = 	snop;
	(pc) =	sbr.ind lr, $3  }
0x3a: {  	_ = 	snop  }
0x3b: {  	_ = 	snop  }
0x3c: {  	p2 =	seq.s32 s10, $0x1;
	s10 =	sld [smem:$0x3FB0]  }
0x3d: {  	_ =	shalt  }
0x3e: {  	_ =	shalt  }
0x3f: {  	_ =	shalt  }
0x40: {  	_ =	shalt  }
0x41: {  	_ =	shalt  }
0x42: {  	_ =	shalt  }
0x43: {  	_ =	shalt  }
0x44: {  	_ =	shalt  }
0x45: {  	_ =	shalt  }
0x46: {  	_ =	shalt  }
0x47: {  	_ =	shalt  }
0x48: {  	_ =	shalt  }
0x49: {  	_ =	shalt  }
0x4a: {  	_ =	shalt  }
0x4b: {  	_ =	shalt  }
0x4c: {  	_ =	shalt  }
0x4d: {  	_ =	shalt  }
0x4e: {  	_ =	shalt  }
0x4f: {  	_ =	shalt  }
0x50: {  	_ =	shalt  }
0x51: {  	_ =	shalt  }
0x52: {  	_ =	shalt  }
0x53: {  	_ =	shalt  }
0x54: {  	_ =	shalt  }
0x55: {  	_ =	shalt  }
0x56: {  	_ =	shalt  }
0x57: {  	_ =	shalt  }
0x58: {  	_ =	shalt  }
0x59: {  	_ =	shalt  }
0x5a: {  	_ =	shalt  }
0x5b: {  	_ =	shalt  }
0x5c: {  	_ =	shalt  }
0x5d: {  	_ =	shalt  }
0x5e: {  	_ =	shalt  }
0x5f: {  	_ =	shalt  }
0x60: {  	_ =	shalt  }
0x61: {  	_ =	shalt  }
0x62: {  	_ =	shalt  }
0x63: {  	_ =	shalt  }
0x64: {  	_ =	shalt  }
0x65: {  	_ =	shalt  }
0x66: {  	_ =	shalt  }
0x67: {  	_ =	shalt  }
0x68: {  	_ =	shalt  }
0x69: {  	_ =	shalt  }
0x6a: {  	_ =	shalt  }
0x6b: {  	_ =	shalt  }
0x6c: {  	_ =	shalt  }
0x6d: {  	_ =	shalt  }
0x6e: {  	_ =	shalt  }
0x6f: {  	_ =	shalt  }
0x70: {  	_ =	shalt  }
0x71: {  	_ =	shalt  }
0x72: {  	_ =	shalt  }
0x73: {  	_ =	shalt  }
0x74: {  	_ =	shalt  }
0x75: {  	_ =	shalt  }
0x76: {  	_ =	shalt  }
0x77: {  	_ =	shalt  }
0x78: {  	_ =	shalt  }
0x79: {  	_ =	shalt  }
0x7a: {  	_ =	shalt  }
0x7b: {  	_ =	shalt  }
0x7c: {  	_ =	shalt  }
0x7d: {  	_ =	shalt  }
0x7e: {  	_ =	shalt  }
0x7f: {  	_ =	shalt  }
0x80: {  	_ =	shalt  }
0x81: {  	_ =	shalt  }
0x82: {  	_ =	shalt  }
0x83: {  	_ =	shalt  }
0x84: {  	_ =	shalt  }
0x85: {  	_ =	shalt  }
0x86: {  	_ =	shalt  }
0x87: {  	_ =	shalt  }
.Lfunc_end0:
.L_simem_size_0:
called_computation.2_lowered:
.L_overlay_start_0:
0x88: {  	s2 =	sld [smem:$0x3FD9]  }
0x89: {  	s3 =	sld [smem:$0x3FFE];
	_ =	sdelay $0x1  }
0x8a: {  	s1 =	srdreg.scid  }
0x8b: {  	s0 =	sand.u32 $0x1, s1  }
0x8c: {  	s17 =	sshll.u32 s0, $0xA;
	s2 =	sadd.s32 s3, s2  }
0x8d: {  	s2 =	sadd.s32 s2, s17  }
0x8e: {  	[smem:$0x3FBC] =	sst s2  }
0x8f: {  	_ = 	snop  }
0x90: {  	s2 =	sld [smem:$0x3FD0];
	(tm) =	ssettm $0x1  }
0x91: {  	s18 =	sld [smem:$0x3FFB];
	_ =	sdelay $0x3  }
0x92: {  	_ =	strace s18  }
0x93: {  	s3 =	sld [smem:$0x3FFC];
	_ =	sdelay $0x3  }
0x94: {  	_ =	strace s3  }
0x95: {  	s3 =	sld [smem:$0x3FFD];
	_ =	sdelay $0x3  }
0x96: {  	_ =	strace s3  }
0x97: {  	_ =	strace $0x8FFFFFFF  }
0x98: {  	s19 =	sld [smem:$0x3FDB];
	_ =	sdelay $0x1  }
0x99: {  	s4 =	simm.s32 $_scs_section_size  }
0x9a: {  	s5 =	simm.s32 $_size__tile_overlayer_lowered;
	s6 =	simm.s32 $_tile_overlayer_lowered  }
0x9b: {  	s22 =	simm.s32 $0x1BFF;
	s21 =	sshll.u32 s6, $0x1;
	s3 =	sadd.s32 s4, s19  }
0x9c: {  	s7 =	simm.s32 $0x0;
	s20 =	sshll.u32 s5, $0x1;
	s5 =	sadd.s32 s21, s3  }
0x9d: {  	[timem:s7], [sflag:s22] =	dma.local [hbm:s5], s20  }
0x9e: {  	_ =	swait.ge [sflag:s22], s20  }
0x9f: {  	s4 =	ssub.s32 $0x0, s20;
	[sflag:s22] =	ssyncset.done $0x0  }
0xa0: {  	[sflag:s22] =	ssyncadd.s32 s4;
	_ =	sdelay $0x1  }
0xa1: {  	s23 =	simm.s32 $0x1B8B  }
0xa2: {  	_ =	swait.ge [sflag:s23], $0x1  }
0xa3: {  	[sflag:s23] =	ssyncset.done $0x0  }
0xa4: {  	s25 =	simm.s32 $0x1B8E;
	s24 =	sld [smem:$0x3FFE];
	[sflag:s23] =	ssyncadd.s32 $0xFFFFFFFF  }
0xa5: {  	s26 =	simm.s32 $execute0_lowered;
	[smem:$0x3FD2] =	sst s25  }
0xa6: {  	s5 =	sshll.u32 s26, $0x1;
	_ =	strace $0x8000004C;
	[dreg:$0x1] =	wrdreg $0xFFFFFFFF  }
0xa7: {  	s28 =	simm.s32 $_size_execute0_lowered;
	s3 =	sadd.s32 s3, s5;
	[dreg:$0x0] =	wrdreg $0x0  }
0xa8: {  	s5 =	sshll.u32 s28, $0x1;
	[dreg:$0x2] =	wrdreg s3  }
0xa9: {  	[dreg:$0x3] =	wrdreg s5  }
0xaa: {  	[dreg:$0x4] =	wrdreg $0xC0  }
0xab: {  	_ =	task [dreg:s7], $0x5FFFF  }
0xac: {  	[dreg:$0x1] =	wrdreg $0xFFFFFFFF  }
0xad: {  	[dreg:$0x0] =	wrdreg $0x60  }
0xae: {  	[dreg:$0x2] =	wrdreg s24  }
0xaf: {  	[dreg:$0x3] =	wrdreg s2  }
0xb0: {  	[dreg:$0x4] =	wrdreg $0x0  }
0xb1: {  	[dreg:$0x5] =	wrdreg $0x9  }
0xb2: {  	_ =	task.clear_ibuf [dreg:s7], $0x6FFFF;
	_ =	strace $0x9000004C  }
0xb3: {  	s29 =	simm.s32 $0x9;
	_ =	strace $0x8000004E  }
0xb4: {  	_ =	swait.ge [sflag:s29], $0x1  }
0xb5: {  	[sflag:s29] =	ssyncadd.s32 $0xFFFFFFFF  }
0xb6: {  	_ =	strace $0x9000004E  }
0xb7: {  	_ =	sfence  }
0xb8: {  	s30 =	sld [smem:$0x0];
	_ =	sdelay $0x2  }
0xb9: {  	s31 =	sshll.u32 s1, $0xD;
	s1 =	sshrl.u32 s1, $0x2  }
0xba: {  	s3 =	sand.u32 $0x4000, s31;
	s1 =	sadd.s32 s1, s30  }
0xbb: {  	s0 =	sor.u32 s3, s0;
	s1 =	sshll.u32 s1, $0x11  }
0xbc: {  	s0 =	sor.u32 s1, s0  }
0xbd: {  	s0 =	sadd.s32 $0x8F2B, s0  }
0xbe: {  	[sflag:s0] =	ssyncadd.remote.s32 $0x1  }
0xbf: {  	_ =	sfence.sel $0xFFFF  }
0xc0: {  	[dreg:$0x0] =	wrdreg $0xFFFFFFFF;
	(pc) =	sbr.abs _section_cstart, $3  }
0xc1: {  	[dreg:$0x1] =	wrdreg $0xFFFFFFFF  }
0xc2: {  	_ =	task.clear_ibuf [dreg:s7], $0x2FFFF;
	_ =	strace $0x9FFFFFFF  }
0xc3: {  	(tm) =	ssettm $0x7FFFFFFF  }
tec
execute0_lowered:
.L_overlay_start_1:
0x0: {  	(tag) =	ssettag $0x1  }
0x1: {  	s0 =	rddreg [dreg:$0x0]  }
0x2: {  	s2 =	rddreg [dreg:$0x2];
	s3 =	simm.s32 $0x0;
	s1 =	srdreg.scid  }
0x3: {  	s11 =	stileid.u32;
	s31 =	simm.s32 $0x0;
	[smem:$0x7FF] =	sst s3  }
0x4: {  	s5 =	sadd.s32 $0x17400, s0;
	s1 =	sand.u32 $0x1, s1;
	s6 =	sadd.s32 $0xD400, s0  }
0x5: {  	s8 =	smul.u32 $0x50000, s11;
	s7 =	sadd.s32 $0x3400, s0;
	s0 =	sadd.s32 $0x3F400, s0  }
0x6: {  	s10 =	sshll.u32 s11, $0x1;
	s14 =	smul.u32 $0x14000, s11;
	_ =	strace $0x8000004D  }
0x7: {  	s4 =	ssub.s32 $0x2, s1;
	s23 =	sor.u32 s1, s10;
	s1 =	smul.u32 $0x140000, s1  }
0x8: {  	s9 =	sshrl.u32 s4, $0x1;
	s8 =	sshrl.u32 s8, $0x2;
	s17 =	sadd.s32 $0x4000, s14  }
0x9: {  	s20 =	sadd.s32 $0x8000, s14;
	s21 =	sadd.s32 $0xC000, s14;
	s22 =	sadd.s32 $0x10000, s14  }
0xa: {  	s4 =	ssub.s32 s4, s9;
	s8 =	sadd.s32 s8, s2;
	s9 =	smul.u32 $0x2800, s23  }
0xb: {  	s10 =	sadd.s32 s17, s2;
	s11 =	sadd.s32 s20, s2;
	s12 =	sadd.s32 s21, s2  }
0xc: {  	s13 =	sadd.s32 s22, s2;
	s14 =	sadd.s32 s14, s1;
	s19 =	sadd.s32 s1, s17  }
0xd: {  	s29 =	sadd.s32 s1, s20;
	s30 =	sadd.s32 s1, s21;
	s1 =	sadd.s32 s1, s22  }
0xe: {  	s14 =	sshrl.u32 s14, $0x3;
	s28 =	sshrl.u32 s19, $0x3;
	s21 =	sshrl.u32 s30, $0x3  }
0xf: {  	s1 =	sshrl.u32 s1, $0x3;
	s23 =	smax.u32 s4, $0x1;
	s16 =	sshrl.u32 s9, $0x3  }
0x10: {  	s14 =	sadd.s32 s0, s14;
	s19 =	sadd.s32 s0, s28;
	s21 =	sadd.s32 s0, s21  }
0x11: {  	s22 =	sadd.s32 s0, s1;
	s15 =	sadd.s32 s6, s16;
	[dreg:$0x8] =	wrdreg s14  }
0x12: {  	s24 =	sadd.s32 s7, s16;
	s18 =	sor.u32 $0x10, s16;
	[dreg:$0x4] =	wrdreg s15  }
0x13: {  	s14 =	sshrl.u32 s29, $0x3;
	[dreg:$0x5] =	wrdreg s24;
	s25 =	sadd.s32 s6, s18  }
0x14: {  	s26 =	sadd.s32 s7, s18;
	s20 =	sadd.s32 s0, s14;
	[dreg:$0x6] =	wrdreg s25  }
0x15: {  	s24 =	simm.s32 $0x14200;
	[dreg:$0x7] =	wrdreg s26;
	s25 =	simm.s32 $0x4  }
.LBB2_1:
0x16: {  	s0 =	rddreg [dreg:$0x1]  }
0x17: {  	[tilespmem:s24], [sflag:$0x4] =	stream.linear.gather [hbm4b:s0+s3], $0x4000, $0x38;
	[tilespmem:$0x18200] =	vst v63  }
0x18: {  	_ =	swait.ge [sflag:s25], $0x4000  }
0x19: {  	[sflag:s25] =	ssyncset.done $0x0  }
0x1a: {  	[sflag:s25] =	ssyncadd.s32 $0xFFFFC000  }
0x1b: {  	[spmem:s8] =	stream.linear.scatter [tilespmem:s24], [sflag:$0x4], $0x4000, $0x38;
	[tilespmem:$0x18200] =	vst v63  }
0x1c: {  	_ =	swait.ge [sflag:s25], $0x4000  }
0x1d: {  	[sflag:s25] =	ssyncset.done $0x0  }
0x1e: {  	[sflag:s25] =	ssyncadd.s32 $0xFFFFC000  }
0x1f: {  	[spmem:s10] =	stream.linear.scatter [tilespmem:s24], [sflag:$0x4], $0x4000, $0x38;
	[tilespmem:$0x18200] =	vst v63  }
0x20: {  	_ =	swait.ge [sflag:s25], $0x4000  }
0x21: {  	[sflag:s25] =	ssyncset.done $0x0  }
0x22: {  	[sflag:s25] =	ssyncadd.s32 $0xFFFFC000  }
0x23: {  	[spmem:s11] =	stream.linear.scatter [tilespmem:s24], [sflag:$0x4], $0x4000, $0x38;
	[tilespmem:$0x18200] =	vst v63  }
0x24: {  	_ =	swait.ge [sflag:s25], $0x4000  }
0x25: {  	[sflag:s25] =	ssyncset.done $0x0  }
0x26: {  	[sflag:s25] =	ssyncadd.s32 $0xFFFFC000  }
0x27: {  	[spmem:s12] =	stream.linear.scatter [tilespmem:s24], [sflag:$0x4], $0x4000, $0x38;
	[tilespmem:$0x18200] =	vst v63  }
0x28: {  	_ =	swait.ge [sflag:s25], $0x4000  }
0x29: {  	[sflag:s25] =	ssyncset.done $0x0  }
0x2a: {  	[sflag:s25] =	ssyncadd.s32 $0xFFFFC000  }
0x2b: {  	[spmem:s13] =	stream.linear.scatter [tilespmem:s24], [sflag:$0x4], $0x4000, $0x38;
	[tilespmem:$0x18200] =	vst v63  }
0x2c: {  	_ =	swait.ge [sflag:s25], $0x4000  }
0x2d: {  	[sflag:s25] =	ssyncset.done $0x0  }
0x2e: {  	[sflag:s25] =	ssyncadd.s32 $0xFFFFC000  }
0x2f: {  	[bflag:$0x0] =	sbarrier.arrive $0xFFFF  }
0x30: {  	s1 =	simm.s32 $0x14000;
	s26 =	rddreg [dreg:$0x4]  }
0x31: {  	[tilespmem:s1], [sflag:$0x1] =	stream.linear.gather [hbm4b:s26+s3], $0x80, $0x38;
	[tilespmem:$0x18200] =	vst v63  }
0x32: {  	s14 =	simm.s32 $0x14100;
	s4 =	rddreg [dreg:$0x5];
	s26 =	sand.u32 $0x1, s3  }
0x33: {  	[tilespmem:s14], [sflag:$0x1] =	stream.linear.gather [hbm4b:s4+s3], $0x80, $0x38;
	[tilespmem:$0x18200] =	vst v63  }
0x34: {  	s16 =	simm.s32 $0x14080;
	s15 =	rddreg [dreg:$0x6];
	p0 =	seq.s32 s26, $0x1  }
0x35: {  	[tilespmem:s16], [sflag:$0x2] =	stream.linear.gather [hbm4b:s15+s3], $0x80, $0x38;
	[tilespmem:$0x18200] =	vst v63  }
0x36: {  	s18 =	simm.s32 $0x14180;
	s17 =	rddreg [dreg:$0x7];
	s0 =	simm.s32 @p0 $0x2  }
0x37: {  	[tilespmem:s18], [sflag:$0x2] =	stream.linear.gather [hbm4b:s17+s3], $0x80, $0x38;
	[tilespmem:$0x18200] =	vst v63  }
0x38: {  	_ =	swait.ge @p0 [sflag:s0], $0x80;
	p0 =	por p0, p0  }
0x39: {  	[sflag:s0] =	ssyncset.done @p0 $0x0  }
0x3a: {  	s14 =	simm.s32 $0x100;
	[sflag:s0] =	ssyncadd.s32 @p0 $0xFFFFFF80  }
0x3b: {  	s1 =	simm.s32 @p0 $0x14200;
	s4 =	simm.s32 @p0 $0x3;
	_ =	swait.ge @p0 [sflag:s0], $0x80  }
0x3c: {  	s26 =	simm.s32 @p0 $0x80;
	p1 =	por @p0 $0x0, $0x0;
	[sflag:s0] =	ssyncset.done @p0 $0x0  }
0x3d: {  	s28 =	simm.s32 @p0 $0x14080;
	p1 =	por p1, !p0;
	[sflag:s0] =	ssyncadd.s32 @p0 $0xFFFFFF80  }
0x3e: {  	[tilespmem:s1], [sflag:$0x3] =	stream.indirect.gather @p0 [hbm4b:s5+s26], $0x80, s28, s26, $0xb8;
	[tilespmem:$0x18200] =	vst v63  }
0x3f: {  	s29 =	sand.u32 @!p1 $0x7C00, s14;
	_ =	swait.ge @p0 [sflag:s4], $0x4000  }
0x40: {  	s0 =	simm.s32 @p0 $0x4;
	s28 =	simm.s32 @p0 $0x14180;
	[sflag:s4] =	ssyncset.done @p0 $0x0  }
0x41: {  	[sflag:s4] =	ssyncadd.s32 @p0 $0xFFFFC000;
	s4 =	sadd.s32 @!p1 s9, s29;
	s29 =	sand.u32 @!p1 $0x380, s14  }
0x42: {  	[spmem:s2] =	stream.indirect.scatter.add.f32 @p0 [tilespmem:s1], [sflag:$0x4], $0x80, s28, s26, $0xb8;
	[tilespmem:$0x18200] =	vst v63  }
0x43: {  	s1 =	sor.u32 @!p1 s29, s4;
	_ =	swait.ge @p0 [sflag:s0], $0x4000  }
0x44: {  	s4 =	simm.s32 @!p1 $0x0;
	s1 =	sshrl.u32 @!p1 s1, $0x3;
	[sflag:s0] =	ssyncset.done @p0 $0x0  }
0x45: {  	s26 =	simm.s32 @!p1 $0x14080;
	[sflag:s0] =	ssyncadd.s32 @p0 $0xFFFFC000;
	s0 =	sadd.s32 @!p1 s6, s1  }
0x46: {  	[tilespmem:s26], [sflag:$0x2] =	stream.linear.gather @!p1 [hbm4b:s0+s4], $0x80, $0x38;
	[tilespmem:$0x18200] =	vst v63  }
0x47: {  	s0 =	sadd.s32 @!p1 s7, s1;
	s1 =	simm.s32 @!p1 $0x14180;
	s26 =	simm.s32 @!p0 $0x1  }
0x48: {  	[tilespmem:s1], [sflag:$0x2] =	stream.linear.gather @!p1 [hbm4b:s0+s4], $0x80, $0x38;
	[tilespmem:$0x18200] =	vst v63  }
0x49: {  	_ =	swait.ge @!p0 [sflag:s26], $0x80  }
0x4a: {  	[sflag:s26] =	ssyncset.done @!p0 $0x0  }
0x4b: {  	[sflag:s26] =	ssyncadd.s32 @!p0 $0xFFFFFF80  }
0x4c: {  	_ =	swait.ge @!p0 [sflag:s26], $0x80  }
0x4d: {  	s28 =	simm.s32 @!p0 $0x14200;
	s29 =	simm.s32 @!p0 $0x3;
	[sflag:s26] =	ssyncset.done @!p0 $0x0  }
0x4e: {  	s0 =	simm.s32 @!p0 $0x14000;
	[sflag:s26] =	ssyncadd.s32 @!p0 $0xFFFFFF80;
	s26 =	simm.s32 @!p0 $0x80  }
0x4f: {  	[tilespmem:s28], [sflag:$0x3] =	stream.indirect.gather @!p0 [hbm4b:s5+s26], $0x80, s0, s26, $0xb8;
	[tilespmem:$0x18200] =	vst v63  }
0x50: {  	s30 =	simm.s32 @!p0 $0x14100;
	s1 =	simm.s32 $0x200;
	_ =	swait.ge @!p0 [sflag:s29], $0x4000  }
0x51: {  	s4 =	simm.s32 $0x1;
	p1 =	por @!p0 $0x0, $0x0;
	[sflag:s29] =	ssyncset.done @!p0 $0x0  }
0x52: {  	p2 =	por p1, p0;
	s0 =	simm.s32 $0x180;
	[sflag:s29] =	ssyncadd.s32 @!p0 $0xFFFFC000  }
0x53: {  	[spmem:s2] =	stream.indirect.scatter.add.f32 @!p0 [tilespmem:s28], [sflag:$0x4], $0x80, s30, s26, $0xb8;
	[tilespmem:$0x18200] =	vst v63  }
0x54: {  	s29 =	simm.s32 @!p2 $0x0;
	s30 =	simm.s32 @!p0 $0x4;
	s26 =	sand.u32 @!p2 $0x7C00, s14  }
0x55: {  	s28 =	sand.u32 @!p2 $0x300, s14;
	s14 =	simm.s32 @!p2 $0x14000;
	s26 =	sadd.s32 @!p2 s9, s26  }
0x56: {  	_ =	swait.ge @!p0 [sflag:s30], $0x4000;
	s28 =	sor.u32 @!p2 s28, s26;
	s26 =	sand.u32 $0x1, s4  }
.LBB2_2:
0x57: {  	p3 =	seq.s32 s26, $0x1;
	[sflag:s30] =	ssyncset.done @!p0 $0x0;
	s15 =	sshrl.u32 @!p2 s28, $0x3  }
0x58: {  	s26 =	smov.u32 s0;
	s0 =	smov.u32 s1;
	s28 =	smov.u32 s4  }
0x59: {  	[sflag:s30] =	ssyncadd.s32 @!p0 $0xFFFFC000;
	s30 =	sadd.s32 @!p2 s6, s15;
	s15 =	sadd.s32 @!p2 s7, s15  }
0x5a: {  	[tilespmem:s14], [sflag:$0x1] =	stream.linear.gather @!p2 [hbm4b:s30+s29], $0x80, $0x38;
	[tilespmem:$0x18200] =	vst v63  }
0x5b: {  	s1 =	sadd.s32 $0x80, s1;
	s14 =	simm.s32 @p3 $0x2;
	s30 =	simm.s32 @!p2 $0x14100  }
0x5c: {  	[tilespmem:s30], [sflag:$0x1] =	stream.linear.gather @!p2 [hbm4b:s15+s29], $0x80, $0x38;
	[tilespmem:$0x18200] =	vst v63  }
0x5d: {  	p1 =	sne.s32 s1, $0x2880;
	p0 =	por p3, p3;
	_ =	swait.ge @p3 [sflag:s14], $0x80  }
0x5e: {  	[sflag:s14] =	ssyncset.done @p0 $0x0  }
0x5f: {  	[sflag:s14] =	ssyncadd.s32 @p0 $0xFFFFFF80  }
0x60: {  	s15 =	simm.s32 @p0 $0x14200;
	s29 =	simm.s32 @p0 $0x3;
	_ =	swait.ge @p0 [sflag:s14], $0x80  }
0x61: {  	s16 =	simm.s32 @p0 $0x14080;
	s30 =	simm.s32 @p0 $0x80;
	[sflag:s14] =	ssyncset.done @p0 $0x0  }
0x62: {  	p2 =	sgt.u32 @p0 s4, $0x4C;
	[sflag:s14] =	ssyncadd.s32 @p0 $0xFFFFFF80  }
0x63: {  	[tilespmem:s15], [sflag:$0x3] =	stream.indirect.gather @p0 [hbm4b:s5+s30], $0x80, s16, s30, $0xb8;
	[tilespmem:$0x18200] =	vst v63  }
0x64: {  	p2 =	por p2, !p0;
	s14 =	simm.s32 @p0 $0x4;
	_ =	swait.ge @p0 [sflag:s29], $0x4000  }
0x65: {  	s17 =	sand.u32 @!p2 $0x7C00, s26;
	s16 =	simm.s32 @p0 $0x14180;
	[sflag:s29] =	ssyncset.done @p0 $0x0  }
0x66: {  	s17 =	sadd.s32 @!p2 s9, s17;
	[sflag:s29] =	ssyncadd.s32 @p0 $0xFFFFC000;
	s29 =	sand.u32 @!p2 $0x380, s26  }
0x67: {  	[spmem:s2] =	stream.indirect.scatter.add.f32 @p0 [tilespmem:s15], [sflag:$0x4], $0x80, s16, s30, $0xb8;
	[tilespmem:$0x18200] =	vst v63  }
0x68: {  	s15 =	sor.u32 @!p2 s29, s17;
	s16 =	simm.s32 @!p2 $0x0;
	_ =	swait.ge @p0 [sflag:s14], $0x4000  }
0x69: {  	s17 =	simm.s32 @!p2 $0x14080;
	s15 =	sshrl.u32 @!p2 s15, $0x3;
	[sflag:s14] =	ssyncset.done @p0 $0x0  }
0x6a: {  	[sflag:s14] =	ssyncadd.s32 @p0 $0xFFFFC000;
	s14 =	sadd.s32 @!p2 s6, s15;
	s15 =	sadd.s32 @!p2 s7, s15  }
0x6b: {  	[tilespmem:s17], [sflag:$0x2] =	stream.linear.gather @!p2 [hbm4b:s14+s16], $0x80, $0x38;
	[tilespmem:$0x18200] =	vst v63  }
0x6c: {  	s14 =	simm.s32 @!p2 $0x14180;
	s17 =	simm.s32 @!p0 $0x1  }
0x6d: {  	[tilespmem:s14], [sflag:$0x2] =	stream.linear.gather @!p2 [hbm4b:s15+s16], $0x80, $0x38;
	[tilespmem:$0x18200] =	vst v63  }
0x6e: {  	_ =	swait.ge @!p0 [sflag:s17], $0x80  }
0x6f: {  	[sflag:s17] =	ssyncset.done @!p0 $0x0  }
0x70: {  	[sflag:s17] =	ssyncadd.s32 @!p0 $0xFFFFFF80  }
0x71: {  	s4 =	sadd.s32 $0x1, s4;
	s15 =	simm.s32 @!p0 $0x14200;
	_ =	swait.ge @!p0 [sflag:s17], $0x80  }
0x72: {  	s14 =	simm.s32 @!p0 $0x3;
	s16 =	simm.s32 @!p0 $0x80;
	[sflag:s17] =	ssyncset.done @!p0 $0x0  }
0x73: {  	p2 =	sgt.u32 @!p0 s28, $0x4C;
	[sflag:s17] =	ssyncadd.s32 @!p0 $0xFFFFFF80;
	s17 =	simm.s32 @!p0 $0x14000  }
0x74: {  	[tilespmem:s15], [sflag:$0x3] =	stream.indirect.gather @!p0 [hbm4b:s5+s16], $0x80, s17, s16, $0xb8;
	[tilespmem:$0x18200] =	vst v63  }
0x75: {  	s30 =	simm.s32 @!p0 $0x4;
	p2 =	por p2, p0;
	_ =	swait.ge @!p0 [sflag:s14], $0x4000  }
.Ltmp0:
0x76: {  	s17 =	simm.s32 @!p0 $0x14100;
	[sflag:s14] =	ssyncset.done @!p0 $0x0;
	(pc) =	sbr.rel @p1 .LBB2_2-.Ltmp0, $4  }
0x77: {  	s29 =	simm.s32 @!p2 $0x0;
	[sflag:s14] =	ssyncadd.s32 @!p0 $0xFFFFC000;
	s14 =	sand.u32 @!p2 $0x7C00, s26  }
0x78: {  	s18 =	sand.u32 @!p2 $0x300, s26;
	s28 =	sadd.s32 @!p2 s9, s14;
	s14 =	simm.s32 @!p2 $0x14000  }
0x79: {  	[spmem:s2] =	stream.indirect.scatter.add.f32 @!p0 [tilespmem:s15], [sflag:$0x4], $0x80, s17, s16, $0xb8;
	[tilespmem:$0x18200] =	vst v63  }
0x7a: {  	s26 =	sand.u32 $0x1, s4;
	s28 =	sor.u32 @!p2 s18, s28;
	_ =	swait.ge @!p0 [sflag:s30], $0x4000  }
0x7b: {  	[sflag:s30] =	ssyncset.done @!p0 $0x0;
	s1 =	sshrl.u32 @!p2 s28, $0x3  }
0x7c: {  	p1 =	seq.s32 s26, $0x1;
	[sflag:s30] =	ssyncadd.s32 @!p0 $0xFFFFC000;
	s15 =	sadd.s32 @!p2 s6, s1  }
0x7d: {  	[tilespmem:s14], [sflag:$0x1] =	stream.linear.gather @!p2 [hbm4b:s15+s29], $0x80, $0x38;
	[tilespmem:$0x18200] =	vst v63  }
0x7e: {  	s1 =	sadd.s32 @!p2 s7, s1;
	s14 =	simm.s32 @p1 $0x2;
	s15 =	simm.s32 @!p2 $0x14100  }
0x7f: {  	[tilespmem:s15], [sflag:$0x1] =	stream.linear.gather @!p2 [hbm4b:s1+s29], $0x80, $0x38;
	[tilespmem:$0x18200] =	vst v63  }
0x80: {  	p0 =	por p1, p1;
	_ =	swait.ge @p1 [sflag:s14], $0x80  }
0x81: {  	[sflag:s14] =	ssyncset.done @p0 $0x0  }
0x82: {  	[sflag:s14] =	ssyncadd.s32 @p0 $0xFFFFFF80  }
0x83: {  	_ =	swait.ge @p0 [sflag:s14], $0x80  }
0x84: {  	s16 =	simm.s32 @p0 $0x80;
	s1 =	simm.s32 @p0 $0x14200;
	[sflag:s14] =	ssyncset.done @p0 $0x0  }
0x85: {  	s15 =	simm.s32 @p0 $0x3;
	[sflag:s14] =	ssyncadd.s32 @p0 $0xFFFFFF80;
	s14 =	simm.s32 @p0 $0x14080  }
0x86: {  	[tilespmem:s1], [sflag:$0x3] =	stream.indirect.gather @p0 [hbm4b:s5+s16], $0x80, s14, s16, $0xb8;
	[tilespmem:$0x18200] =	vst v63  }
0x87: {  	p1 =	sgt.u32 @p0 s4, $0x4C;
	_ =	swait.ge @p0 [sflag:s15], $0x4000  }
0x88: {  	p1 =	por p1, !p0;
	[sflag:s15] =	ssyncset.done @p0 $0x0  }
0x89: {  	s14 =	simm.s32 @p0 $0x14180;
	[sflag:s15] =	ssyncadd.s32 @p0 $0xFFFFC000;
	s15 =	sand.u32 @!p1 $0x7C00, s0  }
0x8a: {  	[spmem:s2] =	stream.indirect.scatter.add.f32 @p0 [tilespmem:s1], [sflag:$0x4], $0x80, s14, s16, $0xb8;
	[tilespmem:$0x18200] =	vst v63  }
0x8b: {  	s1 =	simm.s32 @p0 $0x4;
	s14 =	sadd.s32 @!p1 s9, s15;
	s15 =	sand.u32 @!p1 $0x380, s0  }
0x8c: {  	_ =	swait.ge @p0 [sflag:s1], $0x4000;
	s14 =	sor.u32 @!p1 s15, s14  }
0x8d: {  	s16 =	simm.s32 @!p1 $0x14080;
	[sflag:s1] =	ssyncset.done @p0 $0x0;
	s14 =	sshrl.u32 @!p1 s14, $0x3  }
0x8e: {  	s15 =	simm.s32 @!p1 $0x0;
	[sflag:s1] =	ssyncadd.s32 @p0 $0xFFFFC000;
	s1 =	sadd.s32 @!p1 s6, s14  }
0x8f: {  	[tilespmem:s16], [sflag:$0x2] =	stream.linear.gather @!p1 [hbm4b:s1+s15], $0x80, $0x38;
	[tilespmem:$0x18200] =	vst v63  }
0x90: {  	s1 =	sadd.s32 @!p1 s7, s14;
	s14 =	simm.s32 @!p1 $0x14180  }
0x91: {  	[tilespmem:s14], [sflag:$0x2] =	stream.linear.gather @!p1 [hbm4b:s1+s15], $0x80, $0x38;
	[tilespmem:$0x18200] =	vst v63  }
0x92: {  	s1 =	simm.s32 @!p0 $0x1  }
0x93: {  	_ =	swait.ge @!p0 [sflag:s1], $0x80  }
0x94: {  	[sflag:s1] =	ssyncset.done @!p0 $0x0  }
0x95: {  	[sflag:s1] =	ssyncadd.s32 @!p0 $0xFFFFFF80  }
0x96: {  	_ =	swait.ge @!p0 [sflag:s1], $0x80  }
0x97: {  	s14 =	simm.s32 @!p0 $0x14200;
	[sflag:s1] =	ssyncset.done @!p0 $0x0  }
0x98: {  	s15 =	simm.s32 @!p0 $0x14000;
	[sflag:s1] =	ssyncadd.s32 @!p0 $0xFFFFFF80;
	s1 =	simm.s32 @!p0 $0x80  }
0x99: {  	[tilespmem:s14], [sflag:$0x3] =	stream.indirect.gather @!p0 [hbm4b:s5+s1], $0x80, s15, s1, $0xb8;
	[tilespmem:$0x18200] =	vst v63  }
0x9a: {  	s15 =	simm.s32 @!p0 $0x3  }
0x9b: {  	_ =	swait.ge @!p0 [sflag:s15], $0x4000  }
0x9c: {  	p1 =	sgt.u32 @!p0 s4, $0x4C;
	[sflag:s15] =	ssyncset.done @!p0 $0x0  }
0x9d: {  	s4 =	simm.s32 @!p0 $0x14100;
	p1 =	por p1, p0;
	[sflag:s15] =	ssyncadd.s32 @!p0 $0xFFFFC000  }
0x9e: {  	[spmem:s2] =	stream.indirect.scatter.add.f32 @!p0 [tilespmem:s14], [sflag:$0x4], $0x80, s4, s1, $0xb8;
	[tilespmem:$0x18200] =	vst v63  }
0x9f: {  	s1 =	sand.u32 @!p1 $0x7C00, s0  }
0xa0: {  	s4 =	simm.s32 @!p0 $0x4;
	s0 =	sand.u32 @!p1 $0x300, s0;
	s1 =	sadd.s32 @!p1 s9, s1  }
0xa1: {  	_ =	swait.ge @!p0 [sflag:s4], $0x4000;
	s0 =	sor.u32 @!p1 s0, s1  }
0xa2: {  	s14 =	simm.s32 @!p1 $0x14000;
	[sflag:s4] =	ssyncset.done @!p0 $0x0;
	s0 =	sshrl.u32 @!p1 s0, $0x3  }
0xa3: {  	s1 =	simm.s32 @!p1 $0x0;
	[sflag:s4] =	ssyncadd.s32 @!p0 $0xFFFFC000;
	s4 =	sadd.s32 @!p1 s6, s0  }
0xa4: {  	[tilespmem:s14], [sflag:$0x1] =	stream.linear.gather @!p1 [hbm4b:s4+s1], $0x80, $0x38;
	[tilespmem:$0x18200] =	vst v63  }
0xa5: {  	s0 =	sadd.s32 @!p1 s7, s0;
	s4 =	simm.s32 @!p1 $0x14100  }
0xa6: {  	[tilespmem:s4], [sflag:$0x1] =	stream.linear.gather @!p1 [hbm4b:s0+s1], $0x80, $0x38;
	[tilespmem:$0x18200] =	vst v63  }
0xa7: {  	[bflag:$0x0] =	sbarrier.arrive $0xFFFF  }
0xa8: {  	[tilespmem:s24], [sflag:$0x4] =	stream.linear.gather [spmem:s8], $0x4000, $0x38;
	[tilespmem:$0x18200] =	vst v63  }
0xa9: {  	_ =	swait.ge [sflag:s25], $0x4000  }
0xaa: {  	[sflag:s25] =	ssyncset.done $0x0  }
0xab: {  	s30 =	rddreg [dreg:$0x8];
	[sflag:s25] =	ssyncadd.s32 $0xFFFFC000  }
0xac: {  	[hbm4b:s30+s3] =	stream.linear.scatter [tilespmem:s24], [sflag:$0x4], $0x4000, $0x38;
	[tilespmem:$0x18200] =	vst v63  }
0xad: {  	_ =	swait.ge [sflag:s25], $0x4000  }
0xae: {  	[sflag:s25] =	ssyncset.done $0x0  }
0xaf: {  	[sflag:s25] =	ssyncadd.s32 $0xFFFFC000  }
0xb0: {  	[tilespmem:s24], [sflag:$0x4] =	stream.linear.gather [spmem:s10], $0x4000, $0x38;
	[tilespmem:$0x18200] =	vst v63  }
0xb1: {  	_ =	swait.ge [sflag:s25], $0x4000  }
0xb2: {  	[sflag:s25] =	ssyncset.done $0x0  }
0xb3: {  	[sflag:s25] =	ssyncadd.s32 $0xFFFFC000  }
0xb4: {  	[hbm4b:s19+s3] =	stream.linear.scatter [tilespmem:s24], [sflag:$0x4], $0x4000, $0x38;
	[tilespmem:$0x18200] =	vst v63  }
0xb5: {  	_ =	swait.ge [sflag:s25], $0x4000  }
0xb6: {  	[sflag:s25] =	ssyncset.done $0x0  }
0xb7: {  	[sflag:s25] =	ssyncadd.s32 $0xFFFFC000  }
0xb8: {  	[tilespmem:s24], [sflag:$0x4] =	stream.linear.gather [spmem:s11], $0x4000, $0x38;
	[tilespmem:$0x18200] =	vst v63  }
0xb9: {  	_ =	swait.ge [sflag:s25], $0x4000  }
0xba: {  	[sflag:s25] =	ssyncset.done $0x0  }
0xbb: {  	[sflag:s25] =	ssyncadd.s32 $0xFFFFC000  }
0xbc: {  	[hbm4b:s20+s3] =	stream.linear.scatter [tilespmem:s24], [sflag:$0x4], $0x4000, $0x38;
	[tilespmem:$0x18200] =	vst v63  }
0xbd: {  	_ =	swait.ge [sflag:s25], $0x4000  }
0xbe: {  	[sflag:s25] =	ssyncset.done $0x0  }
0xbf: {  	[sflag:s25] =	ssyncadd.s32 $0xFFFFC000  }
0xc0: {  	[tilespmem:s24], [sflag:$0x4] =	stream.linear.gather [spmem:s12], $0x4000, $0x38;
	[tilespmem:$0x18200] =	vst v63  }
0xc1: {  	_ =	swait.ge [sflag:s25], $0x4000  }
0xc2: {  	[sflag:s25] =	ssyncset.done $0x0  }
0xc3: {  	[sflag:s25] =	ssyncadd.s32 $0xFFFFC000  }
0xc4: {  	[hbm4b:s21+s3] =	stream.linear.scatter [tilespmem:s24], [sflag:$0x4], $0x4000, $0x38;
	[tilespmem:$0x18200] =	vst v63  }
0xc5: {  	_ =	swait.ge [sflag:s25], $0x4000  }
0xc6: {  	[sflag:s25] =	ssyncset.done $0x0  }
0xc7: {  	[sflag:s25] =	ssyncadd.s32 $0xFFFFC000  }
0xc8: {  	[tilespmem:s24], [sflag:$0x4] =	stream.linear.gather [spmem:s13], $0x4000, $0x38;
	[tilespmem:$0x18200] =	vst v63  }
0xc9: {  	s31 =	sadd.s32 $0x1, s31;
	_ =	swait.ge [sflag:s25], $0x4000  }
0xca: {  	p0 =	sne.s32 s31, s23;
	[sflag:s25] =	ssyncset.done $0x0  }
.Ltmp1:
0xcb: {  	[sflag:s25] =	ssyncadd.s32 $0xFFFFC000;
	(pc) =	sbr.rel @p0 .LBB2_1-.Ltmp1, $4  }
0xcc: {  	[hbm4b:s22+s3] =	stream.linear.scatter [tilespmem:s24], [sflag:$0x4], $0x4000, $0x38;
	[tilespmem:$0x18200] =	vst v63  }
0xcd: {  	_ =	swait.ge [sflag:s25], $0x4000  }
0xce: {  	[sflag:s25] =	ssyncset.done $0x0  }
0xcf: {  	[sflag:s25] =	ssyncadd.s32 $0xFFFFC000  }
0xd0: {  	_ =	sfence.sel $0x180000  }
0xd1: {  	[bflag:$0x0] =	sbarrier.arrive $0xFFFF  }
0xd2: {  	_ =	strace $0x9000004D  }
0xd3: {  	s0 =	stileid.u32;
	[bflag:$0x2] =	sbarrier.arrive $0xFFFF  }
0xd4: {  	p0 =	sne.s32 s0, $0x0;
	s0 =	rddreg [dreg:$0x3]  }
0xd5: {  	s0 =	sadd.s32 @!p0 $0x100000, s0  }
0xd6: {  	[sflag:s0] =	ssyncadd.tile.s32 @!p0 $0x1;
	_ =	shalt  }
.Lfunc_end2:
_tile_overlayer_lowered:
.L_overlay_start_2:
0xd7: {  	(tag) =	ssettag $0x2  }
0xd8: {  	s0 =	rddreg [dreg:$0x0];
	s2 =	stileid.u32  }
0xd9: {  	s1 =	rddreg [dreg:$0x1];
	p0 =	sne.s32 s2, $0x0  }
0xda: {  	s3 =	rddreg [dreg:$0x2];
	[bflag:$0x3] =	sbarrier.arrive $0xFFFF;
	s2 =	simm.s32 @!p0 $0x1C04  }
0xdb: {  	[timem:s3], [sflag:s2] =	dma.local @!p0 [hbm:s0], s1  }
0xdc: {  	s0 =	simm.s32 @!p0 $0x4  }
0xdd: {  	_ =	swait.ge @!p0 [sflag:s0], s1  }
0xde: {  	s1 =	ssub.s32 @!p0 $0x0, s1;
	[sflag:s0] =	ssyncset.done @!p0 $0x0  }
0xdf: {  	[sflag:s0] =	ssyncadd.s32 @!p0 s1  }
0xe0: {  	[bflag:$0x3] =	sbarrier.arrive $0xFFFF  }
0xe1: {  	_ =	shalt  }

// kernel: kernel.8.cloned.1.call-start
scs
__scs_entry_jumppad:
0x0: {  	(pc) =	sbr.rel $0x88, $3  }
0x1: {  	(tag) =	ssettag $0x0;
	lr =	simm.s32 $0x1  }
0x2: {  	[smem:$0x3F95] =	sst lr;
	_ =	strace $0xD0000000  }
0x3: {  	_ = 	snop  }
0x4: {  	_ = 	snop  }
0x5: {  	_ = 	snop  }
0x6: {  	_ = 	snop  }
0x7: {  	_ = 	snop  }
__scs_overlays_trampoline_lowered:
0x8: {  	[smem:$0x3FA4] =	sst s0  }
0x9: {  	[smem:$0x3FA5] =	sst s1  }
0xa: {  	[smem:$0x3FA6] =	sst s2  }
0xb: {  	[smem:$0x3FA7] =	sst s3  }
0xc: {  	[smem:$0x3FA8] =	sst s4  }
0xd: {  	[smem:$0x3FA9] =	sst s5  }
0xe: {  	[smem:$0x3FAA] =	sst s6  }
0xf: {  	[smem:$0x3FAB] =	sst s7  }
0x10: {  	[smem:$0x3FAC] =	sst s8  }
0x11: {  	[smem:$0x3FAD] =	sst s9;
	s0 =	simm.s32 @!p0 $0x0  }
0x12: {  	s1 =	sld [smem:$0x3F93];
	s0 =	simm.s32 @p0 $0x1  }
0x13: {  	[smem:$0x3FAE] =	sst s0;
	s0 =	simm.s32 @!p1 $0x0  }
0x14: {  	s2 =	sld [smem:$0x3F92];
	s0 =	simm.s32 @p1 $0x1  }
0x15: {  	[smem:$0x3FAF] =	sst s0;
	s0 =	simm.s32 @!p2 $0x0  }
0x16: {  	s3 =	sld [smem:$0x3FDB];
	s0 =	simm.s32 @p2 $0x1  }
0x17: {  	s4 =	simm.s32 $0x1BF5;
	[smem:$0x3FB1] =	sst s0  }
0x18: {  	s0 =	sld [smem:$0x3F94];
	_ =	swait.ge [sflag:s4], $0x0  }
0x19: {  	s7 =	sld [smem:$0x3F95]  }
0x1a: {  	s8 =	sadd.s32 $0xFFFFE003, lr  }
0x1b: {  	s9 =	sadd.s32 $0xFFFFFEF7, lr;
	s5 =	simm.s32 $0xFFFFFFFF;
	p2 =	slt.u32 s8, $0xFFFFF086  }
0x1c: {  	p1 =	slt.u32 s9, $0xF7A;
	s5 =	simm.s32 @!p2 $0x0  }
0x1d: {  	s5 =	simm.s32 @p1 $0x1;
	p0 =	seq.s32 s7, s2  }
0x1e: {  	s7 =	smul.u32 @!p0 $0xF7A, s2;
	p2 =	seq.s32 @!p0 s5, $0x0  }
0x1f: {  	s9 =	smul.u32 $0xF7A, s1;
	s8 =	simm.s32 @!p0 $0x1BF5;
	p2 =	por !p2, p0  }
0x20: {  	[sflag:s8] =	ssyncset.s32 @!p0 $0xFFFFF086;
	s6 =	sadd.s32 @!p0 s3, s7;
	s7 =	simm.s32 @!p0 $0x108  }
0x21: {  	s3 =	sadd.s32 s3, s9;
	s6 =	sadd.s32 @!p0 $0x88, s6;
	s7 =	simm.s32 @p2 $0x1082  }
0x22: {  	[simem:s7], [sflag:s8] =	dma.local @!p0 [hbm:s6], $0xF7A  }
0x23: {  	s9 =	sor.u32 $0xD0000000, s2;
	s6 =	simm.s32 $0x108;
	_ =	swait.ge @!p0 [sflag:s8], $0x0  }
0x24: {  	s3 =	sadd.s32 $0x88, s3;
	s6 =	simm.s32 @!p1 $0x1082;
	[sflag:s4] =	ssyncset.s32 $0xFFFFF086  }
0x25: {  	[simem:s6], [sflag:s4] =	dma.local [hbm:s3], $0xF7A  }
0x26: {  	[smem:$0x3F95] =	sst s1;
	(tag) =	ssettag s2;
	_ =	strace s9  }
0x27: {  	s1 =	sld [smem:$0x3FA5]  }
0x28: {  	s2 =	sld [smem:$0x3FA6]  }
0x29: {  	s4 =	sld [smem:$0x3FA8]  }
0x2a: {  	p0 =	seq.s32 s5, $0x0;
	s5 =	sld [smem:$0x3FA9]  }
0x2b: {  	s6 =	sld [smem:$0x3FAA]  }
0x2c: {  	s7 =	sld [smem:$0x3FAB]  }
0x2d: {  	s3 =	simm.s32 $0x108;
	s8 =	sld [smem:$0x3FAC]  }
0x2e: {  	s3 =	simm.s32 @!p0 $0x1082;
	s9 =	sld [smem:$0x3FAD]  }
0x2f: {  	lr =	sadd.s32 s0, s3;
	s0 =	sld [smem:$0x3FA4]  }
0x30: {  	s3 =	sld [smem:$0x3FA7]  }
0x31: {  	[smem:$0x3FB0] =	sst s10  }
0x32: {  	s10 =	sld [smem:$0x3FAE];
	_ =	sdelay $0x3  }
0x33: {  	p0 =	seq.s32 s10, $0x1;
	s10 =	sld [smem:$0x3FB0];
	_ =	sdelay $0x3  }
0x34: {  	[smem:$0x3FB0] =	sst s10  }
0x35: {  	s10 =	sld [smem:$0x3FAF];
	_ =	sdelay $0x3  }
0x36: {  	p1 =	seq.s32 s10, $0x1;
	s10 =	sld [smem:$0x3FB0];
	_ =	sdelay $0x3  }
0x37: {  	[smem:$0x3FB0] =	sst s10  }
0x38: {  	s10 =	sld [smem:$0x3FB1]  }
0x39: {  	_ = 	snop;
	(pc) =	sbr.ind lr, $3  }
0x3a: {  	_ = 	snop  }
0x3b: {  	_ = 	snop  }
0x3c: {  	p2 =	seq.s32 s10, $0x1;
	s10 =	sld [smem:$0x3FB0]  }
0x3d: {  	_ =	shalt  }
0x3e: {  	_ =	shalt  }
0x3f: {  	_ =	shalt  }
0x40: {  	_ =	shalt  }
0x41: {  	_ =	shalt  }
0x42: {  	_ =	shalt  }
0x43: {  	_ =	shalt  }
0x44: {  	_ =	shalt  }
0x45: {  	_ =	shalt  }
0x46: {  	_ =	shalt  }
0x47: {  	_ =	shalt  }
0x48: {  	_ =	shalt  }
0x49: {  	_ =	shalt  }
0x4a: {  	_ =	shalt  }
0x4b: {  	_ =	shalt  }
0x4c: {  	_ =	shalt  }
0x4d: {  	_ =	shalt  }
0x4e: {  	_ =	shalt  }
0x4f: {  	_ =	shalt  }
0x50: {  	_ =	shalt  }
0x51: {  	_ =	shalt  }
0x52: {  	_ =	shalt  }
0x53: {  	_ =	shalt  }
0x54: {  	_ =	shalt  }
0x55: {  	_ =	shalt  }
0x56: {  	_ =	shalt  }
0x57: {  	_ =	shalt  }
0x58: {  	_ =	shalt  }
0x59: {  	_ =	shalt  }
0x5a: {  	_ =	shalt  }
0x5b: {  	_ =	shalt  }
0x5c: {  	_ =	shalt  }
0x5d: {  	_ =	shalt  }
0x5e: {  	_ =	shalt  }
0x5f: {  	_ =	shalt  }
0x60: {  	_ =	shalt  }
0x61: {  	_ =	shalt  }
0x62: {  	_ =	shalt  }
0x63: {  	_ =	shalt  }
0x64: {  	_ =	shalt  }
0x65: {  	_ =	shalt  }
0x66: {  	_ =	shalt  }
0x67: {  	_ =	shalt  }
0x68: {  	_ =	shalt  }
0x69: {  	_ =	shalt  }
0x6a: {  	_ =	shalt  }
0x6b: {  	_ =	shalt  }
0x6c: {  	_ =	shalt  }
0x6d: {  	_ =	shalt  }
0x6e: {  	_ =	shalt  }
0x6f: {  	_ =	shalt  }
0x70: {  	_ =	shalt  }
0x71: {  	_ =	shalt  }
0x72: {  	_ =	shalt  }
0x73: {  	_ =	shalt  }
0x74: {  	_ =	shalt  }
0x75: {  	_ =	shalt  }
0x76: {  	_ =	shalt  }
0x77: {  	_ =	shalt  }
0x78: {  	_ =	shalt  }
0x79: {  	_ =	shalt  }
0x7a: {  	_ =	shalt  }
0x7b: {  	_ =	shalt  }
0x7c: {  	_ =	shalt  }
0x7d: {  	_ =	shalt  }
0x7e: {  	_ =	shalt  }
0x7f: {  	_ =	shalt  }
0x80: {  	_ =	shalt  }
0x81: {  	_ =	shalt  }
0x82: {  	_ =	shalt  }
0x83: {  	_ =	shalt  }
0x84: {  	_ =	shalt  }
0x85: {  	_ =	shalt  }
0x86: {  	_ =	shalt  }
0x87: {  	_ =	shalt  }
.Lfunc_end0:
.L_simem_size_0:
called_computation_lowered:
.L_overlay_start_0:
0x88: {  	s2 =	sld [smem:$0x3FD9]  }
0x89: {  	s3 =	sld [smem:$0x3FFE];
	_ =	sdelay $0x1  }
0x8a: {  	s1 =	srdreg.scid  }
0x8b: {  	s0 =	sand.u32 $0x1, s1  }
0x8c: {  	s17 =	sshll.u32 s0, $0xA;
	s2 =	sadd.s32 s3, s2  }
0x8d: {  	s2 =	sadd.s32 s2, s17  }
0x8e: {  	[smem:$0x3FBC] =	sst s2  }
0x8f: {  	_ = 	snop  }
0x90: {  	s18 =	sld [smem:$0x3FD0];
	(tm) =	ssettm $0x1  }
0x91: {  	s19 =	sld [smem:$0x3FFB];
	_ =	sdelay $0x3  }
0x92: {  	_ =	strace s19  }
0x93: {  	s2 =	sld [smem:$0x3FFC];
	_ =	sdelay $0x3  }
0x94: {  	_ =	strace s2  }
0x95: {  	s2 =	sld [smem:$0x3FFD];
	_ =	sdelay $0x3  }
0x96: {  	_ =	strace s2  }
0x97: {  	_ =	strace $0x8FFFFFFF  }
0x98: {  	s20 =	sld [smem:$0x3FDB];
	_ =	sdelay $0x1  }
0x99: {  	s4 =	simm.s32 $_scs_section_size  }
0x9a: {  	s5 =	simm.s32 $_size__tile_overlayer_lowered;
	s6 =	simm.s32 $_tile_overlayer_lowered  }
0x9b: {  	s7 =	simm.s32 $0x1BFF;
	s21 =	sshll.u32 s6, $0x1;
	s4 =	sadd.s32 s4, s20  }
0x9c: {  	s22 =	simm.s32 $0x0;
	s5 =	sshll.u32 s5, $0x1;
	s6 =	sadd.s32 s21, s4  }
0x9d: {  	[timem:s22], [sflag:s7] =	dma.local [hbm:s6], s5  }
0x9e: {  	_ =	swait.ge [sflag:s7], s5  }
0x9f: {  	s5 =	ssub.s32 $0x0, s5;
	[sflag:s7] =	ssyncset.done $0x0  }
0xa0: {  	[sflag:s7] =	ssyncadd.s32 s5;
	_ =	sdelay $0x1  }
0xa1: {  	s23 =	simm.s32 $0x1B8B  }
0xa2: {  	_ =	swait.ge [sflag:s23], $0x1  }
0xa3: {  	[sflag:s23] =	ssyncset.done $0x0  }
0xa4: {  	[sflag:s23] =	ssyncadd.s32 $0xFFFFFFFF  }
0xa5: {  	s5 =	sld [smem:$0x0]  }
0xa6: {  	s6 =	sand.u32 $0xFFFFFFFE, s1  }
0xa7: {  	p0 =	sne.s32 s1, s6  }
0xa8: {  	s6 =	sshll.u32 @p0 s6, $0xE  }
0xa9: {  	s6 =	sadd.s32 @p0 $0x11B8D, s6;
	s7 =	sshll.u32 @p0 s5, $0x11  }
0xaa: {  	s6 =	sor.u32 @p0 s7, s6  }
0xab: {  	[sflag:s6] =	ssyncadd.remote.s32 @p0 $0x1;
	_ =	sdelay $0x1  }
0xac: {  	s6 =	simm.s32 @p0 $0x1B8D  }
0xad: {  	_ =	swait.eq @p0 [sflag:s6], $0x1  }
0xae: {  	[sflag:s6] =	ssyncadd.s32 @p0 $0xFFFFFFFF  }
0xaf: {  	s7 =	sshll.u32 @!p0 s1, $0xE  }
0xb0: {  	s7 =	sor.u32 @!p0 $0x4000, s7;
	s6 =	simm.s32 @!p0 $0x1B8D  }
0xb1: {  	s5 =	sshll.u32 @!p0 s5, $0x11;
	s7 =	sadd.s32 @!p0 $0x11B8D, s7;
	_ =	swait.eq @!p0 [sflag:s6], $0x1  }
0xb2: {  	s5 =	sor.u32 @!p0 s5, s7;
	[sflag:s6] =	ssyncadd.s32 @!p0 $0xFFFFFFFF  }
0xb3: {  	s25 =	simm.s32 $0x1B8E;
	s24 =	sld [smem:$0x3FFE];
	[sflag:s5] =	ssyncadd.remote.s32 @!p0 $0x1  }
0xb4: {  	s26 =	simm.s32 $execute0_lowered;
	[smem:$0x3FD2] =	sst s25  }
0xb5: {  	s6 =	sshll.u32 s26, $0x1;
	_ =	strace $0x80000049;
	[dreg:$0x1] =	wrdreg $0xFFFFFFFF  }
0xb6: {  	s28 =	simm.s32 $_size_execute0_lowered;
	s4 =	sadd.s32 s4, s6;
	[dreg:$0x0] =	wrdreg $0x0  }
0xb7: {  	s6 =	sshll.u32 s28, $0x1;
	[dreg:$0x2] =	wrdreg s4  }
0xb8: {  	[dreg:$0x3] =	wrdreg s6  }
0xb9: {  	[dreg:$0x4] =	wrdreg $0xC0  }
0xba: {  	_ =	task [dreg:s22], $0x5FFFF  }
0xbb: {  	[dreg:$0x1] =	wrdreg $0xFFFFFFFF  }
0xbc: {  	[dreg:$0x0] =	wrdreg $0x60  }
0xbd: {  	[dreg:$0x2] =	wrdreg s24  }
0xbe: {  	[dreg:$0x3] =	wrdreg s18  }
0xbf: {  	[dreg:$0x4] =	wrdreg $0x0  }
0xc0: {  	[dreg:$0x5] =	wrdreg $0x9  }
0xc1: {  	_ =	task.clear_ibuf [dreg:s22], $0x6FFFF;
	_ =	strace $0x90000049  }
0xc2: {  	s29 =	simm.s32 $0x9;
	_ =	strace $0x8000004B  }
0xc3: {  	_ =	swait.ge [sflag:s29], $0x1  }
0xc4: {  	[sflag:s29] =	ssyncadd.s32 $0xFFFFFFFF  }
0xc5: {  	_ =	strace $0x9000004B  }
0xc6: {  	_ =	sfence  }
0xc7: {  	s30 =	sld [smem:$0x0];
	_ =	sdelay $0x2  }
0xc8: {  	s31 =	sshll.u32 s1, $0xD;
	s1 =	sshrl.u32 s1, $0x2  }
0xc9: {  	s4 =	sand.u32 $0x4000, s31;
	s1 =	sadd.s32 s1, s30  }
0xca: {  	s0 =	sor.u32 s4, s0;
	s1 =	sshll.u32 s1, $0x11  }
0xcb: {  	s0 =	sor.u32 s1, s0  }
0xcc: {  	s0 =	sadd.s32 $0x8F2B, s0  }
0xcd: {  	[sflag:s0] =	ssyncadd.remote.s32 $0x1  }
0xce: {  	_ =	sfence.sel $0xFFFF  }
0xcf: {  	[dreg:$0x0] =	wrdreg $0xFFFFFFFF;
	(pc) =	sbr.abs _section_cstart, $3  }
0xd0: {  	[dreg:$0x1] =	wrdreg $0xFFFFFFFF  }
0xd1: {  	_ =	task.clear_ibuf [dreg:s22], $0x2FFFF;
	_ =	strace $0x9FFFFFFF  }
0xd2: {  	(tm) =	ssettm $0x7FFFFFFF  }
0xd3: {  	_ =	shalt  }
tec
execute0_lowered:
.L_overlay_start_1:
0x0: {  	(tag) =	ssettag $0x1  }
0x1: {  	s7 =	rddreg [dreg:$0x0]  }
0x2: {  	s2 =	rddreg [dreg:$0x2];
	s3 =	simm.s32 $0x0;
	s6 =	srdreg.scid  }
0x3: {  	s0 =	stileid.u32;
	[smem:$0x7FF] =	sst s3;
	s5 =	sadd.s32 $0x3400, s7  }
0x4: {  	s10 =	sand.u32 $0x1, s6;
	s6 =	sadd.s32 $0x8F400, s7;
	s9 =	smul.u32 $0x50000, s0  }
0x5: {  	s19 =	sadd.s32 $0x8FC00, s7;
	s13 =	smul.u32 $0x14000, s0;
	s26 =	sshll.u32 s0, $0x1  }
0x6: {  	_ =	strace $0x8000004A;
	s8 =	ssub.s32 $0x2, s10;
	s29 =	sor.u32 s10, s26  }
0x7: {  	s22 =	smul.u32 $0x140000, s10;
	s25 =	sshrl.u32 s8, $0x1;
	s28 =	sshrl.u32 s9, $0x2  }
0x8: {  	s14 =	sadd.s32 $0x4000, s13;
	s17 =	sadd.s32 $0x8000, s13;
	s9 =	smul.u32 $0x2800, s29  }
0x9: {  	s18 =	sadd.s32 $0xC000, s13;
	s21 =	sadd.s32 $0x10000, s13;
	s20 =	ssub.s32 s8, s25  }
0xa: {  	s7 =	sadd.s32 s28, s2;
	s8 =	sadd.s32 s14, s2;
	s10 =	sadd.s32 s17, s2  }
0xb: {  	s11 =	sadd.s32 s18, s2;
	s12 =	sadd.s32 s21, s2;
	s16 =	sadd.s32 s13, s22  }
0xc: {  	s14 =	sadd.s32 s22, s14;
	s17 =	sadd.s32 s22, s17;
	s18 =	sadd.s32 s22, s18  }
0xd: {  	s21 =	sadd.s32 s22, s21;
	s22 =	simm.s32 $0x3;
	s25 =	simm.s32 $0x0  }
0xe: {  	s15 =	sshrl.u32 s9, $0x3;
	s30 =	sshrl.u32 s16, $0x3;
	s31 =	sshrl.u32 s14, $0x3  }
0xf: {  	s17 =	sshrl.u32 s17, $0x3;
	s18 =	sshrl.u32 s18, $0x3;
	s21 =	sshrl.u32 s21, $0x3  }
0x10: {  	s20 =	smax.u32 s20, $0x1;
	s13 =	sadd.s32 s5, s15;
	s15 =	sadd.s32 s19, s30  }
0x11: {  	s16 =	sadd.s32 s19, s31;
	s17 =	sadd.s32 s19, s17;
	s18 =	sadd.s32 s19, s18  }
0x12: {  	s19 =	sadd.s32 s19, s21;
	s21 =	simm.s32 $0x14100;
	s14 =	sadd.s32 $0x10, s13  }
.LBB2_1:
0x13: {  	s0 =	rddreg [dreg:$0x1]  }
0x14: {  	[tilespmem:s21], [sflag:$0x3] =	stream.linear.gather [hbm4b:s0+s3], $0x4000, $0x38;
	[tilespmem:$0x18100] =	vst v63  }
0x15: {  	_ =	swait.ge [sflag:s22], $0x4000  }
0x16: {  	[sflag:s22] =	ssyncset.done $0x0  }
0x17: {  	[sflag:s22] =	ssyncadd.s32 $0xFFFFC000  }
0x18: {  	[spmem:s7] =	stream.linear.scatter [tilespmem:s21], [sflag:$0x3], $0x4000, $0x38;
	[tilespmem:$0x18100] =	vst v63  }
0x19: {  	_ =	swait.ge [sflag:s22], $0x4000  }
0x1a: {  	[sflag:s22] =	ssyncset.done $0x0  }
0x1b: {  	[sflag:s22] =	ssyncadd.s32 $0xFFFFC000  }
0x1c: {  	[spmem:s8] =	stream.linear.scatter [tilespmem:s21], [sflag:$0x3], $0x4000, $0x38;
	[tilespmem:$0x18100] =	vst v63  }
0x1d: {  	_ =	swait.ge [sflag:s22], $0x4000  }
0x1e: {  	[sflag:s22] =	ssyncset.done $0x0  }
0x1f: {  	[sflag:s22] =	ssyncadd.s32 $0xFFFFC000  }
0x20: {  	[spmem:s10] =	stream.linear.scatter [tilespmem:s21], [sflag:$0x3], $0x4000, $0x38;
	[tilespmem:$0x18100] =	vst v63  }
0x21: {  	_ =	swait.ge [sflag:s22], $0x4000  }
0x22: {  	[sflag:s22] =	ssyncset.done $0x0  }
0x23: {  	[sflag:s22] =	ssyncadd.s32 $0xFFFFC000  }
0x24: {  	[spmem:s11] =	stream.linear.scatter [tilespmem:s21], [sflag:$0x3], $0x4000, $0x38;
	[tilespmem:$0x18100] =	vst v63  }
0x25: {  	_ =	swait.ge [sflag:s22], $0x4000  }
0x26: {  	[sflag:s22] =	ssyncset.done $0x0  }
0x27: {  	[sflag:s22] =	ssyncadd.s32 $0xFFFFC000  }
0x28: {  	[spmem:s12] =	stream.linear.scatter [tilespmem:s21], [sflag:$0x3], $0x4000, $0x38;
	[tilespmem:$0x18100] =	vst v63  }
0x29: {  	_ =	swait.ge [sflag:s22], $0x4000  }
0x2a: {  	[sflag:s22] =	ssyncset.done $0x0  }
0x2b: {  	[sflag:s22] =	ssyncadd.s32 $0xFFFFC000  }
0x2c: {  	[tilespmem:s21], [sflag:$0x3] =	stream.linear.gather [hbm4b:s6+s3], $0x4000, $0x38;
	[tilespmem:$0x18100] =	vst v63  }
0x2d: {  	_ =	swait.ge [sflag:s22], $0x4000  }
0x2e: {  	[sflag:s22] =	ssyncset.done $0x0  }
0x2f: {  	[sflag:s22] =	ssyncadd.s32 $0xFFFFC000  }
0x30: {  	s24 =	simm.s32 $0x14000;
	[bflag:$0x0] =	sbarrier.arrive $0xFFFF  }
0x31: {  	[tilespmem:s24], [sflag:$0x1] =	stream.linear.gather [hbm4b:s13+s3], $0x80, $0x38;
	[tilespmem:$0x18100] =	vst v63  }
0x32: {  	s26 =	simm.s32 $0x14080  }
0x33: {  	[tilespmem:s26], [sflag:$0x2] =	stream.linear.gather [hbm4b:s14+s3], $0x80, $0x38;
	[tilespmem:$0x18100] =	vst v63  }
0x34: {  	s26 =	sand.u32 $0x1, s3  }
0x35: {  	p0 =	seq.s32 s26, $0x1  }
0x36: {  	s26 =	simm.s32 $0x100;
	p1 =	por @p0 $0x0, $0x0;
	s28 =	simm.s32 @p0 $0x2  }
0x37: {  	s30 =	simm.s32 @!p0 $0x14000;
	s29 =	simm.s32 @p0 $0x80;
	s31 =	simm.s32 @p0 $0x14100  }
0x38: {  	s4 =	simm.s32 @p0 $0x3;
	_ =	swait.ge @p0 [sflag:s28], $0x80;
	p2 =	por p1, !p0  }
0x39: {  	p1 =	por @!p0 $0x0, $0x0;
	[sflag:s28] =	ssyncset.done @p0 $0x0;
	s0 =	sand.u32 @!p2 $0x7C00, s26  }
0x3a: {  	s1 =	sand.u32 @!p2 $0x380, s26;
	p1 =	por p1, p0;
	s0 =	sadd.s32 @!p2 s9, s0  }
0x3b: {  	[sflag:s28] =	ssyncadd.s32 @p0 $0xFFFFFF80;
	s28 =	simm.s32 @p0 $0x14080;
	s0 =	sor.u32 @!p2 s1, s0  }
0x3c: {  	[spmem:s2] =	stream.indirect.scatter.add.f32 @p0 [tilespmem:s31], [sflag:$0x3], $0x80, s28, s29, $0xb8;
	[tilespmem:$0x18100] =	vst v63  }
0x3d: {  	s1 =	simm.s32 @!p2 $0x14080;
	s28 =	simm.s32 @!p2 $0x0;
	_ =	swait.ge @p0 [sflag:s4], $0x4000  }
0x3e: {  	s29 =	simm.s32 @!p0 $0x1;
	s0 =	sshrl.u32 @!p2 s0, $0x3;
	[sflag:s4] =	ssyncset.done @p0 $0x0  }
0x3f: {  	s31 =	simm.s32 @!p1 $0x14000;
	s0 =	sadd.s32 @!p2 s5, s0;
	[sflag:s4] =	ssyncadd.s32 @p0 $0xFFFFC000  }
0x40: {  	[tilespmem:s1], [sflag:$0x2] =	stream.linear.gather @!p2 [hbm4b:s0+s28], $0x80, $0x38;
	[tilespmem:$0x18100] =	vst v63  }
0x41: {  	s4 =	sand.u32 @!p1 $0x7C00, s26;
	s0 =	sand.u32 @!p1 $0x300, s26;
	s1 =	simm.s32 @!p0 $0x80  }
0x42: {  	s4 =	sadd.s32 @!p1 s9, s4;
	s26 =	simm.s32 @!p0 $0x14100;
	_ =	swait.ge @!p0 [sflag:s29], $0x80  }
0x43: {  	s28 =	simm.s32 $0x0;
	s0 =	sor.u32 @!p1 s0, s4;
	[sflag:s29] =	ssyncset.done @!p0 $0x0  }
0x44: {  	s0 =	sshrl.u32 @!p1 s0, $0x3;
	[sflag:s29] =	ssyncadd.s32 @!p0 $0xFFFFFF80;
	s29 =	simm.s32 @!p0 $0x3  }
0x45: {  	[spmem:s2] =	stream.indirect.scatter.add.f32 @!p0 [tilespmem:s26], [sflag:$0x3], $0x80, s30, s1, $0xb8;
	[tilespmem:$0x18100] =	vst v63  }
0x46: {  	s26 =	simm.s32 $0x180;
	s30 =	sadd.s32 @!p1 s5, s0;
	_ =	swait.ge @!p0 [sflag:s29], $0x4000  }
.LBB2_2:
0x47: {  	[sflag:s29] =	ssyncset.done @!p0 $0x0  }
0x48: {  	s28 =	sadd.s32 $0x1, s28;
	s0 =	smov.u32 s26;
	s26 =	sadd.s32 $0x80, s26  }
0x49: {  	s1 =	simm.s32 @!p1 $0x0;
	p2 =	sne.s32 s26, $0x2880;
	[sflag:s29] =	ssyncadd.s32 @!p0 $0xFFFFC000  }
0x4a: {  	[tilespmem:s31], [sflag:$0x1] =	stream.linear.gather @!p1 [hbm4b:s30+s1], $0x80, $0x38;
	[tilespmem:$0x18100] =	vst v63  }
0x4b: {  	s1 =	sand.u32 $0x1, s28  }
0x4c: {  	p0 =	seq.s32 s1, $0x1  }
0x4d: {  	p1 =	sgt.u32 @p0 s28, $0x4C;
	s1 =	simm.s32 @p0 $0x2;
	s4 =	simm.s32 @!p0 $0x14000  }
0x4e: {  	s29 =	simm.s32 @p0 $0x80;
	p3 =	por p1, !p0;
	_ =	swait.ge @p0 [sflag:s1], $0x80  }
0x4f: {  	s30 =	simm.s32 @p0 $0x14100;
	s31 =	sand.u32 @!p3 $0x7C00, s0;
	[sflag:s1] =	ssyncset.done @p0 $0x0  }
0x50: {  	s31 =	sadd.s32 @!p3 s9, s31;
	[sflag:s1] =	ssyncadd.s32 @p0 $0xFFFFFF80;
	s1 =	simm.s32 @p0 $0x14080  }
0x51: {  	s23 =	simm.s32 @p0 $0x3;
	p1 =	sgt.u32 @!p0 s28, $0x4C;
	s24 =	sand.u32 @!p3 $0x380, s0  }
0x52: {  	p1 =	por p1, p0;
	s24 =	sor.u32 @!p3 s24, s31;
	s31 =	simm.s32 @!p3 $0x14080  }
0x53: {  	[spmem:s2] =	stream.indirect.scatter.add.f32 @p0 [tilespmem:s30], [sflag:$0x3], $0x80, s1, s29, $0xb8;
	[tilespmem:$0x18100] =	vst v63  }
0x54: {  	s1 =	sshrl.u32 @!p3 s24, $0x3;
	s24 =	simm.s32 @!p3 $0x0;
	_ =	swait.ge @p0 [sflag:s23], $0x4000  }
0x55: {  	s29 =	simm.s32 @!p0 $0x1;
	s1 =	sadd.s32 @!p3 s5, s1;
	[sflag:s23] =	ssyncset.done @p0 $0x0  }
0x56: {  	[sflag:s23] =	ssyncadd.s32 @p0 $0xFFFFC000;
	s23 =	sand.u32 @!p1 $0x7C00, s0;
	s0 =	sand.u32 @!p1 $0x300, s0  }
0x57: {  	[tilespmem:s31], [sflag:$0x2] =	stream.linear.gather @!p3 [hbm4b:s1+s24], $0x80, $0x38;
	[tilespmem:$0x18100] =	vst v63  }
0x58: {  	s1 =	simm.s32 @!p0 $0x80  }
.Ltmp0:
0x59: {  	s23 =	sadd.s32 @!p1 s9, s23;
	_ =	swait.ge @!p0 [sflag:s29], $0x80;
	(pc) =	sbr.rel @p2 .LBB2_2-.Ltmp0, $4  }
0x5a: {  	s24 =	simm.s32 @!p0 $0x14100;
	s0 =	sor.u32 @!p1 s0, s23;
	[sflag:s29] =	ssyncset.done @!p0 $0x0  }
0x5b: {  	s0 =	sshrl.u32 @!p1 s0, $0x3;
	[sflag:s29] =	ssyncadd.s32 @!p0 $0xFFFFFF80;
	s29 =	simm.s32 @!p0 $0x3  }
0x5c: {  	[spmem:s2] =	stream.indirect.scatter.add.f32 @!p0 [tilespmem:s24], [sflag:$0x3], $0x80, s4, s1, $0xb8;
	[tilespmem:$0x18100] =	vst v63  }
0x5d: {  	s31 =	simm.s32 @!p1 $0x14000;
	s30 =	sadd.s32 @!p1 s5, s0;
	_ =	swait.ge @!p0 [sflag:s29], $0x4000  }
0x5e: {  	[sflag:s29] =	ssyncset.done @!p0 $0x0  }
0x5f: {  	s0 =	simm.s32 @!p1 $0x0;
	[sflag:s29] =	ssyncadd.s32 @!p0 $0xFFFFC000  }
0x60: {  	[tilespmem:s31], [sflag:$0x1] =	stream.linear.gather @!p1 [hbm4b:s30+s0], $0x80, $0x38;
	[tilespmem:$0x18100] =	vst v63  }
0x61: {  	[bflag:$0x0] =	sbarrier.arrive $0xFFFF  }
0x62: {  	[tilespmem:s21], [sflag:$0x3] =	stream.linear.gather [spmem:s7], $0x4000, $0x38;
	[tilespmem:$0x18100] =	vst v63  }
0x63: {  	_ =	swait.ge [sflag:s22], $0x4000  }
0x64: {  	[sflag:s22] =	ssyncset.done $0x0  }
0x65: {  	[sflag:s22] =	ssyncadd.s32 $0xFFFFC000  }
0x66: {  	[hbm4b:s15+s3] =	stream.linear.scatter [tilespmem:s21], [sflag:$0x3], $0x4000, $0x38;
	[tilespmem:$0x18100] =	vst v63  }
0x67: {  	_ =	swait.ge [sflag:s22], $0x4000  }
0x68: {  	[sflag:s22] =	ssyncset.done $0x0  }
0x69: {  	[sflag:s22] =	ssyncadd.s32 $0xFFFFC000  }
0x6a: {  	[tilespmem:s21], [sflag:$0x3] =	stream.linear.gather [spmem:s8], $0x4000, $0x38;
	[tilespmem:$0x18100] =	vst v63  }
0x6b: {  	_ =	swait.ge [sflag:s22], $0x4000  }
0x6c: {  	[sflag:s22] =	ssyncset.done $0x0  }
0x6d: {  	[sflag:s22] =	ssyncadd.s32 $0xFFFFC000  }
0x6e: {  	[hbm4b:s16+s3] =	stream.linear.scatter [tilespmem:s21], [sflag:$0x3], $0x4000, $0x38;
	[tilespmem:$0x18100] =	vst v63  }
0x6f: {  	_ =	swait.ge [sflag:s22], $0x4000  }
0x70: {  	[sflag:s22] =	ssyncset.done $0x0  }
0x71: {  	[sflag:s22] =	ssyncadd.s32 $0xFFFFC000  }
0x72: {  	[tilespmem:s21], [sflag:$0x3] =	stream.linear.gather [spmem:s10], $0x4000, $0x38;
	[tilespmem:$0x18100] =	vst v63  }
0x73: {  	_ =	swait.ge [sflag:s22], $0x4000  }
0x74: {  	[sflag:s22] =	ssyncset.done $0x0  }
0x75: {  	[sflag:s22] =	ssyncadd.s32 $0xFFFFC000  }
0x76: {  	[hbm4b:s17+s3] =	stream.linear.scatter [tilespmem:s21], [sflag:$0x3], $0x4000, $0x38;
	[tilespmem:$0x18100] =	vst v63  }
0x77: {  	_ =	swait.ge [sflag:s22], $0x4000  }
0x78: {  	[sflag:s22] =	ssyncset.done $0x0  }
0x79: {  	[sflag:s22] =	ssyncadd.s32 $0xFFFFC000  }
0x7a: {  	[tilespmem:s21], [sflag:$0x3] =	stream.linear.gather [spmem:s11], $0x4000, $0x38;
	[tilespmem:$0x18100] =	vst v63  }
0x7b: {  	_ =	swait.ge [sflag:s22], $0x4000  }
0x7c: {  	[sflag:s22] =	ssyncset.done $0x0  }
0x7d: {  	[sflag:s22] =	ssyncadd.s32 $0xFFFFC000  }
0x7e: {  	[hbm4b:s18+s3] =	stream.linear.scatter [tilespmem:s21], [sflag:$0x3], $0x4000, $0x38;
	[tilespmem:$0x18100] =	vst v63  }
0x7f: {  	_ =	swait.ge [sflag:s22], $0x4000  }
0x80: {  	[sflag:s22] =	ssyncset.done $0x0  }
0x81: {  	[sflag:s22] =	ssyncadd.s32 $0xFFFFC000  }
0x82: {  	[tilespmem:s21], [sflag:$0x3] =	stream.linear.gather [spmem:s12], $0x4000, $0x38;
	[tilespmem:$0x18100] =	vst v63  }
0x83: {  	s25 =	sadd.s32 $0x1, s25;
	_ =	swait.ge [sflag:s22], $0x4000  }
0x84: {  	p0 =	sne.s32 s25, s20;
	[sflag:s22] =	ssyncset.done $0x0  }
.Ltmp1:
0x85: {  	[sflag:s22] =	ssyncadd.s32 $0xFFFFC000;
	(pc) =	sbr.rel @p0 .LBB2_1-.Ltmp1, $4  }
0x86: {  	[hbm4b:s19+s3] =	stream.linear.scatter [tilespmem:s21], [sflag:$0x3], $0x4000, $0x38;
	[tilespmem:$0x18100] =	vst v63  }
0x87: {  	_ =	swait.ge [sflag:s22], $0x4000  }
0x88: {  	[sflag:s22] =	ssyncset.done $0x0  }
0x89: {  	[sflag:s22] =	ssyncadd.s32 $0xFFFFC000  }
0x8a: {  	_ =	sfence.sel $0x180000  }
0x8b: {  	[bflag:$0x0] =	sbarrier.arrive $0xFFFF  }
0x8c: {  	_ =	strace $0x9000004A  }
0x8d: {  	s0 =	stileid.u32;
	[bflag:$0x2] =	sbarrier.arrive $0xFFFF  }
0x8e: {  	p0 =	sne.s32 s0, $0x0;
	s0 =	rddreg [dreg:$0x3]  }
0x8f: {  	s0 =	sadd.s32 @!p0 $0x100000, s0  }
0x90: {  	[sflag:s0] =	ssyncadd.tile.s32 @!p0 $0x1;
	_ =	shalt  }
.Lfunc_end2:
_tile_overlayer_lowered:
.L_overlay_start_2:
0x91: {  	(tag) =	ssettag $0x2  }
0x92: {  	s0 =	rddreg [dreg:$0x0];
	s2 =	stileid.u32  }
0x93: {  	s1 =	rddreg [dreg:$0x1];
	p0 =	sne.s32 s2, $0x0  }
0x94: {  	s3 =	rddreg [dreg:$0x2];
	[bflag:$0x3] =	sbarrier.arrive $0xFFFF;
	s2 =	simm.s32 @!p0 $0x1C03  }
0x95: {  	[timem:s3], [sflag:s2] =	dma.local @!p0 [hbm:s0], s1  }
0x96: {  	s0 =	simm.s32 @!p0 $0x3  }
0x97: {  	_ =	swait.ge @!p0 [sflag:s0], s1  }
0x98: {  	s1 =	ssub.s32 @!p0 $0x0, s1;
	[sflag:s0] =	ssyncset.done @!p0 $0x0  }
0x99: {  	[sflag:s0] =	ssyncadd.s32 @!p0 s1  }
0x9a: {  	[bflag:$0x3] =	sbarrier.arrive $0xFFFF  }
0x9b: {  	_ =	shalt  }

</sc_bundles>
